<compile_context>
chip_gen: v7x
topology: tpu7x:2x2x1
jax: 0.10.2.dev20260603
libtpu: 0.0.44.dev20260713+nightly
codegen_flags: <defaults>
</compile_context>

<pallas_src>
import functools

import jax
import jax.numpy as jnp
from jax import lax
from jax.experimental import pallas as pl
from jax.experimental.pallas import tpu as pltpu
from jax.experimental.pallas import tpu_sc as plsc

N = 10000
D_IN = 128
D_HID = 16
D_OUT = 7

NC = 2
NS = 16
NW = NC * NS

NP = 10240
EB = 128
E_ROWS = 2500
RWB = E_ROWS // NW
RW_MAX = RWB + 1
ROWS_PER_TILE = NP // NS
TROWS = N // NS
SROWS = 313
NO = NW * SROWS

_f32 = jnp.float32

_mesh = plsc.VectorSubcoreMesh(
    core_axis_name="c", subcore_axis_name="s",
    num_cores=NC, num_subcores=NS)

_sc_params = pltpu.CompilerParams(use_tc_tiling_on_sc=False,
                                  needs_layout_passes=False)


def _stage_indices(ei_hbm, idx_s, idx_d, wid):
  extra = wid < (E_ROWS - NW * RWB)
  nrows = RWB + extra.astype(jnp.int32)
  pltpu.sync_copy(ei_hbm.at[0, pl.ds(wid * RWB, RWB)],
                  idx_s.at[pl.ds(0, RWB)])
  pltpu.sync_copy(ei_hbm.at[1, pl.ds(wid * RWB, RWB)],
                  idx_d.at[pl.ds(0, RWB)])

  @pl.when(extra)
  def _():
    pltpu.sync_copy(ei_hbm.at[0, NW * RWB + wid], idx_s.at[RWB])
    pltpu.sync_copy(ei_hbm.at[1, NW * RWB + wid], idx_d.at[RWB])

  return nrows


def _edge_pipeline(nrows, idx_s, idx_d, tbls, acc, cnta, ones_v, rows,
                   semg, sems, semc, with_counts):

  def fire_gather(j, slot):
    pltpu.async_copy(tbls.at[idx_s.at[j]], rows.at[slot], semg)

  def wait_gather():
    pltpu.make_async_copy(tbls.at[idx_s.at[0]], rows.at[0], semg).wait()

  def fire_scatter(j, slot):
    pltpu.async_copy(rows.at[slot], acc.at[idx_d.at[j]], sems, add=True)
    if with_counts:
      pltpu.async_copy(ones_v, cnta.at[idx_d.at[j]], semc, add=True)

  def wait_scatter():
    pltpu.make_async_copy(rows.at[0], acc.at[idx_d.at[0]], sems).wait()
    if with_counts:
      pltpu.make_async_copy(ones_v, cnta.at[idx_d.at[0]], semc).wait()

  fire_gather(0, 0)

  def step(j, _):
    slot = lax.rem(j, 2)
    wait_gather()

    @pl.when(j >= 1)
    def _():
      wait_scatter()

    @pl.when(j + 1 < nrows)
    def _():
      fire_gather(j + 1, 1 - slot)

    fire_scatter(j, slot)
    return 0

  lax.fori_loop(0, nrows, step, 0)
  wait_scatter()



_b_scratch = [
    pltpu.VMEM((RW_MAX, EB), jnp.int32),
    pltpu.VMEM((RW_MAX, EB), jnp.int32),
    pltpu.VMEM((2, EB, D_HID), _f32),
    pltpu.VMEM((EB, D_HID), _f32),
    pltpu.VMEM_SHARED((NP, D_HID), _f32),
    pltpu.VMEM_SHARED((NP, D_HID), _f32),
    pltpu.VMEM_SHARED((N, D_HID), _f32),
    pltpu.SemaphoreType.DMA,
    pltpu.SemaphoreType.DMA,
    pltpu.SemaphoreType.DMA,
]


@functools.partial(
    pl.kernel,
    out_type=[jax.ShapeDtypeStruct((NC, NP, D_HID), _f32),
              jax.ShapeDtypeStruct((NC, NP, D_HID), _f32)],
    mesh=_mesh, scratch_types=_b_scratch, compiler_params=_sc_params)
def _sc_layer1(ei_hbm, y1_hbm, z2_hbm, ones_hbm, agg_hbm, cnt_hbm,
               idx_s, idx_d, rows, ones_v, acc, cnta, tbls,
               semg, sems, semc):
  cid = lax.axis_index("c")
  sid = lax.axis_index("s")
  wid = cid * NS + sid
  r0 = sid * ROWS_PER_TILE
  t0 = sid * TROWS

  pltpu.sync_copy(y1_hbm.at[pl.ds(t0, TROWS), pl.ds(0, D_HID)],
                  tbls.at[pl.ds(t0, TROWS)])
  pltpu.sync_copy(z2_hbm.at[pl.ds(r0, ROWS_PER_TILE)],
                  acc.at[pl.ds(r0, ROWS_PER_TILE)])
  pltpu.sync_copy(z2_hbm.at[pl.ds(r0, ROWS_PER_TILE)],
                  cnta.at[pl.ds(r0, ROWS_PER_TILE)])
  pltpu.sync_copy(ones_hbm, ones_v)
  nrows = _stage_indices(ei_hbm, idx_s, idx_d, wid)
  plsc.subcore_barrier()

  _edge_pipeline(nrows, idx_s, idx_d, tbls, acc, cnta, ones_v, rows,
                 semg, sems, semc, True)
  plsc.subcore_barrier()

  pltpu.sync_copy(acc.at[pl.ds(r0, ROWS_PER_TILE)],
                  agg_hbm.at[cid, pl.ds(r0, ROWS_PER_TILE)])
  pltpu.sync_copy(cnta.at[pl.ds(r0, ROWS_PER_TILE)],
                  cnt_hbm.at[cid, pl.ds(r0, ROWS_PER_TILE)])



_c_scratch = [
    pltpu.VMEM((RW_MAX, EB), jnp.int32),
    pltpu.VMEM((RW_MAX, EB), jnp.int32),
    pltpu.VMEM((2, EB, D_HID), _f32),
    pltpu.VMEM((TROWS, D_HID), _f32),
    pltpu.VMEM((TROWS, D_HID), _f32),
    pltpu.VMEM((TROWS, D_HID), _f32),
    pltpu.VMEM((TROWS, D_HID), _f32),
    pltpu.VMEM((TROWS, D_HID), _f32),
    pltpu.VMEM((TROWS, 2 * D_HID), _f32),
    pltpu.VMEM((2 * D_HID * D_HID,), _f32),
    pltpu.VMEM((D_HID,), _f32),
    pltpu.VMEM_SHARED((NP, D_HID), _f32),
    pltpu.VMEM_SHARED((N, D_HID), _f32),
    pltpu.SemaphoreType.DMA,
    pltpu.SemaphoreType.DMA,
    pltpu.SemaphoreType.DMA,
]


@functools.partial(
    pl.kernel,
    out_type=[jax.ShapeDtypeStruct((NC, NP, D_HID), _f32),
              jax.ShapeDtypeStruct((NP, 2 * D_HID), _f32)],
    mesh=_mesh, scratch_types=_c_scratch, compiler_params=_sc_params)
def _sc_mid(ei_hbm, agg1_hbm, cnt_hbm, y1_hbm, w2_hbm, b1_hbm, z2_hbm,
            agg_hbm, r2iv_hbm,
            idx_s, idx_d, rows, a0v, a1v, c0v, c1v, r1v, r2ivv,
            w2v, b1v, acc, tbls, semg, sems, semc):
  cid = lax.axis_index("c")
  sid = lax.axis_index("s")
  wid = cid * NS + sid
  r0 = sid * ROWS_PER_TILE
  t0 = sid * TROWS

  pltpu.sync_copy(agg1_hbm.at[0, pl.ds(t0, TROWS)], a0v)
  pltpu.sync_copy(agg1_hbm.at[1, pl.ds(t0, TROWS)], a1v)
  pltpu.sync_copy(cnt_hbm.at[0, pl.ds(t0, TROWS)], c0v)
  pltpu.sync_copy(cnt_hbm.at[1, pl.ds(t0, TROWS)], c1v)
  pltpu.sync_copy(y1_hbm.at[pl.ds(t0, TROWS), pl.ds(D_HID, D_HID)], r1v)
  pltpu.sync_copy(w2_hbm, w2v)
  pltpu.sync_copy(b1_hbm, b1v)
  pltpu.sync_copy(z2_hbm.at[pl.ds(r0, ROWS_PER_TILE)],
                  acc.at[pl.ds(r0, ROWS_PER_TILE)])
  nrows = _stage_indices(ei_hbm, idx_s, idx_d, wid)

  b1row = b1v[...]
  wl2 = [w2v[pl.ds(k * D_HID, D_HID)] for k in range(D_HID)]
  wr2 = [w2v[pl.ds((D_HID + k) * D_HID, D_HID)] for k in range(D_HID)]

  def dense_row(r, _):
    cnt = c0v[r, :] + c1v[r, :]
    iv = 1.0 / jnp.maximum(cnt, 1.0)
    h = jnp.maximum((a0v[r, :] + a1v[r, :]) * iv + b1row + r1v[r, :], 0.0)
    a0v[r, :] = h
    r2ivv[r, pl.ds(D_HID, D_HID)] = iv
    return 0

  lax.fori_loop(0, TROWS, dense_row, 0)

  def proj_row(r, _):
    hrow = a0v[r, :]
    p2 = jnp.zeros((D_HID,), _f32)
    r2 = jnp.zeros((D_HID,), _f32)
    for k in range(D_HID):
      s = hrow[k]
      p2 = p2 + s * wl2[k]
      r2 = r2 + s * wr2[k]
    c0v[r, :] = p2
    r2ivv[r, pl.ds(0, D_HID)] = r2
    return 0

  lax.fori_loop(0, TROWS, proj_row, 0)

  pltpu.sync_copy(c0v, tbls.at[pl.ds(t0, TROWS)])

  @pl.when(cid == 0)
  def _():
    pltpu.sync_copy(r2ivv, r2iv_hbm.at[pl.ds(t0, TROWS)])

  plsc.subcore_barrier()

  _edge_pipeline(nrows, idx_s, idx_d, tbls, acc, None, None, rows,
                 semg, sems, semc, False)
  plsc.subcore_barrier()

  pltpu.sync_copy(acc.at[pl.ds(r0, ROWS_PER_TILE)],
                  agg_hbm.at[cid, pl.ds(r0, ROWS_PER_TILE)])



_e_scratch = [
    pltpu.VMEM((SROWS, D_HID), _f32),
    pltpu.VMEM((SROWS, D_HID), _f32),
    pltpu.VMEM((SROWS, 2 * D_HID), _f32),
    pltpu.VMEM((D_HID,), _f32),
    pltpu.VMEM((SROWS, D_HID), _f32),
]

_LN2 = 0.6931471805599453


@functools.partial(
    pl.kernel,
    out_type=[jax.ShapeDtypeStruct((NO, D_HID), _f32)],
    mesh=_mesh, scratch_types=_e_scratch, compiler_params=_sc_params)
def _sc_out(agg_hbm, r2iv_hbm, b2_hbm, o_hbm, a0v, a1v, r2ivv, b2v, ov):
  cid = lax.axis_index("c")
  sid = lax.axis_index("s")
  wid = cid * NS + sid
  t0 = wid * SROWS

  pltpu.sync_copy(agg_hbm.at[0, pl.ds(t0, SROWS)], a0v)
  pltpu.sync_copy(agg_hbm.at[1, pl.ds(t0, SROWS)], a1v)
  pltpu.sync_copy(r2iv_hbm.at[pl.ds(t0, SROWS)], r2ivv)
  pltpu.sync_copy(b2_hbm, b2v)

  b2row = b2v[...]
  mask = lax.iota(jnp.int32, D_HID) < D_OUT

  def row(r, _):
    iv = r2ivv[r, pl.ds(D_HID, D_HID)]
    z = (a0v[r, :] + a1v[r, :]) * iv + b2row + r2ivv[r, pl.ds(0, D_HID)]
    m = jnp.max(jnp.where(mask, z, -3.0e38))
    e = jnp.where(mask, jnp.exp(z - m), 0.0)
    s = jnp.sum(e)
    sv = jnp.full((D_HID,), s, _f32)
    bits = plsc.bitcast(sv, jnp.int32)
    ex = ((bits >> 23) & 0xFF) - 127
    mant = plsc.bitcast((bits & 0x7FFFFF) | 0x3F800000, _f32)
    w = (mant - 1.0) / (mant + 1.0)
    w2 = w * w
    poly = 1.0 + w2 * (1.0 / 3.0 + w2 * (1.0 / 5.0 + w2 * (1.0 / 7.0
                + w2 * (1.0 / 9.0))))
    lse = ex.astype(_f32) * _LN2 + 2.0 * w * poly
    ov[r, :] = z - m - lse
    return 0

  lax.fori_loop(0, SROWS, row, 0)
  pltpu.sync_copy(ov, o_hbm.at[pl.ds(t0, SROWS)])



def _tc_proj_kernel(x_ref, w_ref, y_ref):
  y_ref[...] = jnp.dot(x_ref[...], w_ref[...],
                       preferred_element_type=_f32)


_BN = 1000


def kernel(x, edge_index, W_l1, b1, W_r1, W_l2, b2, W_r2):
  ei3 = edge_index.reshape(2, E_ROWS, EB)
  z2 = jnp.zeros((NP, D_HID), _f32)
  ones = jnp.ones((EB, D_HID), _f32)

  w1 = jnp.concatenate(
      [W_l1, W_r1, jnp.zeros((D_IN, D_IN - 2 * D_HID), _f32)], axis=1)
  y1 = pl.pallas_call(
      _tc_proj_kernel,
      grid=(N // _BN,),
      in_specs=[
          pl.BlockSpec((_BN, D_IN), lambda i: (i, 0)),
          pl.BlockSpec((D_IN, D_IN), lambda i: (0, 0)),
      ],
      out_specs=pl.BlockSpec((_BN, D_IN), lambda i: (i, 0)),
      out_shape=jax.ShapeDtypeStruct((N, D_IN), _f32),
  )(x, w1)

  agg1, cnt1 = _sc_layer1(ei3, y1, z2, ones)

  w2 = jnp.concatenate([
      jnp.pad(W_l2, ((0, 0), (0, D_HID - D_OUT))).reshape(-1),
      jnp.pad(W_r2, ((0, 0), (0, D_HID - D_OUT))).reshape(-1),
  ])
  agg2, r2iv = _sc_mid(ei3, agg1, cnt1, y1, w2, b1, z2)

  b2p = jnp.pad(b2, (0, D_HID - D_OUT))
  out16 = _sc_out(agg2, r2iv, b2p)
  if isinstance(out16, (list, tuple)):
    out16 = out16[0]
  return out16[:N, :D_OUT]

# --- scband reference (transcript-rebuilt; emitter-appended) ---
"""Pipeline reference for scband-net-83872121356975 (READ-ONLY COPY).

The authoritative reference and input builder live on the scoring server;
editing this copy changes nothing except your own understanding.
"""

import jax, jax.numpy as jnp
import numpy as np

N = 10000
E = 320000
D_IN = 128
D_HID = 16
D_OUT = 7


def setup_inputs(seed: int = 0) -> dict:
    key = jax.random.key(seed)
    ks = jax.random.split(key, 9)
    x = jax.random.normal(ks[0], (N, D_IN), dtype=jnp.float32)
    edge_index = jax.random.randint(ks[1], (2, E), 0, N, dtype=jnp.int32)
    # SAGEConv params: lin_l acts on aggregated neighbor features (with bias),
    # lin_r acts on root features (no bias), matching torch_geometric SAGEConv.
    s1 = 1.0 / np.sqrt(D_IN)
    s2 = 1.0 / np.sqrt(D_HID)
    W_l1 = jax.random.uniform(ks[2], (D_IN, D_HID), jnp.float32, -s1, s1)
    b1 = jax.random.uniform(ks[3], (D_HID,), jnp.float32, -s1, s1)
    W_r1 = jax.random.uniform(ks[4], (D_IN, D_HID), jnp.float32, -s1, s1)
    W_l2 = jax.random.uniform(ks[5], (D_HID, D_OUT), jnp.float32, -s2, s2)
    b2 = jax.random.uniform(ks[6], (D_OUT,), jnp.float32, -s2, s2)
    W_r2 = jax.random.uniform(ks[7], (D_HID, D_OUT), jnp.float32, -s2, s2)
    return {"x": x, "edge_index": edge_index, "W_l1": W_l1, "b1": b1,
            "W_r1": W_r1, "W_l2": W_l2, "b2": b2, "W_r2": W_r2}


def _sage_conv(x, edge_index, W_l, b, W_r):
    src = edge_index[0]
    dst = edge_index[1]
    msgs = jnp.take(x, src, axis=0)  # gather source node features
    agg = jax.ops.segment_sum(msgs, dst, num_segments=N)
    cnt = jax.ops.segment_sum(jnp.ones((edge_index.shape[1],), x.dtype), dst, num_segments=N)
    mean_agg = agg / jnp.maximum(cnt, 1.0)[:, None]
    return mean_agg @ W_l + b + x @ W_r


def reference(x, edge_index, W_l1, b1, W_r1, W_l2, b2, W_r2):
    h = _sage_conv(x, edge_index, W_l1, b1, W_r1)
    h = jax.nn.relu(h)
    # dropout is identity in eval mode
    h = _sage_conv(h, edge_index, W_l2, b2, W_r2)
    return jax.nn.log_softmax(h, axis=1)

if __name__ == "__main__":
    import jax
    _d = setup_inputs()
    print(jax.jit(kernel)(*tuple(_d.values())))

</pallas_src>

<mosaic_0001>
#map = affine_map<(d0, d1) -> (0, 0, 0)>
#map1 = affine_map<(d0, d1) -> (0, 0)>
#map2 = affine_map<(d0, d1) -> (0)>
module attributes {stable_mosaic.version = 14 : i64} {
  func.func @_sc_mid(%arg0: i32, %arg1: i32, %arg2: memref<2x2500x128xi32, #tpu.memory_space<hbm>>, %arg3: memref<2x10240x16xf32, #tpu.memory_space<hbm>>, %arg4: memref<2x10240x16xf32, #tpu.memory_space<hbm>>, %arg5: memref<10000x128xf32, #tpu.memory_space<hbm>>, %arg6: memref<512xf32, #tpu.memory_space<hbm>>, %arg7: memref<16xf32, #tpu.memory_space<hbm>>, %arg8: memref<10240x16xf32, #tpu.memory_space<hbm>>, %arg9: memref<2x10240x16xf32, #tpu.memory_space<hbm>>, %arg10: memref<10240x32xf32, #tpu.memory_space<hbm>>, %arg11: memref<79x128xi32, #tpu.memory_space<vmem>>, %arg12: memref<79x128xi32, #tpu.memory_space<vmem>>, %arg13: memref<2x128x16xf32, #tpu.memory_space<vmem>>, %arg14: memref<625x16xf32, #tpu.memory_space<vmem>>, %arg15: memref<625x16xf32, #tpu.memory_space<vmem>>, %arg16: memref<625x16xf32, #tpu.memory_space<vmem>>, %arg17: memref<625x16xf32, #tpu.memory_space<vmem>>, %arg18: memref<625x16xf32, #tpu.memory_space<vmem>>, %arg19: memref<625x32xf32, #tpu.memory_space<vmem>>, %arg20: memref<512xf32, #tpu.memory_space<vmem>>, %arg21: memref<16xf32, #tpu.memory_space<vmem>>, %arg22: memref<10240x16xf32, #tpu.memory_space<vmem_shared>>, %arg23: memref<10000x16xf32, #tpu.memory_space<vmem_shared>>, %arg24: memref<!tpu.dma_semaphore, #tpu.memory_space<semaphore_mem>>, %arg25: memref<!tpu.dma_semaphore, #tpu.memory_space<semaphore_mem>>, %arg26: memref<!tpu.dma_semaphore, #tpu.memory_space<semaphore_mem>>) attributes {dimension_semantics = [#tpu.dimension_semantics<core_parallel>, #tpu.dimension_semantics<subcore_parallel>], iteration_bounds = array<i64: 2, 16>, scalar_prefetch = 0 : i64, scratch_operands = 16 : i64, tpu.core_type = #tpu.core_type<sc_vector_subcore>, window_params = [{transform_indices = #map}, {transform_indices = #map}, {transform_indices = #map}, {transform_indices = #map1}, {transform_indices = #map2}, {transform_indices = #map2}, {transform_indices = #map1}, {transform_indices = #map}, {transform_indices = #map1}]} {
    %mul3A = arith.constant 16 : i32
    %mul3A_0 = arith.muli %arg0, %mul3A : i32
    %add3A = arith.addi %mul3A_0, %arg1 : i32
    %mul3A_1 = arith.constant 640 : i32
    %mul3A_2 = arith.muli %arg1, %mul3A_1 : i32
    %mul3A_3 = arith.constant 625 : i32
    %mul3A_4 = arith.muli %arg1, %mul3A_3 : i32
    %run_scoped3A = arith.constant 0 : i32
    "tpu.region"() ({
      %run_scoped3A_135 = tpu.sem_alloc : memref<!tpu.dma_semaphore, #tpu.memory_space<semaphore_mem>>
      %dma_start3A_136 = arith.constant 0 : i32
      %dma_start3A_137 = tpu.memref_slice %arg3[%run_scoped3A, %mul3A_4, %dma_start3A_136] : memref<2x10240x16xf32, #tpu.memory_space<hbm>> -> memref<1x625x16xf32, #tpu.memory_space<hbm>>
      %dma_start3A_138 = tpu.memref_squeeze %dma_start3A_137 : memref<1x625x16xf32, #tpu.memory_space<hbm>> -> memref<625x16xf32, #tpu.memory_space<hbm>>
      %dma_start3A_139 = arith.constant 0 : i32
      %dma_start3A_140 = tpu.memref_slice %arg3[%run_scoped3A, %mul3A_4, %dma_start3A_139] : memref<2x10240x16xf32, #tpu.memory_space<hbm>> -> memref<1x625x16xf32, #tpu.memory_space<hbm>>
      %dma_start3A_141 = tpu.memref_squeeze %dma_start3A_140 : memref<1x625x16xf32, #tpu.memory_space<hbm>> -> memref<625x16xf32, #tpu.memory_space<hbm>>
      tpu.enqueue_dma source(%dma_start3A_141 : memref<625x16xf32, #tpu.memory_space<hbm>>) target(%arg14 : memref<625x16xf32, #tpu.memory_space<vmem>>) target_semaphore(%run_scoped3A_135 : memref<!tpu.dma_semaphore, #tpu.memory_space<semaphore_mem>>)
      %dma_wait3A_142 = arith.constant 0 : i32
      %dma_wait3A_143 = tpu.memref_slice %arg3[%run_scoped3A, %mul3A_4, %dma_wait3A_142] : memref<2x10240x16xf32, #tpu.memory_space<hbm>> -> memref<1x625x16xf32, #tpu.memory_space<hbm>>
      %dma_wait3A_144 = tpu.memref_squeeze %dma_wait3A_143 : memref<1x625x16xf32, #tpu.memory_space<hbm>> -> memref<625x16xf32, #tpu.memory_space<hbm>>
      %dma_wait3A_145 = arith.constant 0 : i32
      %dma_wait3A_146 = tpu.memref_slice %arg3[%run_scoped3A, %mul3A_4, %dma_wait3A_145] : memref<2x10240x16xf32, #tpu.memory_space<hbm>> -> memref<1x625x16xf32, #tpu.memory_space<hbm>>
      %dma_wait3A_147 = tpu.memref_squeeze %dma_wait3A_146 : memref<1x625x16xf32, #tpu.memory_space<hbm>> -> memref<625x16xf32, #tpu.memory_space<hbm>>
      tpu.wait_dma2 semaphore(%run_scoped3A_135 : memref<!tpu.dma_semaphore, #tpu.memory_space<semaphore_mem>>) src(%dma_wait3A_147 : memref<625x16xf32, #tpu.memory_space<hbm>>) dst(%arg14 : memref<625x16xf32, #tpu.memory_space<vmem>>)
      tpu.yield
    }) : () -> ()
    %run_scoped3A_5 = arith.constant 1 : i32
    "tpu.region"() ({
      %run_scoped3A_135 = tpu.sem_alloc : memref<!tpu.dma_semaphore, #tpu.memory_space<semaphore_mem>>
      %dma_start3A_136 = arith.constant 0 : i32
      %dma_start3A_137 = tpu.memref_slice %arg3[%run_scoped3A_5, %mul3A_4, %dma_start3A_136] : memref<2x10240x16xf32, #tpu.memory_space<hbm>> -> memref<1x625x16xf32, #tpu.memory_space<hbm>>
      %dma_start3A_138 = tpu.memref_squeeze %dma_start3A_137 : memref<1x625x16xf32, #tpu.memory_space<hbm>> -> memref<625x16xf32, #tpu.memory_space<hbm>>
      %dma_start3A_139 = arith.constant 0 : i32
      %dma_start3A_140 = tpu.memref_slice %arg3[%run_scoped3A_5, %mul3A_4, %dma_start3A_139] : memref<2x10240x16xf32, #tpu.memory_space<hbm>> -> memref<1x625x16xf32, #tpu.memory_space<hbm>>
      %dma_start3A_141 = tpu.memref_squeeze %dma_start3A_140 : memref<1x625x16xf32, #tpu.memory_space<hbm>> -> memref<625x16xf32, #tpu.memory_space<hbm>>
      tpu.enqueue_dma source(%dma_start3A_141 : memref<625x16xf32, #tpu.memory_space<hbm>>) target(%arg15 : memref<625x16xf32, #tpu.memory_space<vmem>>) target_semaphore(%run_scoped3A_135 : memref<!tpu.dma_semaphore, #tpu.memory_space<semaphore_mem>>)
      %dma_wait3A_142 = arith.constant 0 : i32
      %dma_wait3A_143 = tpu.memref_slice %arg3[%run_scoped3A_5, %mul3A_4, %dma_wait3A_142] : memref<2x10240x16xf32, #tpu.memory_space<hbm>> -> memref<1x625x16xf32, #tpu.memory_space<hbm>>
      %dma_wait3A_144 = tpu.memref_squeeze %dma_wait3A_143 : memref<1x625x16xf32, #tpu.memory_space<hbm>> -> memref<625x16xf32, #tpu.memory_space<hbm>>
      %dma_wait3A_145 = arith.constant 0 : i32
      %dma_wait3A_146 = tpu.memref_slice %arg3[%run_scoped3A_5, %mul3A_4, %dma_wait3A_145] : memref<2x10240x16xf32, #tpu.memory_space<hbm>> -> memref<1x625x16xf32, #tpu.memory_space<hbm>>
      %dma_wait3A_147 = tpu.memref_squeeze %dma_wait3A_146 : memref<1x625x16xf32, #tpu.memory_space<hbm>> -> memref<625x16xf32, #tpu.memory_space<hbm>>
      tpu.wait_dma2 semaphore(%run_scoped3A_135 : memref<!tpu.dma_semaphore, #tpu.memory_space<semaphore_mem>>) src(%dma_wait3A_147 : memref<625x16xf32, #tpu.memory_space<hbm>>) dst(%arg15 : memref<625x16xf32, #tpu.memory_space<vmem>>)
      tpu.yield
    }) : () -> ()
    %run_scoped3A_6 = arith.constant 0 : i32
    "tpu.region"() ({
      %run_scoped3A_135 = tpu.sem_alloc : memref<!tpu.dma_semaphore, #tpu.memory_space<semaphore_mem>>
      %dma_start3A_136 = arith.constant 0 : i32
      %dma_start3A_137 = tpu.memref_slice %arg4[%run_scoped3A_6, %mul3A_4, %dma_start3A_136] : memref<2x10240x16xf32, #tpu.memory_space<hbm>> -> memref<1x625x16xf32, #tpu.memory_space<hbm>>
      %dma_start3A_138 = tpu.memref_squeeze %dma_start3A_137 : memref<1x625x16xf32, #tpu.memory_space<hbm>> -> memref<625x16xf32, #tpu.memory_space<hbm>>
      %dma_start3A_139 = arith.constant 0 : i32
      %dma_start3A_140 = tpu.memref_slice %arg4[%run_scoped3A_6, %mul3A_4, %dma_start3A_139] : memref<2x10240x16xf32, #tpu.memory_space<hbm>> -> memref<1x625x16xf32, #tpu.memory_space<hbm>>
      %dma_start3A_141 = tpu.memref_squeeze %dma_start3A_140 : memref<1x625x16xf32, #tpu.memory_space<hbm>> -> memref<625x16xf32, #tpu.memory_space<hbm>>
      tpu.enqueue_dma source(%dma_start3A_141 : memref<625x16xf32, #tpu.memory_space<hbm>>) target(%arg16 : memref<625x16xf32, #tpu.memory_space<vmem>>) target_semaphore(%run_scoped3A_135 : memref<!tpu.dma_semaphore, #tpu.memory_space<semaphore_mem>>)
      %dma_wait3A_142 = arith.constant 0 : i32
      %dma_wait3A_143 = tpu.memref_slice %arg4[%run_scoped3A_6, %mul3A_4, %dma_wait3A_142] : memref<2x10240x16xf32, #tpu.memory_space<hbm>> -> memref<1x625x16xf32, #tpu.memory_space<hbm>>
      %dma_wait3A_144 = tpu.memref_squeeze %dma_wait3A_143 : memref<1x625x16xf32, #tpu.memory_space<hbm>> -> memref<625x16xf32, #tpu.memory_space<hbm>>
      %dma_wait3A_145 = arith.constant 0 : i32
      %dma_wait3A_146 = tpu.memref_slice %arg4[%run_scoped3A_6, %mul3A_4, %dma_wait3A_145] : memref<2x10240x16xf32, #tpu.memory_space<hbm>> -> memref<1x625x16xf32, #tpu.memory_space<hbm>>
      %dma_wait3A_147 = tpu.memref_squeeze %dma_wait3A_146 : memref<1x625x16xf32, #tpu.memory_space<hbm>> -> memref<625x16xf32, #tpu.memory_space<hbm>>
      tpu.wait_dma2 semaphore(%run_scoped3A_135 : memref<!tpu.dma_semaphore, #tpu.memory_space<semaphore_mem>>) src(%dma_wait3A_147 : memref<625x16xf32, #tpu.memory_space<hbm>>) dst(%arg16 : memref<625x16xf32, #tpu.memory_space<vmem>>)
      tpu.yield
    }) : () -> ()
    %run_scoped3A_7 = arith.constant 1 : i32
    "tpu.region"() ({
      %run_scoped3A_135 = tpu.sem_alloc : memref<!tpu.dma_semaphore, #tpu.memory_space<semaphore_mem>>
      %dma_start3A_136 = arith.constant 0 : i32
      %dma_start3A_137 = tpu.memref_slice %arg4[%run_scoped3A_7, %mul3A_4, %dma_start3A_136] : memref<2x10240x16xf32, #tpu.memory_space<hbm>> -> memref<1x625x16xf32, #tpu.memory_space<hbm>>
      %dma_start3A_138 = tpu.memref_squeeze %dma_start3A_137 : memref<1x625x16xf32, #tpu.memory_space<hbm>> -> memref<625x16xf32, #tpu.memory_space<hbm>>
      %dma_start3A_139 = arith.constant 0 : i32
      %dma_start3A_140 = tpu.memref_slice %arg4[%run_scoped3A_7, %mul3A_4, %dma_start3A_139] : memref<2x10240x16xf32, #tpu.memory_space<hbm>> -> memref<1x625x16xf32, #tpu.memory_space<hbm>>
      %dma_start3A_141 = tpu.memref_squeeze %dma_start3A_140 : memref<1x625x16xf32, #tpu.memory_space<hbm>> -> memref<625x16xf32, #tpu.memory_space<hbm>>
      tpu.enqueue_dma source(%dma_start3A_141 : memref<625x16xf32, #tpu.memory_space<hbm>>) target(%arg17 : memref<625x16xf32, #tpu.memory_space<vmem>>) target_semaphore(%run_scoped3A_135 : memref<!tpu.dma_semaphore, #tpu.memory_space<semaphore_mem>>)
      %dma_wait3A_142 = arith.constant 0 : i32
      %dma_wait3A_143 = tpu.memref_slice %arg4[%run_scoped3A_7, %mul3A_4, %dma_wait3A_142] : memref<2x10240x16xf32, #tpu.memory_space<hbm>> -> memref<1x625x16xf32, #tpu.memory_space<hbm>>
      %dma_wait3A_144 = tpu.memref_squeeze %dma_wait3A_143 : memref<1x625x16xf32, #tpu.memory_space<hbm>> -> memref<625x16xf32, #tpu.memory_space<hbm>>
      %dma_wait3A_145 = arith.constant 0 : i32
      %dma_wait3A_146 = tpu.memref_slice %arg4[%run_scoped3A_7, %mul3A_4, %dma_wait3A_145] : memref<2x10240x16xf32, #tpu.memory_space<hbm>> -> memref<1x625x16xf32, #tpu.memory_space<hbm>>
      %dma_wait3A_147 = tpu.memref_squeeze %dma_wait3A_146 : memref<1x625x16xf32, #tpu.memory_space<hbm>> -> memref<625x16xf32, #tpu.memory_space<hbm>>
      tpu.wait_dma2 semaphore(%run_scoped3A_135 : memref<!tpu.dma_semaphore, #tpu.memory_space<semaphore_mem>>) src(%dma_wait3A_147 : memref<625x16xf32, #tpu.memory_space<hbm>>) dst(%arg17 : memref<625x16xf32, #tpu.memory_space<vmem>>)
      tpu.yield
    }) : () -> ()
    "tpu.region"() ({
      %run_scoped3A_135 = tpu.sem_alloc : memref<!tpu.dma_semaphore, #tpu.memory_space<semaphore_mem>>
      %dma_start3A_136 = arith.constant 16 : i32
      %dma_start3A_137 = tpu.memref_slice %arg5[%mul3A_4, %dma_start3A_136] : memref<10000x128xf32, #tpu.memory_space<hbm>> -> memref<625x16xf32, #tpu.memory_space<hbm>>
      %dma_start3A_138 = arith.constant 16 : i32
      %dma_start3A_139 = tpu.memref_slice %arg5[%mul3A_4, %dma_start3A_138] : memref<10000x128xf32, #tpu.memory_space<hbm>> -> memref<625x16xf32, #tpu.memory_space<hbm>>
      tpu.enqueue_dma source(%dma_start3A_139 : memref<625x16xf32, #tpu.memory_space<hbm>>) target(%arg18 : memref<625x16xf32, #tpu.memory_space<vmem>>) target_semaphore(%run_scoped3A_135 : memref<!tpu.dma_semaphore, #tpu.memory_space<semaphore_mem>>)
      %dma_wait3A_140 = arith.constant 16 : i32
      %dma_wait3A_141 = tpu.memref_slice %arg5[%mul3A_4, %dma_wait3A_140] : memref<10000x128xf32, #tpu.memory_space<hbm>> -> memref<625x16xf32, #tpu.memory_space<hbm>>
      %dma_wait3A_142 = arith.constant 16 : i32
      %dma_wait3A_143 = tpu.memref_slice %arg5[%mul3A_4, %dma_wait3A_142] : memref<10000x128xf32, #tpu.memory_space<hbm>> -> memref<625x16xf32, #tpu.memory_space<hbm>>
      tpu.wait_dma2 semaphore(%run_scoped3A_135 : memref<!tpu.dma_semaphore, #tpu.memory_space<semaphore_mem>>) src(%dma_wait3A_143 : memref<625x16xf32, #tpu.memory_space<hbm>>) dst(%arg18 : memref<625x16xf32, #tpu.memory_space<vmem>>)
      tpu.yield
    }) : () -> ()
    "tpu.region"() ({
      %run_scoped3A_135 = tpu.sem_alloc : memref<!tpu.dma_semaphore, #tpu.memory_space<semaphore_mem>>
      tpu.enqueue_dma source(%arg6 : memref<512xf32, #tpu.memory_space<hbm>>) target(%arg20 : memref<512xf32, #tpu.memory_space<vmem>>) target_semaphore(%run_scoped3A_135 : memref<!tpu.dma_semaphore, #tpu.memory_space<semaphore_mem>>)
      tpu.wait_dma2 semaphore(%run_scoped3A_135 : memref<!tpu.dma_semaphore, #tpu.memory_space<semaphore_mem>>) src(%arg6 : memref<512xf32, #tpu.memory_space<hbm>>) dst(%arg20 : memref<512xf32, #tpu.memory_space<vmem>>)
      tpu.yield
    }) : () -> ()
    "tpu.region"() ({
      %run_scoped3A_135 = tpu.sem_alloc : memref<!tpu.dma_semaphore, #tpu.memory_space<semaphore_mem>>
      tpu.enqueue_dma source(%arg7 : memref<16xf32, #tpu.memory_space<hbm>>) target(%arg21 : memref<16xf32, #tpu.memory_space<vmem>>) target_semaphore(%run_scoped3A_135 : memref<!tpu.dma_semaphore, #tpu.memory_space<semaphore_mem>>)
      tpu.wait_dma2 semaphore(%run_scoped3A_135 : memref<!tpu.dma_semaphore, #tpu.memory_space<semaphore_mem>>) src(%arg7 : memref<16xf32, #tpu.memory_space<hbm>>) dst(%arg21 : memref<16xf32, #tpu.memory_space<vmem>>)
      tpu.yield
    }) : () -> ()
    "tpu.region"() ({
      %run_scoped3A_135 = tpu.sem_alloc : memref<!tpu.dma_semaphore, #tpu.memory_space<semaphore_mem>>
      %dma_start3A_136 = arith.constant 0 : i32
      %dma_start3A_137 = tpu.memref_slice %arg22[%mul3A_2, %dma_start3A_136] : memref<10240x16xf32, #tpu.memory_space<vmem_shared>> -> memref<640x16xf32, #tpu.memory_space<vmem_shared>>
      %dma_start3A_138 = arith.constant 0 : i32
      %dma_start3A_139 = tpu.memref_slice %arg8[%mul3A_2, %dma_start3A_138] : memref<10240x16xf32, #tpu.memory_space<hbm>> -> memref<640x16xf32, #tpu.memory_space<hbm>>
      tpu.enqueue_dma source(%dma_start3A_139 : memref<640x16xf32, #tpu.memory_space<hbm>>) target(%dma_start3A_137 : memref<640x16xf32, #tpu.memory_space<vmem_shared>>) target_semaphore(%run_scoped3A_135 : memref<!tpu.dma_semaphore, #tpu.memory_space<semaphore_mem>>)
      %dma_wait3A_140 = arith.constant 0 : i32
      %dma_wait3A_141 = tpu.memref_slice %arg22[%mul3A_2, %dma_wait3A_140] : memref<10240x16xf32, #tpu.memory_space<vmem_shared>> -> memref<640x16xf32, #tpu.memory_space<vmem_shared>>
      %dma_wait3A_142 = arith.constant 0 : i32
      %dma_wait3A_143 = tpu.memref_slice %arg8[%mul3A_2, %dma_wait3A_142] : memref<10240x16xf32, #tpu.memory_space<hbm>> -> memref<640x16xf32, #tpu.memory_space<hbm>>
      tpu.wait_dma2 semaphore(%run_scoped3A_135 : memref<!tpu.dma_semaphore, #tpu.memory_space<semaphore_mem>>) src(%dma_wait3A_143 : memref<640x16xf32, #tpu.memory_space<hbm>>) dst(%dma_wait3A_141 : memref<640x16xf32, #tpu.memory_space<vmem_shared>>)
      tpu.yield
    }) : () -> ()
    %lt3A = arith.constant 4 : i32
    %lt3A_8 = arith.cmpi slt, %add3A, %lt3A : i32
    %convert_element_type3A = arith.extui %lt3A_8 : i1 to i32
    %add3A_9 = arith.constant 78 : i32
    %add3A_10 = arith.addi %add3A_9, %convert_element_type3A : i32
    %mul3A_11 = arith.constant 78 : i32
    %mul3A_12 = arith.muli %add3A, %mul3A_11 : i32
    %run_scoped3A_13 = arith.constant 0 : i32
    "tpu.region"() ({
      %run_scoped3A_135 = tpu.sem_alloc : memref<!tpu.dma_semaphore, #tpu.memory_space<semaphore_mem>>
      %dma_start3A_136 = arith.constant 0 : i32
      %dma_start3A_137 = arith.constant 0 : i32
      %dma_start3A_138 = tpu.memref_slice %arg11[%dma_start3A_136, %dma_start3A_137] : memref<79x128xi32, #tpu.memory_space<vmem>> -> memref<78x128xi32, #tpu.memory_space<vmem>>
      %dma_start3A_139 = arith.constant 0 : i32
      %dma_start3A_140 = tpu.memref_slice %arg2[%run_scoped3A_13, %mul3A_12, %dma_start3A_139] : memref<2x2500x128xi32, #tpu.memory_space<hbm>> -> memref<1x78x128xi32, #tpu.memory_space<hbm>>
      %dma_start3A_141 = tpu.memref_squeeze %dma_start3A_140 : memref<1x78x128xi32, #tpu.memory_space<hbm>> -> memref<78x128xi32, #tpu.memory_space<hbm>>
      %dma_start3A_142 = arith.constant 0 : i32
      %dma_start3A_143 = arith.constant 0 : i32
      %dma_start3A_144 = tpu.memref_slice %arg11[%dma_start3A_142, %dma_start3A_143] : memref<79x128xi32, #tpu.memory_space<vmem>> -> memref<78x128xi32, #tpu.memory_space<vmem>>
      %dma_start3A_145 = arith.constant 0 : i32
      %dma_start3A_146 = tpu.memref_slice %arg2[%run_scoped3A_13, %mul3A_12, %dma_start3A_145] : memref<2x2500x128xi32, #tpu.memory_space<hbm>> -> memref<1x78x128xi32, #tpu.memory_space<hbm>>
      %dma_start3A_147 = tpu.memref_squeeze %dma_start3A_146 : memref<1x78x128xi32, #tpu.memory_space<hbm>> -> memref<78x128xi32, #tpu.memory_space<hbm>>
      tpu.enqueue_dma source(%dma_start3A_147 : memref<78x128xi32, #tpu.memory_space<hbm>>) target(%dma_start3A_144 : memref<78x128xi32, #tpu.memory_space<vmem>>) target_semaphore(%run_scoped3A_135 : memref<!tpu.dma_semaphore, #tpu.memory_space<semaphore_mem>>)
      %dma_wait3A_148 = arith.constant 0 : i32
      %dma_wait3A_149 = arith.constant 0 : i32
      %dma_wait3A_150 = tpu.memref_slice %arg11[%dma_wait3A_148, %dma_wait3A_149] : memref<79x128xi32, #tpu.memory_space<vmem>> -> memref<78x128xi32, #tpu.memory_space<vmem>>
      %dma_wait3A_151 = arith.constant 0 : i32
      %dma_wait3A_152 = tpu.memref_slice %arg2[%run_scoped3A_13, %mul3A_12, %dma_wait3A_151] : memref<2x2500x128xi32, #tpu.memory_space<hbm>> -> memref<1x78x128xi32, #tpu.memory_space<hbm>>
      %dma_wait3A_153 = tpu.memref_squeeze %dma_wait3A_152 : memref<1x78x128xi32, #tpu.memory_space<hbm>> -> memref<78x128xi32, #tpu.memory_space<hbm>>
      %dma_wait3A_154 = arith.constant 0 : i32
      %dma_wait3A_155 = arith.constant 0 : i32
      %dma_wait3A_156 = tpu.memref_slice %arg11[%dma_wait3A_154, %dma_wait3A_155] : memref<79x128xi32, #tpu.memory_space<vmem>> -> memref<78x128xi32, #tpu.memory_space<vmem>>
      %dma_wait3A_157 = arith.constant 0 : i32
      %dma_wait3A_158 = tpu.memref_slice %arg2[%run_scoped3A_13, %mul3A_12, %dma_wait3A_157] : memref<2x2500x128xi32, #tpu.memory_space<hbm>> -> memref<1x78x128xi32, #tpu.memory_space<hbm>>
      %dma_wait3A_159 = tpu.memref_squeeze %dma_wait3A_158 : memref<1x78x128xi32, #tpu.memory_space<hbm>> -> memref<78x128xi32, #tpu.memory_space<hbm>>
      tpu.wait_dma2 semaphore(%run_scoped3A_135 : memref<!tpu.dma_semaphore, #tpu.memory_space<semaphore_mem>>) src(%dma_wait3A_159 : memref<78x128xi32, #tpu.memory_space<hbm>>) dst(%dma_wait3A_156 : memref<78x128xi32, #tpu.memory_space<vmem>>)
      tpu.yield
    }) : () -> ()
    %mul3A_14 = arith.constant 78 : i32
    %mul3A_15 = arith.muli %add3A, %mul3A_14 : i32
    %run_scoped3A_16 = arith.constant 1 : i32
    "tpu.region"() ({
      %run_scoped3A_135 = tpu.sem_alloc : memref<!tpu.dma_semaphore, #tpu.memory_space<semaphore_mem>>
      %dma_start3A_136 = arith.constant 0 : i32
      %dma_start3A_137 = arith.constant 0 : i32
      %dma_start3A_138 = tpu.memref_slice %arg12[%dma_start3A_136, %dma_start3A_137] : memref<79x128xi32, #tpu.memory_space<vmem>> -> memref<78x128xi32, #tpu.memory_space<vmem>>
      %dma_start3A_139 = arith.constant 0 : i32
      %dma_start3A_140 = tpu.memref_slice %arg2[%run_scoped3A_16, %mul3A_15, %dma_start3A_139] : memref<2x2500x128xi32, #tpu.memory_space<hbm>> -> memref<1x78x128xi32, #tpu.memory_space<hbm>>
      %dma_start3A_141 = tpu.memref_squeeze %dma_start3A_140 : memref<1x78x128xi32, #tpu.memory_space<hbm>> -> memref<78x128xi32, #tpu.memory_space<hbm>>
      %dma_start3A_142 = arith.constant 0 : i32
      %dma_start3A_143 = arith.constant 0 : i32
      %dma_start3A_144 = tpu.memref_slice %arg12[%dma_start3A_142, %dma_start3A_143] : memref<79x128xi32, #tpu.memory_space<vmem>> -> memref<78x128xi32, #tpu.memory_space<vmem>>
      %dma_start3A_145 = arith.constant 0 : i32
      %dma_start3A_146 = tpu.memref_slice %arg2[%run_scoped3A_16, %mul3A_15, %dma_start3A_145] : memref<2x2500x128xi32, #tpu.memory_space<hbm>> -> memref<1x78x128xi32, #tpu.memory_space<hbm>>
      %dma_start3A_147 = tpu.memref_squeeze %dma_start3A_146 : memref<1x78x128xi32, #tpu.memory_space<hbm>> -> memref<78x128xi32, #tpu.memory_space<hbm>>
      tpu.enqueue_dma source(%dma_start3A_147 : memref<78x128xi32, #tpu.memory_space<hbm>>) target(%dma_start3A_144 : memref<78x128xi32, #tpu.memory_space<vmem>>) target_semaphore(%run_scoped3A_135 : memref<!tpu.dma_semaphore, #tpu.memory_space<semaphore_mem>>)
      %dma_wait3A_148 = arith.constant 0 : i32
      %dma_wait3A_149 = arith.constant 0 : i32
      %dma_wait3A_150 = tpu.memref_slice %arg12[%dma_wait3A_148, %dma_wait3A_149] : memref<79x128xi32, #tpu.memory_space<vmem>> -> memref<78x128xi32, #tpu.memory_space<vmem>>
      %dma_wait3A_151 = arith.constant 0 : i32
      %dma_wait3A_152 = tpu.memref_slice %arg2[%run_scoped3A_16, %mul3A_15, %dma_wait3A_151] : memref<2x2500x128xi32, #tpu.memory_space<hbm>> -> memref<1x78x128xi32, #tpu.memory_space<hbm>>
      %dma_wait3A_153 = tpu.memref_squeeze %dma_wait3A_152 : memref<1x78x128xi32, #tpu.memory_space<hbm>> -> memref<78x128xi32, #tpu.memory_space<hbm>>
      %dma_wait3A_154 = arith.constant 0 : i32
      %dma_wait3A_155 = arith.constant 0 : i32
      %dma_wait3A_156 = tpu.memref_slice %arg12[%dma_wait3A_154, %dma_wait3A_155] : memref<79x128xi32, #tpu.memory_space<vmem>> -> memref<78x128xi32, #tpu.memory_space<vmem>>
      %dma_wait3A_157 = arith.constant 0 : i32
      %dma_wait3A_158 = tpu.memref_slice %arg2[%run_scoped3A_16, %mul3A_15, %dma_wait3A_157] : memref<2x2500x128xi32, #tpu.memory_space<hbm>> -> memref<1x78x128xi32, #tpu.memory_space<hbm>>
      %dma_wait3A_159 = tpu.memref_squeeze %dma_wait3A_158 : memref<1x78x128xi32, #tpu.memory_space<hbm>> -> memref<78x128xi32, #tpu.memory_space<hbm>>
      tpu.wait_dma2 semaphore(%run_scoped3A_135 : memref<!tpu.dma_semaphore, #tpu.memory_space<semaphore_mem>>) src(%dma_wait3A_159 : memref<78x128xi32, #tpu.memory_space<hbm>>) dst(%dma_wait3A_156 : memref<78x128xi32, #tpu.memory_space<vmem>>)
      tpu.yield
    }) : () -> ()
    %convert_element_type3A_17 = arith.extui %lt3A_8 : i1 to i32
    %cond3A = arith.constant 0 : i32
    %cond3A_18 = arith.cmpi ne, %convert_element_type3A_17, %cond3A : i32
    scf.if %cond3A_18 {
      %add3A_135 = arith.constant 2496 : i32
      %add3A_136 = arith.addi %add3A_135, %add3A : i32
      %run_scoped3A_137 = arith.constant 0 : i32
      %run_scoped3A_138 = arith.constant 78 : i32
      "tpu.region"() ({
        %run_scoped3A_143 = tpu.sem_alloc : memref<!tpu.dma_semaphore, #tpu.memory_space<semaphore_mem>>
        %dma_start3A_144 = arith.constant 0 : i32
        %dma_start3A_145 = tpu.memref_slice %arg11[%run_scoped3A_138, %dma_start3A_144] : memref<79x128xi32, #tpu.memory_space<vmem>> -> memref<1x128xi32, #tpu.memory_space<vmem>>
        %dma_start3A_146 = tpu.memref_squeeze %dma_start3A_145 : memref<1x128xi32, #tpu.memory_space<vmem>> -> memref<128xi32, #tpu.memory_space<vmem>>
        %dma_start3A_147 = arith.constant 0 : i32
        %dma_start3A_148 = tpu.memref_slice %arg2[%run_scoped3A_137, %add3A_136, %dma_start3A_147] : memref<2x2500x128xi32, #tpu.memory_space<hbm>> -> memref<1x1x128xi32, #tpu.memory_space<hbm>>
        %dma_start3A_149 = tpu.memref_squeeze %dma_start3A_148 : memref<1x1x128xi32, #tpu.memory_space<hbm>> -> memref<128xi32, #tpu.memory_space<hbm>>
        %dma_start3A_150 = arith.constant 0 : i32
        %dma_start3A_151 = tpu.memref_slice %arg11[%run_scoped3A_138, %dma_start3A_150] : memref<79x128xi32, #tpu.memory_space<vmem>> -> memref<1x128xi32, #tpu.memory_space<vmem>>
        %dma_start3A_152 = tpu.memref_squeeze %dma_start3A_151 : memref<1x128xi32, #tpu.memory_space<vmem>> -> memref<128xi32, #tpu.memory_space<vmem>>
        %dma_start3A_153 = arith.constant 0 : i32
        %dma_start3A_154 = tpu.memref_slice %arg2[%run_scoped3A_137, %add3A_136, %dma_start3A_153] : memref<2x2500x128xi32, #tpu.memory_space<hbm>> -> memref<1x1x128xi32, #tpu.memory_space<hbm>>
        %dma_start3A_155 = tpu.memref_squeeze %dma_start3A_154 : memref<1x1x128xi32, #tpu.memory_space<hbm>> -> memref<128xi32, #tpu.memory_space<hbm>>
        tpu.enqueue_dma source(%dma_start3A_155 : memref<128xi32, #tpu.memory_space<hbm>>) target(%dma_start3A_152 : memref<128xi32, #tpu.memory_space<vmem>>) target_semaphore(%run_scoped3A_143 : memref<!tpu.dma_semaphore, #tpu.memory_space<semaphore_mem>>)
        %dma_wait3A_156 = arith.constant 0 : i32
        %dma_wait3A_157 = tpu.memref_slice %arg11[%run_scoped3A_138, %dma_wait3A_156] : memref<79x128xi32, #tpu.memory_space<vmem>> -> memref<1x128xi32, #tpu.memory_space<vmem>>
        %dma_wait3A_158 = tpu.memref_squeeze %dma_wait3A_157 : memref<1x128xi32, #tpu.memory_space<vmem>> -> memref<128xi32, #tpu.memory_space<vmem>>
        %dma_wait3A_159 = arith.constant 0 : i32
        %dma_wait3A_160 = tpu.memref_slice %arg2[%run_scoped3A_137, %add3A_136, %dma_wait3A_159] : memref<2x2500x128xi32, #tpu.memory_space<hbm>> -> memref<1x1x128xi32, #tpu.memory_space<hbm>>
        %dma_wait3A_161 = tpu.memref_squeeze %dma_wait3A_160 : memref<1x1x128xi32, #tpu.memory_space<hbm>> -> memref<128xi32, #tpu.memory_space<hbm>>
        %dma_wait3A_162 = arith.constant 0 : i32
        %dma_wait3A_163 = tpu.memref_slice %arg11[%run_scoped3A_138, %dma_wait3A_162] : memref<79x128xi32, #tpu.memory_space<vmem>> -> memref<1x128xi32, #tpu.memory_space<vmem>>
        %dma_wait3A_164 = tpu.memref_squeeze %dma_wait3A_163 : memref<1x128xi32, #tpu.memory_space<vmem>> -> memref<128xi32, #tpu.memory_space<vmem>>
        %dma_wait3A_165 = arith.constant 0 : i32
        %dma_wait3A_166 = tpu.memref_slice %arg2[%run_scoped3A_137, %add3A_136, %dma_wait3A_165] : memref<2x2500x128xi32, #tpu.memory_space<hbm>> -> memref<1x1x128xi32, #tpu.memory_space<hbm>>
        %dma_wait3A_167 = tpu.memref_squeeze %dma_wait3A_166 : memref<1x1x128xi32, #tpu.memory_space<hbm>> -> memref<128xi32, #tpu.memory_space<hbm>>
        tpu.wait_dma2 semaphore(%run_scoped3A_143 : memref<!tpu.dma_semaphore, #tpu.memory_space<semaphore_mem>>) src(%dma_wait3A_167 : memref<128xi32, #tpu.memory_space<hbm>>) dst(%dma_wait3A_164 : memref<128xi32, #tpu.memory_space<vmem>>)
        tpu.yield
      }) : () -> ()
      %add3A_139 = arith.constant 2496 : i32
      %add3A_140 = arith.addi %add3A_139, %add3A : i32
      %run_scoped3A_141 = arith.constant 1 : i32
      %run_scoped3A_142 = arith.constant 78 : i32
      "tpu.region"() ({
        %run_scoped3A_143 = tpu.sem_alloc : memref<!tpu.dma_semaphore, #tpu.memory_space<semaphore_mem>>
        %dma_start3A_144 = arith.constant 0 : i32
        %dma_start3A_145 = tpu.memref_slice %arg12[%run_scoped3A_142, %dma_start3A_144] : memref<79x128xi32, #tpu.memory_space<vmem>> -> memref<1x128xi32, #tpu.memory_space<vmem>>
        %dma_start3A_146 = tpu.memref_squeeze %dma_start3A_145 : memref<1x128xi32, #tpu.memory_space<vmem>> -> memref<128xi32, #tpu.memory_space<vmem>>
        %dma_start3A_147 = arith.constant 0 : i32
        %dma_start3A_148 = tpu.memref_slice %arg2[%run_scoped3A_141, %add3A_140, %dma_start3A_147] : memref<2x2500x128xi32, #tpu.memory_space<hbm>> -> memref<1x1x128xi32, #tpu.memory_space<hbm>>
        %dma_start3A_149 = tpu.memref_squeeze %dma_start3A_148 : memref<1x1x128xi32, #tpu.memory_space<hbm>> -> memref<128xi32, #tpu.memory_space<hbm>>
        %dma_start3A_150 = arith.constant 0 : i32
        %dma_start3A_151 = tpu.memref_slice %arg12[%run_scoped3A_142, %dma_start3A_150] : memref<79x128xi32, #tpu.memory_space<vmem>> -> memref<1x128xi32, #tpu.memory_space<vmem>>
        %dma_start3A_152 = tpu.memref_squeeze %dma_start3A_151 : memref<1x128xi32, #tpu.memory_space<vmem>> -> memref<128xi32, #tpu.memory_space<vmem>>
        %dma_start3A_153 = arith.constant 0 : i32
        %dma_start3A_154 = tpu.memref_slice %arg2[%run_scoped3A_141, %add3A_140, %dma_start3A_153] : memref<2x2500x128xi32, #tpu.memory_space<hbm>> -> memref<1x1x128xi32, #tpu.memory_space<hbm>>
        %dma_start3A_155 = tpu.memref_squeeze %dma_start3A_154 : memref<1x1x128xi32, #tpu.memory_space<hbm>> -> memref<128xi32, #tpu.memory_space<hbm>>
        tpu.enqueue_dma source(%dma_start3A_155 : memref<128xi32, #tpu.memory_space<hbm>>) target(%dma_start3A_152 : memref<128xi32, #tpu.memory_space<vmem>>) target_semaphore(%run_scoped3A_143 : memref<!tpu.dma_semaphore, #tpu.memory_space<semaphore_mem>>)
        %dma_wait3A_156 = arith.constant 0 : i32
        %dma_wait3A_157 = tpu.memref_slice %arg12[%run_scoped3A_142, %dma_wait3A_156] : memref<79x128xi32, #tpu.memory_space<vmem>> -> memref<1x128xi32, #tpu.memory_space<vmem>>
        %dma_wait3A_158 = tpu.memref_squeeze %dma_wait3A_157 : memref<1x128xi32, #tpu.memory_space<vmem>> -> memref<128xi32, #tpu.memory_space<vmem>>
        %dma_wait3A_159 = arith.constant 0 : i32
        %dma_wait3A_160 = tpu.memref_slice %arg2[%run_scoped3A_141, %add3A_140, %dma_wait3A_159] : memref<2x2500x128xi32, #tpu.memory_space<hbm>> -> memref<1x1x128xi32, #tpu.memory_space<hbm>>
        %dma_wait3A_161 = tpu.memref_squeeze %dma_wait3A_160 : memref<1x1x128xi32, #tpu.memory_space<hbm>> -> memref<128xi32, #tpu.memory_space<hbm>>
        %dma_wait3A_162 = arith.constant 0 : i32
        %dma_wait3A_163 = tpu.memref_slice %arg12[%run_scoped3A_142, %dma_wait3A_162] : memref<79x128xi32, #tpu.memory_space<vmem>> -> memref<1x128xi32, #tpu.memory_space<vmem>>
        %dma_wait3A_164 = tpu.memref_squeeze %dma_wait3A_163 : memref<1x128xi32, #tpu.memory_space<vmem>> -> memref<128xi32, #tpu.memory_space<vmem>>
        %dma_wait3A_165 = arith.constant 0 : i32
        %dma_wait3A_166 = tpu.memref_slice %arg2[%run_scoped3A_141, %add3A_140, %dma_wait3A_165] : memref<2x2500x128xi32, #tpu.memory_space<hbm>> -> memref<1x1x128xi32, #tpu.memory_space<hbm>>
        %dma_wait3A_167 = tpu.memref_squeeze %dma_wait3A_166 : memref<1x1x128xi32, #tpu.memory_space<hbm>> -> memref<128xi32, #tpu.memory_space<hbm>>
        tpu.wait_dma2 semaphore(%run_scoped3A_143 : memref<!tpu.dma_semaphore, #tpu.memory_space<semaphore_mem>>) src(%dma_wait3A_167 : memref<128xi32, #tpu.memory_space<hbm>>) dst(%dma_wait3A_164 : memref<128xi32, #tpu.memory_space<vmem>>)
        tpu.yield
      }) : () -> ()
    } else {
    }
    %get3A = arith.constant 0 : index
    %get3A_19 = tpu.vector_load %arg21[%get3A] {strides = array<i32>} : memref<16xf32, #tpu.memory_space<vmem>>, vector<16xf32>,
    %get3A_20 = arith.constant 0 : index
    %get3A_21 = tpu.vector_load %arg20[%get3A_20] {strides = array<i32>} : memref<512xf32, #tpu.memory_space<vmem>>, vector<16xf32>,
    %get3A_22 = arith.constant 16 : index
    %get3A_23 = tpu.vector_load %arg20[%get3A_22] {strides = array<i32>} : memref<512xf32, #tpu.memory_space<vmem>>, vector<16xf32>,
    %get3A_24 = arith.constant 32 : index
    %get3A_25 = tpu.vector_load %arg20[%get3A_24] {strides = array<i32>} : memref<512xf32, #tpu.memory_space<vmem>>, vector<16xf32>,
    %get3A_26 = arith.constant 48 : index
    %get3A_27 = tpu.vector_load %arg20[%get3A_26] {strides = array<i32>} : memref<512xf32, #tpu.memory_space<vmem>>, vector<16xf32>,
    %get3A_28 = arith.constant 64 : index
    %get3A_29 = tpu.vector_load %arg20[%get3A_28] {strides = array<i32>} : memref<512xf32, #tpu.memory_space<vmem>>, vector<16xf32>,
    %get3A_30 = arith.constant 80 : index
    %get3A_31 = tpu.vector_load %arg20[%get3A_30] {strides = array<i32>} : memref<512xf32, #tpu.memory_space<vmem>>, vector<16xf32>,
    %get3A_32 = arith.constant 96 : index
    %get3A_33 = tpu.vector_load %arg20[%get3A_32] {strides = array<i32>} : memref<512xf32, #tpu.memory_space<vmem>>, vector<16xf32>,
    %get3A_34 = arith.constant 112 : index
    %get3A_35 = tpu.vector_load %arg20[%get3A_34] {strides = array<i32>} : memref<512xf32, #tpu.memory_space<vmem>>, vector<16xf32>,
    %get3A_36 = arith.constant 128 : index
    %get3A_37 = tpu.vector_load %arg20[%get3A_36] {strides = array<i32>} : memref<512xf32, #tpu.memory_space<vmem>>, vector<16xf32>,
    %get3A_38 = arith.constant 144 : index
    %get3A_39 = tpu.vector_load %arg20[%get3A_38] {strides = array<i32>} : memref<512xf32, #tpu.memory_space<vmem>>, vector<16xf32>,
    %get3A_40 = arith.constant 160 : index
    %get3A_41 = tpu.vector_load %arg20[%get3A_40] {strides = array<i32>} : memref<512xf32, #tpu.memory_space<vmem>>, vector<16xf32>,
    %get3A_42 = arith.constant 176 : index
    %get3A_43 = tpu.vector_load %arg20[%get3A_42] {strides = array<i32>} : memref<512xf32, #tpu.memory_space<vmem>>, vector<16xf32>,
    %get3A_44 = arith.constant 192 : index
    %get3A_45 = tpu.vector_load %arg20[%get3A_44] {strides = array<i32>} : memref<512xf32, #tpu.memory_space<vmem>>, vector<16xf32>,
    %get3A_46 = arith.constant 208 : index
    %get3A_47 = tpu.vector_load %arg20[%get3A_46] {strides = array<i32>} : memref<512xf32, #tpu.memory_space<vmem>>, vector<16xf32>,
    %get3A_48 = arith.constant 224 : index
    %get3A_49 = tpu.vector_load %arg20[%get3A_48] {strides = array<i32>} : memref<512xf32, #tpu.memory_space<vmem>>, vector<16xf32>,
    %get3A_50 = arith.constant 240 : index
    %get3A_51 = tpu.vector_load %arg20[%get3A_50] {strides = array<i32>} : memref<512xf32, #tpu.memory_space<vmem>>, vector<16xf32>,
    %get3A_52 = arith.constant 256 : index
    %get3A_53 = tpu.vector_load %arg20[%get3A_52] {strides = array<i32>} : memref<512xf32, #tpu.memory_space<vmem>>, vector<16xf32>,
    %get3A_54 = arith.constant 272 : index
    %get3A_55 = tpu.vector_load %arg20[%get3A_54] {strides = array<i32>} : memref<512xf32, #tpu.memory_space<vmem>>, vector<16xf32>,
    %get3A_56 = arith.constant 288 : index
    %get3A_57 = tpu.vector_load %arg20[%get3A_56] {strides = array<i32>} : memref<512xf32, #tpu.memory_space<vmem>>, vector<16xf32>,
    %get3A_58 = arith.constant 304 : index
    %get3A_59 = tpu.vector_load %arg20[%get3A_58] {strides = array<i32>} : memref<512xf32, #tpu.memory_space<vmem>>, vector<16xf32>,
    %get3A_60 = arith.constant 320 : index
    %get3A_61 = tpu.vector_load %arg20[%get3A_60] {strides = array<i32>} : memref<512xf32, #tpu.memory_space<vmem>>, vector<16xf32>,
    %get3A_62 = arith.constant 336 : index
    %get3A_63 = tpu.vector_load %arg20[%get3A_62] {strides = array<i32>} : memref<512xf32, #tpu.memory_space<vmem>>, vector<16xf32>,
    %get3A_64 = arith.constant 352 : index
    %get3A_65 = tpu.vector_load %arg20[%get3A_64] {strides = array<i32>} : memref<512xf32, #tpu.memory_space<vmem>>, vector<16xf32>,
    %get3A_66 = arith.constant 368 : index
    %get3A_67 = tpu.vector_load %arg20[%get3A_66] {strides = array<i32>} : memref<512xf32, #tpu.memory_space<vmem>>, vector<16xf32>,
    %get3A_68 = arith.constant 384 : index
    %get3A_69 = tpu.vector_load %arg20[%get3A_68] {strides = array<i32>} : memref<512xf32, #tpu.memory_space<vmem>>, vector<16xf32>,
    %get3A_70 = arith.constant 400 : index
    %get3A_71 = tpu.vector_load %arg20[%get3A_70] {strides = array<i32>} : memref<512xf32, #tpu.memory_space<vmem>>, vector<16xf32>,
    %get3A_72 = arith.constant 416 : index
    %get3A_73 = tpu.vector_load %arg20[%get3A_72] {strides = array<i32>} : memref<512xf32, #tpu.memory_space<vmem>>, vector<16xf32>,
    %get3A_74 = arith.constant 432 : index
    %get3A_75 = tpu.vector_load %arg20[%get3A_74] {strides = array<i32>} : memref<512xf32, #tpu.memory_space<vmem>>, vector<16xf32>,
    %get3A_76 = arith.constant 448 : index
    %get3A_77 = tpu.vector_load %arg20[%get3A_76] {strides = array<i32>} : memref<512xf32, #tpu.memory_space<vmem>>, vector<16xf32>,
    %get3A_78 = arith.constant 464 : index
    %get3A_79 = tpu.vector_load %arg20[%get3A_78] {strides = array<i32>} : memref<512xf32, #tpu.memory_space<vmem>>, vector<16xf32>,
    %get3A_80 = arith.constant 480 : index
    %get3A_81 = tpu.vector_load %arg20[%get3A_80] {strides = array<i32>} : memref<512xf32, #tpu.memory_space<vmem>>, vector<16xf32>,
    %get3A_82 = arith.constant 496 : index
    %get3A_83 = tpu.vector_load %arg20[%get3A_82] {strides = array<i32>} : memref<512xf32, #tpu.memory_space<vmem>>, vector<16xf32>,
    %scan3A = arith.constant 0 : i32
    %scan3A_84 = arith.constant 0 : i32
    %scan3A_85 = arith.constant 625 : i32
    %scan3A_86 = arith.addi %scan3A_84, %scan3A_85 : i32
    %scan3A_87 = arith.constant 1 : i32
    %scan3A_88 = scf.for %scan3A_135 = %scan3A_84 to %scan3A_86 step %scan3A_87 iter_args(%scan3A_136 = %scan3A) -> (i32)  : i32 {
      %get3A_137 = arith.index_cast %scan3A_135 : i32 to index
      %get3A_138 = arith.constant 0 : index
      %get3A_139 = tpu.vector_load %arg16[%get3A_137, %get3A_138] {strides = array<i32>} : memref<625x16xf32, #tpu.memory_space<vmem>>, vector<16xf32>,
      %get3A_140 = arith.index_cast %scan3A_135 : i32 to index
      %get3A_141 = arith.constant 0 : index
      %get3A_142 = tpu.vector_load %arg17[%get3A_140, %get3A_141] {strides = array<i32>} : memref<625x16xf32, #tpu.memory_space<vmem>>, vector<16xf32>,
      %add3A_143 = arith.addf %get3A_139, %get3A_142 : vector<16xf32>
      %max3A = arith.constant 1.000000e+00 : f32
      %max3A_144 = vector.broadcast %max3A : f32 to vector<16xf32>
      %max3A_145 = arith.maximumf %add3A_143, %max3A_144 : vector<16xf32>
      %div3A = arith.constant 1.000000e+00 : f32
      %div3A_146 = vector.broadcast %div3A : f32 to vector<16xf32>
      %div3A_147 = arith.divf %div3A_146, %max3A_145 : vector<16xf32>
      %get3A_148 = arith.index_cast %scan3A_135 : i32 to index
      %get3A_149 = arith.constant 0 : index
      %get3A_150 = tpu.vector_load %arg14[%get3A_148, %get3A_149] {strides = array<i32>} : memref<625x16xf32, #tpu.memory_space<vmem>>, vector<16xf32>,
      %get3A_151 = arith.index_cast %scan3A_135 : i32 to index
      %get3A_152 = arith.constant 0 : index
      %get3A_153 = tpu.vector_load %arg15[%get3A_151, %get3A_152] {strides = array<i32>} : memref<625x16xf32, #tpu.memory_space<vmem>>, vector<16xf32>,
      %add3A_154 = arith.addf %get3A_150, %get3A_153 : vector<16xf32>
      %mul3A_155 = arith.mulf %add3A_154, %div3A_147 : vector<16xf32>
      %add3A_156 = arith.addf %mul3A_155, %get3A_19 : vector<16xf32>
      %get3A_157 = arith.index_cast %scan3A_135 : i32 to index
      %get3A_158 = arith.constant 0 : index
      %get3A_159 = tpu.vector_load %arg18[%get3A_157, %get3A_158] {strides = array<i32>} : memref<625x16xf32, #tpu.memory_space<vmem>>, vector<16xf32>,
      %add3A_160 = arith.addf %add3A_156, %get3A_159 : vector<16xf32>
      %max3A_161 = arith.constant 0.000000e+00 : f32
      %max3A_162 = vector.broadcast %max3A_161 : f32 to vector<16xf32>
      %max3A_163 = arith.maximumf %add3A_160, %max3A_162 : vector<16xf32>
      %swap3A = arith.index_cast %scan3A_135 : i32 to index
      %swap3A_164 = arith.constant 0 : index
      %swap3A_165 = tpu.vector_load %arg14[%swap3A, %swap3A_164] {strides = array<i32>} : memref<625x16xf32, #tpu.memory_space<vmem>>, vector<16xf32>,
      tpu.vector_store %arg14[%swap3A, %swap3A_164], %max3A_163 {strides = array<i32>} : memref<625x16xf32, #tpu.memory_space<vmem>>, vector<16xf32>,
      %swap3A_166 = arith.index_cast %scan3A_135 : i32 to index
      %swap3A_167 = arith.constant 16 : index
      %swap3A_168 = tpu.vector_load %arg19[%swap3A_166, %swap3A_167] {strides = array<i32>} : memref<625x32xf32, #tpu.memory_space<vmem>>, vector<16xf32>,
      tpu.vector_store %arg19[%swap3A_166, %swap3A_167], %div3A_147 {strides = array<i32>} : memref<625x32xf32, #tpu.memory_space<vmem>>, vector<16xf32>,
      %scan3A_169 = arith.constant 0 : i32
      scf.yield %scan3A_169 : i32
    }
    %scan3A_89 = arith.constant 625 : i32
    %scan3A_90 = arith.constant 0 : i32
    %scan3A_91 = arith.constant 0 : i32
    %scan3A_92 = arith.constant 625 : i32
    %scan3A_93 = arith.addi %scan3A_91, %scan3A_92 : i32
    %scan3A_94 = arith.constant 1 : i32
    %scan3A_95 = scf.for %scan3A_135 = %scan3A_91 to %scan3A_93 step %scan3A_94 iter_args(%scan3A_136 = %scan3A_90) -> (i32)  : i32 {
      %get3A_137 = arith.index_cast %scan3A_135 : i32 to index
      %get3A_138 = arith.constant 0 : index
      %get3A_139 = tpu.vector_load %arg14[%get3A_137, %get3A_138] {strides = array<i32>} : memref<625x16xf32, #tpu.memory_space<vmem>>, vector<16xf32>,
      %broadcast_in_dim3A = arith.constant 0.000000e+00 : f32
      %broadcast_in_dim3A_140 = vector.broadcast %broadcast_in_dim3A : f32 to vector<16xf32>
      %broadcast_in_dim3A_141 = arith.constant 0.000000e+00 : f32
      %broadcast_in_dim3A_142 = vector.broadcast %broadcast_in_dim3A_141 : f32 to vector<16xf32>
      %slice3A = vector.extract_strided_slice %get3A_139 {offsets = [0], sizes = [1], strides = [1]} : vector<16xf32> to vector<1xf32>
      %squeeze3A = vector.extract %slice3A[0] : f32 from vector<1xf32>
      %mul3A_143 = vector.broadcast %squeeze3A : f32 to vector<16xf32>
      %mul3A_144 = arith.mulf %mul3A_143, %get3A_21 : vector<16xf32>
      %add3A_145 = arith.addf %broadcast_in_dim3A_140, %mul3A_144 : vector<16xf32>
      %mul3A_146 = vector.broadcast %squeeze3A : f32 to vector<16xf32>
      %mul3A_147 = arith.mulf %mul3A_146, %get3A_53 : vector<16xf32>
      %add3A_148 = arith.addf %broadcast_in_dim3A_142, %mul3A_147 : vector<16xf32>
      %slice3A_149 = vector.extract_strided_slice %get3A_139 {offsets = [1], sizes = [1], strides = [1]} : vector<16xf32> to vector<1xf32>
      %squeeze3A_150 = vector.extract %slice3A_149[0] : f32 from vector<1xf32>
      %mul3A_151 = vector.broadcast %squeeze3A_150 : f32 to vector<16xf32>
      %mul3A_152 = arith.mulf %mul3A_151, %get3A_23 : vector<16xf32>
      %add3A_153 = arith.addf %add3A_145, %mul3A_152 : vector<16xf32>
      %mul3A_154 = vector.broadcast %squeeze3A_150 : f32 to vector<16xf32>
      %mul3A_155 = arith.mulf %mul3A_154, %get3A_55 : vector<16xf32>
      %add3A_156 = arith.addf %add3A_148, %mul3A_155 : vector<16xf32>
      %slice3A_157 = vector.extract_strided_slice %get3A_139 {offsets = [2], sizes = [1], strides = [1]} : vector<16xf32> to vector<1xf32>
      %squeeze3A_158 = vector.extract %slice3A_157[0] : f32 from vector<1xf32>
      %mul3A_159 = vector.broadcast %squeeze3A_158 : f32 to vector<16xf32>
      %mul3A_160 = arith.mulf %mul3A_159, %get3A_25 : vector<16xf32>
      %add3A_161 = arith.addf %add3A_153, %mul3A_160 : vector<16xf32>
      %mul3A_162 = vector.broadcast %squeeze3A_158 : f32 to vector<16xf32>
      %mul3A_163 = arith.mulf %mul3A_162, %get3A_57 : vector<16xf32>
      %add3A_164 = arith.addf %add3A_156, %mul3A_163 : vector<16xf32>
      %slice3A_165 = vector.extract_strided_slice %get3A_139 {offsets = [3], sizes = [1], strides = [1]} : vector<16xf32> to vector<1xf32>
      %squeeze3A_166 = vector.extract %slice3A_165[0] : f32 from vector<1xf32>
      %mul3A_167 = vector.broadcast %squeeze3A_166 : f32 to vector<16xf32>
      %mul3A_168 = arith.mulf %mul3A_167, %get3A_27 : vector<16xf32>
      %add3A_169 = arith.addf %add3A_161, %mul3A_168 : vector<16xf32>
      %mul3A_170 = vector.broadcast %squeeze3A_166 : f32 to vector<16xf32>
      %mul3A_171 = arith.mulf %mul3A_170, %get3A_59 : vector<16xf32>
      %add3A_172 = arith.addf %add3A_164, %mul3A_171 : vector<16xf32>
      %slice3A_173 = vector.extract_strided_slice %get3A_139 {offsets = [4], sizes = [1], strides = [1]} : vector<16xf32> to vector<1xf32>
      %squeeze3A_174 = vector.extract %slice3A_173[0] : f32 from vector<1xf32>
      %mul3A_175 = vector.broadcast %squeeze3A_174 : f32 to vector<16xf32>
      %mul3A_176 = arith.mulf %mul3A_175, %get3A_29 : vector<16xf32>
      %add3A_177 = arith.addf %add3A_169, %mul3A_176 : vector<16xf32>
      %mul3A_178 = vector.broadcast %squeeze3A_174 : f32 to vector<16xf32>
      %mul3A_179 = arith.mulf %mul3A_178, %get3A_61 : vector<16xf32>
      %add3A_180 = arith.addf %add3A_172, %mul3A_179 : vector<16xf32>
      %slice3A_181 = vector.extract_strided_slice %get3A_139 {offsets = [5], sizes = [1], strides = [1]} : vector<16xf32> to vector<1xf32>
      %squeeze3A_182 = vector.extract %slice3A_181[0] : f32 from vector<1xf32>
      %mul3A_183 = vector.broadcast %squeeze3A_182 : f32 to vector<16xf32>
      %mul3A_184 = arith.mulf %mul3A_183, %get3A_31 : vector<16xf32>
      %add3A_185 = arith.addf %add3A_177, %mul3A_184 : vector<16xf32>
      %mul3A_186 = vector.broadcast %squeeze3A_182 : f32 to vector<16xf32>
      %mul3A_187 = arith.mulf %mul3A_186, %get3A_63 : vector<16xf32>
      %add3A_188 = arith.addf %add3A_180, %mul3A_187 : vector<16xf32>
      %slice3A_189 = vector.extract_strided_slice %get3A_139 {offsets = [6], sizes = [1], strides = [1]} : vector<16xf32> to vector<1xf32>
      %squeeze3A_190 = vector.extract %slice3A_189[0] : f32 from vector<1xf32>
      %mul3A_191 = vector.broadcast %squeeze3A_190 : f32 to vector<16xf32>
      %mul3A_192 = arith.mulf %mul3A_191, %get3A_33 : vector<16xf32>
      %add3A_193 = arith.addf %add3A_185, %mul3A_192 : vector<16xf32>
      %mul3A_194 = vector.broadcast %squeeze3A_190 : f32 to vector<16xf32>
      %mul3A_195 = arith.mulf %mul3A_194, %get3A_65 : vector<16xf32>
      %add3A_196 = arith.addf %add3A_188, %mul3A_195 : vector<16xf32>
      %slice3A_197 = vector.extract_strided_slice %get3A_139 {offsets = [7], sizes = [1], strides = [1]} : vector<16xf32> to vector<1xf32>
      %squeeze3A_198 = vector.extract %slice3A_197[0] : f32 from vector<1xf32>
      %mul3A_199 = vector.broadcast %squeeze3A_198 : f32 to vector<16xf32>
      %mul3A_200 = arith.mulf %mul3A_199, %get3A_35 : vector<16xf32>
      %add3A_201 = arith.addf %add3A_193, %mul3A_200 : vector<16xf32>
      %mul3A_202 = vector.broadcast %squeeze3A_198 : f32 to vector<16xf32>
      %mul3A_203 = arith.mulf %mul3A_202, %get3A_67 : vector<16xf32>
      %add3A_204 = arith.addf %add3A_196, %mul3A_203 : vector<16xf32>
      %slice3A_205 = vector.extract_strided_slice %get3A_139 {offsets = [8], sizes = [1], strides = [1]} : vector<16xf32> to vector<1xf32>
      %squeeze3A_206 = vector.extract %slice3A_205[0] : f32 from vector<1xf32>
      %mul3A_207 = vector.broadcast %squeeze3A_206 : f32 to vector<16xf32>
      %mul3A_208 = arith.mulf %mul3A_207, %get3A_37 : vector<16xf32>
      %add3A_209 = arith.addf %add3A_201, %mul3A_208 : vector<16xf32>
      %mul3A_210 = vector.broadcast %squeeze3A_206 : f32 to vector<16xf32>
      %mul3A_211 = arith.mulf %mul3A_210, %get3A_69 : vector<16xf32>
      %add3A_212 = arith.addf %add3A_204, %mul3A_211 : vector<16xf32>
      %slice3A_213 = vector.extract_strided_slice %get3A_139 {offsets = [9], sizes = [1], strides = [1]} : vector<16xf32> to vector<1xf32>
      %squeeze3A_214 = vector.extract %slice3A_213[0] : f32 from vector<1xf32>
      %mul3A_215 = vector.broadcast %squeeze3A_214 : f32 to vector<16xf32>
      %mul3A_216 = arith.mulf %mul3A_215, %get3A_39 : vector<16xf32>
      %add3A_217 = arith.addf %add3A_209, %mul3A_216 : vector<16xf32>
      %mul3A_218 = vector.broadcast %squeeze3A_214 : f32 to vector<16xf32>
      %mul3A_219 = arith.mulf %mul3A_218, %get3A_71 : vector<16xf32>
      %add3A_220 = arith.addf %add3A_212, %mul3A_219 : vector<16xf32>
      %slice3A_221 = vector.extract_strided_slice %get3A_139 {offsets = [10], sizes = [1], strides = [1]} : vector<16xf32> to vector<1xf32>
      %squeeze3A_222 = vector.extract %slice3A_221[0] : f32 from vector<1xf32>
      %mul3A_223 = vector.broadcast %squeeze3A_222 : f32 to vector<16xf32>
      %mul3A_224 = arith.mulf %mul3A_223, %get3A_41 : vector<16xf32>
      %add3A_225 = arith.addf %add3A_217, %mul3A_224 : vector<16xf32>
      %mul3A_226 = vector.broadcast %squeeze3A_222 : f32 to vector<16xf32>
      %mul3A_227 = arith.mulf %mul3A_226, %get3A_73 : vector<16xf32>
      %add3A_228 = arith.addf %add3A_220, %mul3A_227 : vector<16xf32>
      %slice3A_229 = vector.extract_strided_slice %get3A_139 {offsets = [11], sizes = [1], strides = [1]} : vector<16xf32> to vector<1xf32>
      %squeeze3A_230 = vector.extract %slice3A_229[0] : f32 from vector<1xf32>
      %mul3A_231 = vector.broadcast %squeeze3A_230 : f32 to vector<16xf32>
      %mul3A_232 = arith.mulf %mul3A_231, %get3A_43 : vector<16xf32>
      %add3A_233 = arith.addf %add3A_225, %mul3A_232 : vector<16xf32>
      %mul3A_234 = vector.broadcast %squeeze3A_230 : f32 to vector<16xf32>
      %mul3A_235 = arith.mulf %mul3A_234, %get3A_75 : vector<16xf32>
      %add3A_236 = arith.addf %add3A_228, %mul3A_235 : vector<16xf32>
      %slice3A_237 = vector.extract_strided_slice %get3A_139 {offsets = [12], sizes = [1], strides = [1]} : vector<16xf32> to vector<1xf32>
      %squeeze3A_238 = vector.extract %slice3A_237[0] : f32 from vector<1xf32>
      %mul3A_239 = vector.broadcast %squeeze3A_238 : f32 to vector<16xf32>
      %mul3A_240 = arith.mulf %mul3A_239, %get3A_45 : vector<16xf32>
      %add3A_241 = arith.addf %add3A_233, %mul3A_240 : vector<16xf32>
      %mul3A_242 = vector.broadcast %squeeze3A_238 : f32 to vector<16xf32>
      %mul3A_243 = arith.mulf %mul3A_242, %get3A_77 : vector<16xf32>
      %add3A_244 = arith.addf %add3A_236, %mul3A_243 : vector<16xf32>
      %slice3A_245 = vector.extract_strided_slice %get3A_139 {offsets = [13], sizes = [1], strides = [1]} : vector<16xf32> to vector<1xf32>
      %squeeze3A_246 = vector.extract %slice3A_245[0] : f32 from vector<1xf32>
      %mul3A_247 = vector.broadcast %squeeze3A_246 : f32 to vector<16xf32>
      %mul3A_248 = arith.mulf %mul3A_247, %get3A_47 : vector<16xf32>
      %add3A_249 = arith.addf %add3A_241, %mul3A_248 : vector<16xf32>
      %mul3A_250 = vector.broadcast %squeeze3A_246 : f32 to vector<16xf32>
      %mul3A_251 = arith.mulf %mul3A_250, %get3A_79 : vector<16xf32>
      %add3A_252 = arith.addf %add3A_244, %mul3A_251 : vector<16xf32>
      %slice3A_253 = vector.extract_strided_slice %get3A_139 {offsets = [14], sizes = [1], strides = [1]} : vector<16xf32> to vector<1xf32>
      %squeeze3A_254 = vector.extract %slice3A_253[0] : f32 from vector<1xf32>
      %mul3A_255 = vector.broadcast %squeeze3A_254 : f32 to vector<16xf32>
      %mul3A_256 = arith.mulf %mul3A_255, %get3A_49 : vector<16xf32>
      %add3A_257 = arith.addf %add3A_249, %mul3A_256 : vector<16xf32>
      %mul3A_258 = vector.broadcast %squeeze3A_254 : f32 to vector<16xf32>
      %mul3A_259 = arith.mulf %mul3A_258, %get3A_81 : vector<16xf32>
      %add3A_260 = arith.addf %add3A_252, %mul3A_259 : vector<16xf32>
      %slice3A_261 = vector.extract_strided_slice %get3A_139 {offsets = [15], sizes = [1], strides = [1]} : vector<16xf32> to vector<1xf32>
      %squeeze3A_262 = vector.extract %slice3A_261[0] : f32 from vector<1xf32>
      %mul3A_263 = vector.broadcast %squeeze3A_262 : f32 to vector<16xf32>
      %mul3A_264 = arith.mulf %mul3A_263, %get3A_51 : vector<16xf32>
      %add3A_265 = arith.addf %add3A_257, %mul3A_264 : vector<16xf32>
      %mul3A_266 = vector.broadcast %squeeze3A_262 : f32 to vector<16xf32>
      %mul3A_267 = arith.mulf %mul3A_266, %get3A_83 : vector<16xf32>
      %add3A_268 = arith.addf %add3A_260, %mul3A_267 : vector<16xf32>
      %swap3A = arith.index_cast %scan3A_135 : i32 to index
      %swap3A_269 = arith.constant 0 : index
      %swap3A_270 = tpu.vector_load %arg16[%swap3A, %swap3A_269] {strides = array<i32>} : memref<625x16xf32, #tpu.memory_space<vmem>>, vector<16xf32>,
      tpu.vector_store %arg16[%swap3A, %swap3A_269], %add3A_265 {strides = array<i32>} : memref<625x16xf32, #tpu.memory_space<vmem>>, vector<16xf32>,
      %swap3A_271 = arith.index_cast %scan3A_135 : i32 to index
      %swap3A_272 = arith.constant 0 : index
      %swap3A_273 = tpu.vector_load %arg19[%swap3A_271, %swap3A_272] {strides = array<i32>} : memref<625x32xf32, #tpu.memory_space<vmem>>, vector<16xf32>,
      tpu.vector_store %arg19[%swap3A_271, %swap3A_272], %add3A_268 {strides = array<i32>} : memref<625x32xf32, #tpu.memory_space<vmem>>, vector<16xf32>,
      %scan3A_274 = arith.constant 0 : i32
      scf.yield %scan3A_274 : i32
    }
    %scan3A_96 = arith.constant 625 : i32
    "tpu.region"() ({
      %run_scoped3A_135 = tpu.sem_alloc : memref<!tpu.dma_semaphore, #tpu.memory_space<semaphore_mem>>
      %dma_start3A_136 = arith.constant 0 : i32
      %dma_start3A_137 = tpu.memref_slice %arg23[%mul3A_4, %dma_start3A_136] : memref<10000x16xf32, #tpu.memory_space<vmem_shared>> -> memref<625x16xf32, #tpu.memory_space<vmem_shared>>
      %dma_start3A_138 = arith.constant 0 : i32
      %dma_start3A_139 = tpu.memref_slice %arg23[%mul3A_4, %dma_start3A_138] : memref<10000x16xf32, #tpu.memory_space<vmem_shared>> -> memref<625x16xf32, #tpu.memory_space<vmem_shared>>
      tpu.enqueue_dma source(%arg16 : memref<625x16xf32, #tpu.memory_space<vmem>>) target(%dma_start3A_139 : memref<625x16xf32, #tpu.memory_space<vmem_shared>>) target_semaphore(%run_scoped3A_135 : memref<!tpu.dma_semaphore, #tpu.memory_space<semaphore_mem>>)
      %dma_wait3A_140 = arith.constant 0 : i32
      %dma_wait3A_141 = tpu.memref_slice %arg23[%mul3A_4, %dma_wait3A_140] : memref<10000x16xf32, #tpu.memory_space<vmem_shared>> -> memref<625x16xf32, #tpu.memory_space<vmem_shared>>
      %dma_wait3A_142 = arith.constant 0 : i32
      %dma_wait3A_143 = tpu.memref_slice %arg23[%mul3A_4, %dma_wait3A_142] : memref<10000x16xf32, #tpu.memory_space<vmem_shared>> -> memref<625x16xf32, #tpu.memory_space<vmem_shared>>
      tpu.wait_dma2 semaphore(%run_scoped3A_135 : memref<!tpu.dma_semaphore, #tpu.memory_space<semaphore_mem>>) src(%arg16 : memref<625x16xf32, #tpu.memory_space<vmem>>) dst(%dma_wait3A_143 : memref<625x16xf32, #tpu.memory_space<vmem_shared>>)
      tpu.yield
    }) : () -> ()
    %eq3A = arith.constant 0 : i32
    %eq3A_97 = arith.cmpi eq, %arg0, %eq3A : i32
    %convert_element_type3A_98 = arith.extui %eq3A_97 : i1 to i32
    %cond3A_99 = arith.constant 0 : i32
    %cond3A_100 = arith.cmpi ne, %convert_element_type3A_98, %cond3A_99 : i32
    scf.if %cond3A_100 {
      "tpu.region"() ({
        %run_scoped3A_135 = tpu.sem_alloc : memref<!tpu.dma_semaphore, #tpu.memory_space<semaphore_mem>>
        %dma_start3A_136 = arith.constant 0 : i32
        %dma_start3A_137 = tpu.memref_slice %arg10[%mul3A_4, %dma_start3A_136] : memref<10240x32xf32, #tpu.memory_space<hbm>> -> memref<625x32xf32, #tpu.memory_space<hbm>>
        %dma_start3A_138 = arith.constant 0 : i32
        %dma_start3A_139 = tpu.memref_slice %arg10[%mul3A_4, %dma_start3A_138] : memref<10240x32xf32, #tpu.memory_space<hbm>> -> memref<625x32xf32, #tpu.memory_space<hbm>>
        tpu.enqueue_dma source(%arg19 : memref<625x32xf32, #tpu.memory_space<vmem>>) target(%dma_start3A_139 : memref<625x32xf32, #tpu.memory_space<hbm>>) target_semaphore(%run_scoped3A_135 : memref<!tpu.dma_semaphore, #tpu.memory_space<semaphore_mem>>)
        %dma_wait3A_140 = arith.constant 0 : i32
        %dma_wait3A_141 = tpu.memref_slice %arg10[%mul3A_4, %dma_wait3A_140] : memref<10240x32xf32, #tpu.memory_space<hbm>> -> memref<625x32xf32, #tpu.memory_space<hbm>>
        %dma_wait3A_142 = arith.constant 0 : i32
        %dma_wait3A_143 = tpu.memref_slice %arg10[%mul3A_4, %dma_wait3A_142] : memref<10240x32xf32, #tpu.memory_space<hbm>> -> memref<625x32xf32, #tpu.memory_space<hbm>>
        tpu.wait_dma2 semaphore(%run_scoped3A_135 : memref<!tpu.dma_semaphore, #tpu.memory_space<semaphore_mem>>) src(%arg19 : memref<625x32xf32, #tpu.memory_space<vmem>>) dst(%dma_wait3A_143 : memref<625x32xf32, #tpu.memory_space<hbm>>)
        tpu.yield
      }) : () -> ()
    } else {
    }
    %barrier3A = arith.constant 0 : index
    tpu.barrier barrier_id(%barrier3A)
    %dma_start3A = arith.constant 0 : i32
    %dma_start3A_101 = arith.constant 0 : i32
    %dma_start3A_102 = arith.constant 0 : i32
    %dma_start3A_103 = arith.constant 0 : i32
    %dma_start3A_104 = tpu.memref_slice %arg13[%dma_start3A_101, %dma_start3A_102, %dma_start3A_103] : memref<2x128x16xf32, #tpu.memory_space<vmem>> -> memref<1x128x16xf32, #tpu.memory_space<vmem>>
    %dma_start3A_105 = tpu.memref_squeeze %dma_start3A_104 : memref<1x128x16xf32, #tpu.memory_space<vmem>> -> memref<128x16xf32, #tpu.memory_space<vmem>>
    %dma_start3A_106 = arith.constant 0 : i32
    %dma_start3A_107 = tpu.memref_slice %arg11[%dma_start3A, %dma_start3A_106] : memref<79x128xi32, #tpu.memory_space<vmem>> -> memref<1x128xi32, #tpu.memory_space<vmem>>
    %dma_start3A_108 = tpu.memref_squeeze %dma_start3A_107 : memref<1x128xi32, #tpu.memory_space<vmem>> -> memref<128xi32, #tpu.memory_space<vmem>>
    %dma_start3A_109 = arith.constant 0 : i32
    %dma_start3A_110 = arith.constant 0 : i32
    %dma_start3A_111 = tpu.memref_slice %arg23[%dma_start3A_109, %dma_start3A_110] : memref<10000x16xf32, #tpu.memory_space<vmem_shared>> -> memref<10000x16xf32, #tpu.memory_space<vmem_shared>>
    tpu.enqueue_indirect_dma source(%dma_start3A_111 : memref<10000x16xf32, #tpu.memory_space<vmem_shared>>) target(%dma_start3A_105 : memref<128x16xf32, #tpu.memory_space<vmem>>) offsets(%dma_start3A_108 : memref<128xi32, #tpu.memory_space<vmem>>) semaphore(%arg24 : memref<!tpu.dma_semaphore, #tpu.memory_space<semaphore_mem>>)
    %while3A = arith.constant 0 : i32
    %while3A_112 = arith.constant 0 : i32
    %while3A_113 = arith.subi %add3A_10, %while3A : i32
    %while3A_114 = arith.addi %while3A, %while3A_113 : i32
    %while3A_115 = arith.constant 1 : i32
    %while3A_116 = arith.divsi %while3A_113, %while3A_115 : i32
    %while3A_117 = arith.muli %while3A_116, %while3A_115 : i32
    %while3A_118 = arith.addi %while3A, %while3A_117 : i32
    %while3A_119 = arith.constant 1 : i32
    %while3A_120 = scf.for %while3A_135 = %while3A to %while3A_118 step %while3A_119 iter_args(%while3A_136 = %while3A_112) -> (i32)  : i32 {
      %rem3A = arith.constant 2 : i32
      %rem3A_137 = arith.remsi %while3A_135, %rem3A : i32
      %dma_wait3A_138 = arith.constant 0 : i32
      %dma_wait3A_139 = arith.constant 0 : i32
      %dma_wait3A_140 = arith.constant 0 : i32
      %dma_wait3A_141 = arith.constant 0 : i32
      %dma_wait3A_142 = tpu.memref_slice %arg13[%dma_wait3A_139, %dma_wait3A_140, %dma_wait3A_141] : memref<2x128x16xf32, #tpu.memory_space<vmem>> -> memref<1x128x16xf32, #tpu.memory_space<vmem>>
      %dma_wait3A_143 = tpu.memref_squeeze %dma_wait3A_142 : memref<1x128x16xf32, #tpu.memory_space<vmem>> -> memref<128x16xf32, #tpu.memory_space<vmem>>
      %dma_wait3A_144 = arith.constant 0 : i32
      %dma_wait3A_145 = tpu.memref_slice %arg11[%dma_wait3A_138, %dma_wait3A_144] : memref<79x128xi32, #tpu.memory_space<vmem>> -> memref<1x128xi32, #tpu.memory_space<vmem>>
      %dma_wait3A_146 = tpu.memref_squeeze %dma_wait3A_145 : memref<1x128xi32, #tpu.memory_space<vmem>> -> memref<128xi32, #tpu.memory_space<vmem>>
      %dma_wait3A_147 = arith.constant 0 : i32
      %dma_wait3A_148 = arith.constant 0 : i32
      %dma_wait3A_149 = tpu.memref_slice %arg23[%dma_wait3A_147, %dma_wait3A_148] : memref<10000x16xf32, #tpu.memory_space<vmem_shared>> -> memref<10000x16xf32, #tpu.memory_space<vmem_shared>>
      tpu.wait_indirect_dma semaphore(%arg24 : memref<!tpu.dma_semaphore, #tpu.memory_space<semaphore_mem>>) src(%dma_wait3A_149 : memref<10000x16xf32, #tpu.memory_space<vmem_shared>>) dst(%dma_wait3A_143 : memref<128x16xf32, #tpu.memory_space<vmem>>)
      %ge3A = arith.constant 1 : i32
      %ge3A_150 = arith.cmpi sge, %while3A_135, %ge3A : i32
      %convert_element_type3A_151 = arith.extui %ge3A_150 : i1 to i32
      %cond3A_152 = arith.constant 0 : i32
      %cond3A_153 = arith.cmpi ne, %convert_element_type3A_151, %cond3A_152 : i32
      scf.if %cond3A_153 {
        %dma_wait3A_171 = arith.constant 0 : i32
        %dma_wait3A_172 = arith.constant 0 : i32
        %dma_wait3A_173 = arith.constant 0 : i32
        %dma_wait3A_174 = arith.constant 0 : i32
        %dma_wait3A_175 = tpu.memref_slice %arg13[%dma_wait3A_171, %dma_wait3A_173, %dma_wait3A_174] : memref<2x128x16xf32, #tpu.memory_space<vmem>> -> memref<1x128x16xf32, #tpu.memory_space<vmem>>
        %dma_wait3A_176 = tpu.memref_squeeze %dma_wait3A_175 : memref<1x128x16xf32, #tpu.memory_space<vmem>> -> memref<128x16xf32, #tpu.memory_space<vmem>>
        %dma_wait3A_177 = arith.constant 0 : i32
        %dma_wait3A_178 = tpu.memref_slice %arg12[%dma_wait3A_172, %dma_wait3A_177] : memref<79x128xi32, #tpu.memory_space<vmem>> -> memref<1x128xi32, #tpu.memory_space<vmem>>
        %dma_wait3A_179 = tpu.memref_squeeze %dma_wait3A_178 : memref<1x128xi32, #tpu.memory_space<vmem>> -> memref<128xi32, #tpu.memory_space<vmem>>
        %dma_wait3A_180 = arith.constant 0 : i32
        %dma_wait3A_181 = arith.constant 0 : i32
        %dma_wait3A_182 = tpu.memref_slice %arg22[%dma_wait3A_180, %dma_wait3A_181] : memref<10240x16xf32, #tpu.memory_space<vmem_shared>> -> memref<10240x16xf32, #tpu.memory_space<vmem_shared>>
        tpu.wait_indirect_dma semaphore(%arg25 : memref<!tpu.dma_semaphore, #tpu.memory_space<semaphore_mem>>) src(%dma_wait3A_176 : memref<128x16xf32, #tpu.memory_space<vmem>>) dst(%dma_wait3A_182 : memref<10240x16xf32, #tpu.memory_space<vmem_shared>>)
      } else {
      }
      %add3A_154 = arith.constant 1 : i32
      %add3A_155 = arith.addi %while3A_135, %add3A_154 : i32
      %lt3A_156 = arith.cmpi slt, %add3A_155, %add3A_10 : i32
      %convert_element_type3A_157 = arith.extui %lt3A_156 : i1 to i32
      %cond3A_158 = arith.constant 0 : i32
      %cond3A_159 = arith.cmpi ne, %convert_element_type3A_157, %cond3A_158 : i32
      scf.if %cond3A_159 {
        %add3A_171 = arith.constant 1 : i32
        %add3A_172 = arith.addi %while3A_135, %add3A_171 : i32
        %sub3A = arith.constant 1 : i32
        %sub3A_173 = arith.subi %sub3A, %rem3A_137 : i32
        %dma_start3A_174 = arith.constant 0 : i32
        %dma_start3A_175 = arith.constant 0 : i32
        %dma_start3A_176 = tpu.memref_slice %arg13[%sub3A_173, %dma_start3A_174, %dma_start3A_175] : memref<2x128x16xf32, #tpu.memory_space<vmem>> -> memref<1x128x16xf32, #tpu.memory_space<vmem>>
        %dma_start3A_177 = tpu.memref_squeeze %dma_start3A_176 : memref<1x128x16xf32, #tpu.memory_space<vmem>> -> memref<128x16xf32, #tpu.memory_space<vmem>>
        %dma_start3A_178 = arith.constant 0 : i32
        %dma_start3A_179 = tpu.memref_slice %arg11[%add3A_172, %dma_start3A_178] : memref<79x128xi32, #tpu.memory_space<vmem>> -> memref<1x128xi32, #tpu.memory_space<vmem>>
        %dma_start3A_180 = tpu.memref_squeeze %dma_start3A_179 : memref<1x128xi32, #tpu.memory_space<vmem>> -> memref<128xi32, #tpu.memory_space<vmem>>
        %dma_start3A_181 = arith.constant 0 : i32
        %dma_start3A_182 = arith.constant 0 : i32
        %dma_start3A_183 = tpu.memref_slice %arg23[%dma_start3A_181, %dma_start3A_182] : memref<10000x16xf32, #tpu.memory_space<vmem_shared>> -> memref<10000x16xf32, #tpu.memory_space<vmem_shared>>
        tpu.enqueue_indirect_dma source(%dma_start3A_183 : memref<10000x16xf32, #tpu.memory_space<vmem_shared>>) target(%dma_start3A_177 : memref<128x16xf32, #tpu.memory_space<vmem>>) offsets(%dma_start3A_180 : memref<128xi32, #tpu.memory_space<vmem>>) semaphore(%arg24 : memref<!tpu.dma_semaphore, #tpu.memory_space<semaphore_mem>>)
      } else {
      }
      %dma_start3A_160 = arith.constant 0 : i32
      %dma_start3A_161 = arith.constant 0 : i32
      %dma_start3A_162 = tpu.memref_slice %arg13[%rem3A_137, %dma_start3A_160, %dma_start3A_161] : memref<2x128x16xf32, #tpu.memory_space<vmem>> -> memref<1x128x16xf32, #tpu.memory_space<vmem>>
      %dma_start3A_163 = tpu.memref_squeeze %dma_start3A_162 : memref<1x128x16xf32, #tpu.memory_space<vmem>> -> memref<128x16xf32, #tpu.memory_space<vmem>>
      %dma_start3A_164 = arith.constant 0 : i32
      %dma_start3A_165 = tpu.memref_slice %arg12[%while3A_135, %dma_start3A_164] : memref<79x128xi32, #tpu.memory_space<vmem>> -> memref<1x128xi32, #tpu.memory_space<vmem>>
      %dma_start3A_166 = tpu.memref_squeeze %dma_start3A_165 : memref<1x128xi32, #tpu.memory_space<vmem>> -> memref<128xi32, #tpu.memory_space<vmem>>
      %dma_start3A_167 = arith.constant 0 : i32
      %dma_start3A_168 = arith.constant 0 : i32
      %dma_start3A_169 = tpu.memref_slice %arg22[%dma_start3A_167, %dma_start3A_168] : memref<10240x16xf32, #tpu.memory_space<vmem_shared>> -> memref<10240x16xf32, #tpu.memory_space<vmem_shared>>
      tpu.enqueue_indirect_dma source(%dma_start3A_163 : memref<128x16xf32, #tpu.memory_space<vmem>>) target(%dma_start3A_169 : memref<10240x16xf32, #tpu.memory_space<vmem_shared>>) offsets(%dma_start3A_166 : memref<128xi32, #tpu.memory_space<vmem>>) semaphore(%arg25 : memref<!tpu.dma_semaphore, #tpu.memory_space<semaphore_mem>>) {add = true}
      %while3A_170 = arith.constant 0 : i32
      scf.yield %while3A_170 : i32
    }
    %while3A_121 = arith.constant 1 : i32
    %while3A_122 = scf.for %while3A_135 = %while3A_118 to %while3A_114 step %while3A_121 iter_args(%while3A_136 = %while3A_120) -> (i32)  : i32 {
      %rem3A = arith.constant 2 : i32
      %rem3A_137 = arith.remsi %while3A_135, %rem3A : i32
      %dma_wait3A_138 = arith.constant 0 : i32
      %dma_wait3A_139 = arith.constant 0 : i32
      %dma_wait3A_140 = arith.constant 0 : i32
      %dma_wait3A_141 = arith.constant 0 : i32
      %dma_wait3A_142 = tpu.memref_slice %arg13[%dma_wait3A_139, %dma_wait3A_140, %dma_wait3A_141] : memref<2x128x16xf32, #tpu.memory_space<vmem>> -> memref<1x128x16xf32, #tpu.memory_space<vmem>>
      %dma_wait3A_143 = tpu.memref_squeeze %dma_wait3A_142 : memref<1x128x16xf32, #tpu.memory_space<vmem>> -> memref<128x16xf32, #tpu.memory_space<vmem>>
      %dma_wait3A_144 = arith.constant 0 : i32
      %dma_wait3A_145 = tpu.memref_slice %arg11[%dma_wait3A_138, %dma_wait3A_144] : memref<79x128xi32, #tpu.memory_space<vmem>> -> memref<1x128xi32, #tpu.memory_space<vmem>>
      %dma_wait3A_146 = tpu.memref_squeeze %dma_wait3A_145 : memref<1x128xi32, #tpu.memory_space<vmem>> -> memref<128xi32, #tpu.memory_space<vmem>>
      %dma_wait3A_147 = arith.constant 0 : i32
      %dma_wait3A_148 = arith.constant 0 : i32
      %dma_wait3A_149 = tpu.memref_slice %arg23[%dma_wait3A_147, %dma_wait3A_148] : memref<10000x16xf32, #tpu.memory_space<vmem_shared>> -> memref<10000x16xf32, #tpu.memory_space<vmem_shared>>
      tpu.wait_indirect_dma semaphore(%arg24 : memref<!tpu.dma_semaphore, #tpu.memory_space<semaphore_mem>>) src(%dma_wait3A_149 : memref<10000x16xf32, #tpu.memory_space<vmem_shared>>) dst(%dma_wait3A_143 : memref<128x16xf32, #tpu.memory_space<vmem>>)
      %ge3A = arith.constant 1 : i32
      %ge3A_150 = arith.cmpi sge, %while3A_135, %ge3A : i32
      %convert_element_type3A_151 = arith.extui %ge3A_150 : i1 to i32
      %cond3A_152 = arith.constant 0 : i32
      %cond3A_153 = arith.cmpi ne, %convert_element_type3A_151, %cond3A_152 : i32
      scf.if %cond3A_153 {
        %dma_wait3A_171 = arith.constant 0 : i32
        %dma_wait3A_172 = arith.constant 0 : i32
        %dma_wait3A_173 = arith.constant 0 : i32
        %dma_wait3A_174 = arith.constant 0 : i32
        %dma_wait3A_175 = tpu.memref_slice %arg13[%dma_wait3A_171, %dma_wait3A_173, %dma_wait3A_174] : memref<2x128x16xf32, #tpu.memory_space<vmem>> -> memref<1x128x16xf32, #tpu.memory_space<vmem>>
        %dma_wait3A_176 = tpu.memref_squeeze %dma_wait3A_175 : memref<1x128x16xf32, #tpu.memory_space<vmem>> -> memref<128x16xf32, #tpu.memory_space<vmem>>
        %dma_wait3A_177 = arith.constant 0 : i32
        %dma_wait3A_178 = tpu.memref_slice %arg12[%dma_wait3A_172, %dma_wait3A_177] : memref<79x128xi32, #tpu.memory_space<vmem>> -> memref<1x128xi32, #tpu.memory_space<vmem>>
        %dma_wait3A_179 = tpu.memref_squeeze %dma_wait3A_178 : memref<1x128xi32, #tpu.memory_space<vmem>> -> memref<128xi32, #tpu.memory_space<vmem>>
        %dma_wait3A_180 = arith.constant 0 : i32
        %dma_wait3A_181 = arith.constant 0 : i32
        %dma_wait3A_182 = tpu.memref_slice %arg22[%dma_wait3A_180, %dma_wait3A_181] : memref<10240x16xf32, #tpu.memory_space<vmem_shared>> -> memref<10240x16xf32, #tpu.memory_space<vmem_shared>>
        tpu.wait_indirect_dma semaphore(%arg25 : memref<!tpu.dma_semaphore, #tpu.memory_space<semaphore_mem>>) src(%dma_wait3A_176 : memref<128x16xf32, #tpu.memory_space<vmem>>) dst(%dma_wait3A_182 : memref<10240x16xf32, #tpu.memory_space<vmem_shared>>)
      } else {
      }
      %add3A_154 = arith.constant 1 : i32
      %add3A_155 = arith.addi %while3A_135, %add3A_154 : i32
      %lt3A_156 = arith.cmpi slt, %add3A_155, %add3A_10 : i32
      %convert_element_type3A_157 = arith.extui %lt3A_156 : i1 to i32
      %cond3A_158 = arith.constant 0 : i32
      %cond3A_159 = arith.cmpi ne, %convert_element_type3A_157, %cond3A_158 : i32
      scf.if %cond3A_159 {
        %add3A_171 = arith.constant 1 : i32
        %add3A_172 = arith.addi %while3A_135, %add3A_171 : i32
        %sub3A = arith.constant 1 : i32
        %sub3A_173 = arith.subi %sub3A, %rem3A_137 : i32
        %dma_start3A_174 = arith.constant 0 : i32
        %dma_start3A_175 = arith.constant 0 : i32
        %dma_start3A_176 = tpu.memref_slice %arg13[%sub3A_173, %dma_start3A_174, %dma_start3A_175] : memref<2x128x16xf32, #tpu.memory_space<vmem>> -> memref<1x128x16xf32, #tpu.memory_space<vmem>>
        %dma_start3A_177 = tpu.memref_squeeze %dma_start3A_176 : memref<1x128x16xf32, #tpu.memory_space<vmem>> -> memref<128x16xf32, #tpu.memory_space<vmem>>
        %dma_start3A_178 = arith.constant 0 : i32
        %dma_start3A_179 = tpu.memref_slice %arg11[%add3A_172, %dma_start3A_178] : memref<79x128xi32, #tpu.memory_space<vmem>> -> memref<1x128xi32, #tpu.memory_space<vmem>>
        %dma_start3A_180 = tpu.memref_squeeze %dma_start3A_179 : memref<1x128xi32, #tpu.memory_space<vmem>> -> memref<128xi32, #tpu.memory_space<vmem>>
        %dma_start3A_181 = arith.constant 0 : i32
        %dma_start3A_182 = arith.constant 0 : i32
        %dma_start3A_183 = tpu.memref_slice %arg23[%dma_start3A_181, %dma_start3A_182] : memref<10000x16xf32, #tpu.memory_space<vmem_shared>> -> memref<10000x16xf32, #tpu.memory_space<vmem_shared>>
        tpu.enqueue_indirect_dma source(%dma_start3A_183 : memref<10000x16xf32, #tpu.memory_space<vmem_shared>>) target(%dma_start3A_177 : memref<128x16xf32, #tpu.memory_space<vmem>>) offsets(%dma_start3A_180 : memref<128xi32, #tpu.memory_space<vmem>>) semaphore(%arg24 : memref<!tpu.dma_semaphore, #tpu.memory_space<semaphore_mem>>)
      } else {
      }
      %dma_start3A_160 = arith.constant 0 : i32
      %dma_start3A_161 = arith.constant 0 : i32
      %dma_start3A_162 = tpu.memref_slice %arg13[%rem3A_137, %dma_start3A_160, %dma_start3A_161] : memref<2x128x16xf32, #tpu.memory_space<vmem>> -> memref<1x128x16xf32, #tpu.memory_space<vmem>>
      %dma_start3A_163 = tpu.memref_squeeze %dma_start3A_162 : memref<1x128x16xf32, #tpu.memory_space<vmem>> -> memref<128x16xf32, #tpu.memory_space<vmem>>
      %dma_start3A_164 = arith.constant 0 : i32
      %dma_start3A_165 = tpu.memref_slice %arg12[%while3A_135, %dma_start3A_164] : memref<79x128xi32, #tpu.memory_space<vmem>> -> memref<1x128xi32, #tpu.memory_space<vmem>>
      %dma_start3A_166 = tpu.memref_squeeze %dma_start3A_165 : memref<1x128xi32, #tpu.memory_space<vmem>> -> memref<128xi32, #tpu.memory_space<vmem>>
      %dma_start3A_167 = arith.constant 0 : i32
      %dma_start3A_168 = arith.constant 0 : i32
      %dma_start3A_169 = tpu.memref_slice %arg22[%dma_start3A_167, %dma_start3A_168] : memref<10240x16xf32, #tpu.memory_space<vmem_shared>> -> memref<10240x16xf32, #tpu.memory_space<vmem_shared>>
      tpu.enqueue_indirect_dma source(%dma_start3A_163 : memref<128x16xf32, #tpu.memory_space<vmem>>) target(%dma_start3A_169 : memref<10240x16xf32, #tpu.memory_space<vmem_shared>>) offsets(%dma_start3A_166 : memref<128xi32, #tpu.memory_space<vmem>>) semaphore(%arg25 : memref<!tpu.dma_semaphore, #tpu.memory_space<semaphore_mem>>) {add = true}
      %while3A_170 = arith.constant 0 : i32
      scf.yield %while3A_170 : i32
    }
    %dma_wait3A = arith.constant 0 : i32
    %dma_wait3A_123 = arith.constant 0 : i32
    %dma_wait3A_124 = arith.constant 0 : i32
    %dma_wait3A_125 = arith.constant 0 : i32
    %dma_wait3A_126 = tpu.memref_slice %arg13[%dma_wait3A, %dma_wait3A_124, %dma_wait3A_125] : memref<2x128x16xf32, #tpu.memory_space<vmem>> -> memref<1x128x16xf32, #tpu.memory_space<vmem>>
    %dma_wait3A_127 = tpu.memref_squeeze %dma_wait3A_126 : memref<1x128x16xf32, #tpu.memory_space<vmem>> -> memref<128x16xf32, #tpu.memory_space<vmem>>
    %dma_wait3A_128 = arith.constant 0 : i32
    %dma_wait3A_129 = tpu.memref_slice %arg12[%dma_wait3A_123, %dma_wait3A_128] : memref<79x128xi32, #tpu.memory_space<vmem>> -> memref<1x128xi32, #tpu.memory_space<vmem>>
    %dma_wait3A_130 = tpu.memref_squeeze %dma_wait3A_129 : memref<1x128xi32, #tpu.memory_space<vmem>> -> memref<128xi32, #tpu.memory_space<vmem>>
    %dma_wait3A_131 = arith.constant 0 : i32
    %dma_wait3A_132 = arith.constant 0 : i32
    %dma_wait3A_133 = tpu.memref_slice %arg22[%dma_wait3A_131, %dma_wait3A_132] : memref<10240x16xf32, #tpu.memory_space<vmem_shared>> -> memref<10240x16xf32, #tpu.memory_space<vmem_shared>>
    tpu.wait_indirect_dma semaphore(%arg25 : memref<!tpu.dma_semaphore, #tpu.memory_space<semaphore_mem>>) src(%dma_wait3A_127 : memref<128x16xf32, #tpu.memory_space<vmem>>) dst(%dma_wait3A_133 : memref<10240x16xf32, #tpu.memory_space<vmem_shared>>)
    %barrier3A_134 = arith.constant 0 : index
    tpu.barrier barrier_id(%barrier3A_134)
    "tpu.region"() ({
      %run_scoped3A_135 = tpu.sem_alloc : memref<!tpu.dma_semaphore, #tpu.memory_space<semaphore_mem>>
      %dma_start3A_136 = arith.constant 0 : i32
      %dma_start3A_137 = tpu.memref_slice %arg9[%arg0, %mul3A_2, %dma_start3A_136] : memref<2x10240x16xf32, #tpu.memory_space<hbm>> -> memref<1x640x16xf32, #tpu.memory_space<hbm>>
      %dma_start3A_138 = tpu.memref_squeeze %dma_start3A_137 : memref<1x640x16xf32, #tpu.memory_space<hbm>> -> memref<640x16xf32, #tpu.memory_space<hbm>>
      %dma_start3A_139 = arith.constant 0 : i32
      %dma_start3A_140 = tpu.memref_slice %arg22[%mul3A_2, %dma_start3A_139] : memref<10240x16xf32, #tpu.memory_space<vmem_shared>> -> memref<640x16xf32, #tpu.memory_space<vmem_shared>>
      tpu.enqueue_dma source(%dma_start3A_140 : memref<640x16xf32, #tpu.memory_space<vmem_shared>>) target(%dma_start3A_138 : memref<640x16xf32, #tpu.memory_space<hbm>>) target_semaphore(%run_scoped3A_135 : memref<!tpu.dma_semaphore, #tpu.memory_space<semaphore_mem>>)
      %dma_wait3A_141 = arith.constant 0 : i32
      %dma_wait3A_142 = tpu.memref_slice %arg9[%arg0, %mul3A_2, %dma_wait3A_141] : memref<2x10240x16xf32, #tpu.memory_space<hbm>> -> memref<1x640x16xf32, #tpu.memory_space<hbm>>
      %dma_wait3A_143 = tpu.memref_squeeze %dma_wait3A_142 : memref<1x640x16xf32, #tpu.memory_space<hbm>> -> memref<640x16xf32, #tpu.memory_space<hbm>>
      %dma_wait3A_144 = arith.constant 0 : i32
      %dma_wait3A_145 = tpu.memref_slice %arg22[%mul3A_2, %dma_wait3A_144] : memref<10240x16xf32, #tpu.memory_space<vmem_shared>> -> memref<640x16xf32, #tpu.memory_space<vmem_shared>>
      tpu.wait_dma2 semaphore(%run_scoped3A_135 : memref<!tpu.dma_semaphore, #tpu.memory_space<semaphore_mem>>) src(%dma_wait3A_145 : memref<640x16xf32, #tpu.memory_space<vmem_shared>>) dst(%dma_wait3A_143 : memref<640x16xf32, #tpu.memory_space<hbm>>)
      tpu.yield
    }) : () -> ()
    return
  }
}

#map = affine_map<(d0, d1) -> (0, 0, 0)>
#map1 = affine_map<(d0, d1) -> (0, 0)>
module attributes {stable_mosaic.version = 14 : i64} {
  func.func @_sc_layer1(%arg0: i32, %arg1: i32, %arg2: memref<2x2500x128xi32, #tpu.memory_space<hbm>>, %arg3: memref<10000x128xf32, #tpu.memory_space<hbm>>, %arg4: memref<10240x16xf32, #tpu.memory_space<hbm>>, %arg5: memref<128x16xf32, #tpu.memory_space<hbm>>, %arg6: memref<2x10240x16xf32, #tpu.memory_space<hbm>>, %arg7: memref<2x10240x16xf32, #tpu.memory_space<hbm>>, %arg8: memref<79x128xi32, #tpu.memory_space<vmem>>, %arg9: memref<79x128xi32, #tpu.memory_space<vmem>>, %arg10: memref<2x128x16xf32, #tpu.memory_space<vmem>>, %arg11: memref<128x16xf32, #tpu.memory_space<vmem>>, %arg12: memref<10240x16xf32, #tpu.memory_space<vmem_shared>>, %arg13: memref<10240x16xf32, #tpu.memory_space<vmem_shared>>, %arg14: memref<10000x16xf32, #tpu.memory_space<vmem_shared>>, %arg15: memref<!tpu.dma_semaphore, #tpu.memory_space<semaphore_mem>>, %arg16: memref<!tpu.dma_semaphore, #tpu.memory_space<semaphore_mem>>, %arg17: memref<!tpu.dma_semaphore, #tpu.memory_space<semaphore_mem>>) attributes {dimension_semantics = [#tpu.dimension_semantics<core_parallel>, #tpu.dimension_semantics<subcore_parallel>], iteration_bounds = array<i64: 2, 16>, scalar_prefetch = 0 : i64, scratch_operands = 10 : i64, tpu.core_type = #tpu.core_type<sc_vector_subcore>, window_params = [{transform_indices = #map}, {transform_indices = #map1}, {transform_indices = #map1}, {transform_indices = #map1}, {transform_indices = #map}, {transform_indices = #map}]} {
    %mul3A = arith.constant 16 : i32
    %mul3A_0 = arith.muli %arg0, %mul3A : i32
    %add3A = arith.addi %mul3A_0, %arg1 : i32
    %mul3A_1 = arith.constant 640 : i32
    %mul3A_2 = arith.muli %arg1, %mul3A_1 : i32
    %mul3A_3 = arith.constant 625 : i32
    %mul3A_4 = arith.muli %arg1, %mul3A_3 : i32
    "tpu.region"() ({
      %run_scoped3A_56 = tpu.sem_alloc : memref<!tpu.dma_semaphore, #tpu.memory_space<semaphore_mem>>
      %dma_start3A_57 = arith.constant 0 : i32
      %dma_start3A_58 = tpu.memref_slice %arg14[%mul3A_4, %dma_start3A_57] : memref<10000x16xf32, #tpu.memory_space<vmem_shared>> -> memref<625x16xf32, #tpu.memory_space<vmem_shared>>
      %dma_start3A_59 = arith.constant 0 : i32
      %dma_start3A_60 = tpu.memref_slice %arg3[%mul3A_4, %dma_start3A_59] : memref<10000x128xf32, #tpu.memory_space<hbm>> -> memref<625x16xf32, #tpu.memory_space<hbm>>
      tpu.enqueue_dma source(%dma_start3A_60 : memref<625x16xf32, #tpu.memory_space<hbm>>) target(%dma_start3A_58 : memref<625x16xf32, #tpu.memory_space<vmem_shared>>) target_semaphore(%run_scoped3A_56 : memref<!tpu.dma_semaphore, #tpu.memory_space<semaphore_mem>>)
      %dma_wait3A_61 = arith.constant 0 : i32
      %dma_wait3A_62 = tpu.memref_slice %arg14[%mul3A_4, %dma_wait3A_61] : memref<10000x16xf32, #tpu.memory_space<vmem_shared>> -> memref<625x16xf32, #tpu.memory_space<vmem_shared>>
      %dma_wait3A_63 = arith.constant 0 : i32
      %dma_wait3A_64 = tpu.memref_slice %arg3[%mul3A_4, %dma_wait3A_63] : memref<10000x128xf32, #tpu.memory_space<hbm>> -> memref<625x16xf32, #tpu.memory_space<hbm>>
      tpu.wait_dma2 semaphore(%run_scoped3A_56 : memref<!tpu.dma_semaphore, #tpu.memory_space<semaphore_mem>>) src(%dma_wait3A_64 : memref<625x16xf32, #tpu.memory_space<hbm>>) dst(%dma_wait3A_62 : memref<625x16xf32, #tpu.memory_space<vmem_shared>>)
      tpu.yield
    }) : () -> ()
    "tpu.region"() ({
      %run_scoped3A_56 = tpu.sem_alloc : memref<!tpu.dma_semaphore, #tpu.memory_space<semaphore_mem>>
      %dma_start3A_57 = arith.constant 0 : i32
      %dma_start3A_58 = tpu.memref_slice %arg12[%mul3A_2, %dma_start3A_57] : memref<10240x16xf32, #tpu.memory_space<vmem_shared>> -> memref<640x16xf32, #tpu.memory_space<vmem_shared>>
      %dma_start3A_59 = arith.constant 0 : i32
      %dma_start3A_60 = tpu.memref_slice %arg4[%mul3A_2, %dma_start3A_59] : memref<10240x16xf32, #tpu.memory_space<hbm>> -> memref<640x16xf32, #tpu.memory_space<hbm>>
      tpu.enqueue_dma source(%dma_start3A_60 : memref<640x16xf32, #tpu.memory_space<hbm>>) target(%dma_start3A_58 : memref<640x16xf32, #tpu.memory_space<vmem_shared>>) target_semaphore(%run_scoped3A_56 : memref<!tpu.dma_semaphore, #tpu.memory_space<semaphore_mem>>)
      %dma_wait3A_61 = arith.constant 0 : i32
      %dma_wait3A_62 = tpu.memref_slice %arg12[%mul3A_2, %dma_wait3A_61] : memref<10240x16xf32, #tpu.memory_space<vmem_shared>> -> memref<640x16xf32, #tpu.memory_space<vmem_shared>>
      %dma_wait3A_63 = arith.constant 0 : i32
      %dma_wait3A_64 = tpu.memref_slice %arg4[%mul3A_2, %dma_wait3A_63] : memref<10240x16xf32, #tpu.memory_space<hbm>> -> memref<640x16xf32, #tpu.memory_space<hbm>>
      tpu.wait_dma2 semaphore(%run_scoped3A_56 : memref<!tpu.dma_semaphore, #tpu.memory_space<semaphore_mem>>) src(%dma_wait3A_64 : memref<640x16xf32, #tpu.memory_space<hbm>>) dst(%dma_wait3A_62 : memref<640x16xf32, #tpu.memory_space<vmem_shared>>)
      tpu.yield
    }) : () -> ()
    "tpu.region"() ({
      %run_scoped3A_56 = tpu.sem_alloc : memref<!tpu.dma_semaphore, #tpu.memory_space<semaphore_mem>>
      %dma_start3A_57 = arith.constant 0 : i32
      %dma_start3A_58 = tpu.memref_slice %arg13[%mul3A_2, %dma_start3A_57] : memref<10240x16xf32, #tpu.memory_space<vmem_shared>> -> memref<640x16xf32, #tpu.memory_space<vmem_shared>>
      %dma_start3A_59 = arith.constant 0 : i32
      %dma_start3A_60 = tpu.memref_slice %arg4[%mul3A_2, %dma_start3A_59] : memref<10240x16xf32, #tpu.memory_space<hbm>> -> memref<640x16xf32, #tpu.memory_space<hbm>>
      tpu.enqueue_dma source(%dma_start3A_60 : memref<640x16xf32, #tpu.memory_space<hbm>>) target(%dma_start3A_58 : memref<640x16xf32, #tpu.memory_space<vmem_shared>>) target_semaphore(%run_scoped3A_56 : memref<!tpu.dma_semaphore, #tpu.memory_space<semaphore_mem>>)
      %dma_wait3A_61 = arith.constant 0 : i32
      %dma_wait3A_62 = tpu.memref_slice %arg13[%mul3A_2, %dma_wait3A_61] : memref<10240x16xf32, #tpu.memory_space<vmem_shared>> -> memref<640x16xf32, #tpu.memory_space<vmem_shared>>
      %dma_wait3A_63 = arith.constant 0 : i32
      %dma_wait3A_64 = tpu.memref_slice %arg4[%mul3A_2, %dma_wait3A_63] : memref<10240x16xf32, #tpu.memory_space<hbm>> -> memref<640x16xf32, #tpu.memory_space<hbm>>
      tpu.wait_dma2 semaphore(%run_scoped3A_56 : memref<!tpu.dma_semaphore, #tpu.memory_space<semaphore_mem>>) src(%dma_wait3A_64 : memref<640x16xf32, #tpu.memory_space<hbm>>) dst(%dma_wait3A_62 : memref<640x16xf32, #tpu.memory_space<vmem_shared>>)
      tpu.yield
    }) : () -> ()
    "tpu.region"() ({
      %run_scoped3A_56 = tpu.sem_alloc : memref<!tpu.dma_semaphore, #tpu.memory_space<semaphore_mem>>
      tpu.enqueue_dma source(%arg5 : memref<128x16xf32, #tpu.memory_space<hbm>>) target(%arg11 : memref<128x16xf32, #tpu.memory_space<vmem>>) target_semaphore(%run_scoped3A_56 : memref<!tpu.dma_semaphore, #tpu.memory_space<semaphore_mem>>)
      tpu.wait_dma2 semaphore(%run_scoped3A_56 : memref<!tpu.dma_semaphore, #tpu.memory_space<semaphore_mem>>) src(%arg5 : memref<128x16xf32, #tpu.memory_space<hbm>>) dst(%arg11 : memref<128x16xf32, #tpu.memory_space<vmem>>)
      tpu.yield
    }) : () -> ()
    %lt3A = arith.constant 4 : i32
    %lt3A_5 = arith.cmpi slt, %add3A, %lt3A : i32
    %convert_element_type3A = arith.extui %lt3A_5 : i1 to i32
    %add3A_6 = arith.constant 78 : i32
    %add3A_7 = arith.addi %add3A_6, %convert_element_type3A : i32
    %mul3A_8 = arith.constant 78 : i32
    %mul3A_9 = arith.muli %add3A, %mul3A_8 : i32
    %run_scoped3A = arith.constant 0 : i32
    "tpu.region"() ({
      %run_scoped3A_56 = tpu.sem_alloc : memref<!tpu.dma_semaphore, #tpu.memory_space<semaphore_mem>>
      %dma_start3A_57 = arith.constant 0 : i32
      %dma_start3A_58 = arith.constant 0 : i32
      %dma_start3A_59 = tpu.memref_slice %arg8[%dma_start3A_57, %dma_start3A_58] : memref<79x128xi32, #tpu.memory_space<vmem>> -> memref<78x128xi32, #tpu.memory_space<vmem>>
      %dma_start3A_60 = arith.constant 0 : i32
      %dma_start3A_61 = tpu.memref_slice %arg2[%run_scoped3A, %mul3A_9, %dma_start3A_60] : memref<2x2500x128xi32, #tpu.memory_space<hbm>> -> memref<1x78x128xi32, #tpu.memory_space<hbm>>
      %dma_start3A_62 = tpu.memref_squeeze %dma_start3A_61 : memref<1x78x128xi32, #tpu.memory_space<hbm>> -> memref<78x128xi32, #tpu.memory_space<hbm>>
      %dma_start3A_63 = arith.constant 0 : i32
      %dma_start3A_64 = arith.constant 0 : i32
      %dma_start3A_65 = tpu.memref_slice %arg8[%dma_start3A_63, %dma_start3A_64] : memref<79x128xi32, #tpu.memory_space<vmem>> -> memref<78x128xi32, #tpu.memory_space<vmem>>
      %dma_start3A_66 = arith.constant 0 : i32
      %dma_start3A_67 = tpu.memref_slice %arg2[%run_scoped3A, %mul3A_9, %dma_start3A_66] : memref<2x2500x128xi32, #tpu.memory_space<hbm>> -> memref<1x78x128xi32, #tpu.memory_space<hbm>>
      %dma_start3A_68 = tpu.memref_squeeze %dma_start3A_67 : memref<1x78x128xi32, #tpu.memory_space<hbm>> -> memref<78x128xi32, #tpu.memory_space<hbm>>
      tpu.enqueue_dma source(%dma_start3A_68 : memref<78x128xi32, #tpu.memory_space<hbm>>) target(%dma_start3A_65 : memref<78x128xi32, #tpu.memory_space<vmem>>) target_semaphore(%run_scoped3A_56 : memref<!tpu.dma_semaphore, #tpu.memory_space<semaphore_mem>>)
      %dma_wait3A_69 = arith.constant 0 : i32
      %dma_wait3A_70 = arith.constant 0 : i32
      %dma_wait3A_71 = tpu.memref_slice %arg8[%dma_wait3A_69, %dma_wait3A_70] : memref<79x128xi32, #tpu.memory_space<vmem>> -> memref<78x128xi32, #tpu.memory_space<vmem>>
      %dma_wait3A_72 = arith.constant 0 : i32
      %dma_wait3A_73 = tpu.memref_slice %arg2[%run_scoped3A, %mul3A_9, %dma_wait3A_72] : memref<2x2500x128xi32, #tpu.memory_space<hbm>> -> memref<1x78x128xi32, #tpu.memory_space<hbm>>
      %dma_wait3A_74 = tpu.memref_squeeze %dma_wait3A_73 : memref<1x78x128xi32, #tpu.memory_space<hbm>> -> memref<78x128xi32, #tpu.memory_space<hbm>>
      %dma_wait3A_75 = arith.constant 0 : i32
      %dma_wait3A_76 = arith.constant 0 : i32
      %dma_wait3A_77 = tpu.memref_slice %arg8[%dma_wait3A_75, %dma_wait3A_76] : memref<79x128xi32, #tpu.memory_space<vmem>> -> memref<78x128xi32, #tpu.memory_space<vmem>>
      %dma_wait3A_78 = arith.constant 0 : i32
      %dma_wait3A_79 = tpu.memref_slice %arg2[%run_scoped3A, %mul3A_9, %dma_wait3A_78] : memref<2x2500x128xi32, #tpu.memory_space<hbm>> -> memref<1x78x128xi32, #tpu.memory_space<hbm>>
      %dma_wait3A_80 = tpu.memref_squeeze %dma_wait3A_79 : memref<1x78x128xi32, #tpu.memory_space<hbm>> -> memref<78x128xi32, #tpu.memory_space<hbm>>
      tpu.wait_dma2 semaphore(%run_scoped3A_56 : memref<!tpu.dma_semaphore, #tpu.memory_space<semaphore_mem>>) src(%dma_wait3A_80 : memref<78x128xi32, #tpu.memory_space<hbm>>) dst(%dma_wait3A_77 : memref<78x128xi32, #tpu.memory_space<vmem>>)
      tpu.yield
    }) : () -> ()
    %mul3A_10 = arith.constant 78 : i32
    %mul3A_11 = arith.muli %add3A, %mul3A_10 : i32
    %run_scoped3A_12 = arith.constant 1 : i32
    "tpu.region"() ({
      %run_scoped3A_56 = tpu.sem_alloc : memref<!tpu.dma_semaphore, #tpu.memory_space<semaphore_mem>>
      %dma_start3A_57 = arith.constant 0 : i32
      %dma_start3A_58 = arith.constant 0 : i32
      %dma_start3A_59 = tpu.memref_slice %arg9[%dma_start3A_57, %dma_start3A_58] : memref<79x128xi32, #tpu.memory_space<vmem>> -> memref<78x128xi32, #tpu.memory_space<vmem>>
      %dma_start3A_60 = arith.constant 0 : i32
      %dma_start3A_61 = tpu.memref_slice %arg2[%run_scoped3A_12, %mul3A_11, %dma_start3A_60] : memref<2x2500x128xi32, #tpu.memory_space<hbm>> -> memref<1x78x128xi32, #tpu.memory_space<hbm>>
      %dma_start3A_62 = tpu.memref_squeeze %dma_start3A_61 : memref<1x78x128xi32, #tpu.memory_space<hbm>> -> memref<78x128xi32, #tpu.memory_space<hbm>>
      %dma_start3A_63 = arith.constant 0 : i32
      %dma_start3A_64 = arith.constant 0 : i32
      %dma_start3A_65 = tpu.memref_slice %arg9[%dma_start3A_63, %dma_start3A_64] : memref<79x128xi32, #tpu.memory_space<vmem>> -> memref<78x128xi32, #tpu.memory_space<vmem>>
      %dma_start3A_66 = arith.constant 0 : i32
      %dma_start3A_67 = tpu.memref_slice %arg2[%run_scoped3A_12, %mul3A_11, %dma_start3A_66] : memref<2x2500x128xi32, #tpu.memory_space<hbm>> -> memref<1x78x128xi32, #tpu.memory_space<hbm>>
      %dma_start3A_68 = tpu.memref_squeeze %dma_start3A_67 : memref<1x78x128xi32, #tpu.memory_space<hbm>> -> memref<78x128xi32, #tpu.memory_space<hbm>>
      tpu.enqueue_dma source(%dma_start3A_68 : memref<78x128xi32, #tpu.memory_space<hbm>>) target(%dma_start3A_65 : memref<78x128xi32, #tpu.memory_space<vmem>>) target_semaphore(%run_scoped3A_56 : memref<!tpu.dma_semaphore, #tpu.memory_space<semaphore_mem>>)
      %dma_wait3A_69 = arith.constant 0 : i32
      %dma_wait3A_70 = arith.constant 0 : i32
      %dma_wait3A_71 = tpu.memref_slice %arg9[%dma_wait3A_69, %dma_wait3A_70] : memref<79x128xi32, #tpu.memory_space<vmem>> -> memref<78x128xi32, #tpu.memory_space<vmem>>
      %dma_wait3A_72 = arith.constant 0 : i32
      %dma_wait3A_73 = tpu.memref_slice %arg2[%run_scoped3A_12, %mul3A_11, %dma_wait3A_72] : memref<2x2500x128xi32, #tpu.memory_space<hbm>> -> memref<1x78x128xi32, #tpu.memory_space<hbm>>
      %dma_wait3A_74 = tpu.memref_squeeze %dma_wait3A_73 : memref<1x78x128xi32, #tpu.memory_space<hbm>> -> memref<78x128xi32, #tpu.memory_space<hbm>>
      %dma_wait3A_75 = arith.constant 0 : i32
      %dma_wait3A_76 = arith.constant 0 : i32
      %dma_wait3A_77 = tpu.memref_slice %arg9[%dma_wait3A_75, %dma_wait3A_76] : memref<79x128xi32, #tpu.memory_space<vmem>> -> memref<78x128xi32, #tpu.memory_space<vmem>>
      %dma_wait3A_78 = arith.constant 0 : i32
      %dma_wait3A_79 = tpu.memref_slice %arg2[%run_scoped3A_12, %mul3A_11, %dma_wait3A_78] : memref<2x2500x128xi32, #tpu.memory_space<hbm>> -> memref<1x78x128xi32, #tpu.memory_space<hbm>>
      %dma_wait3A_80 = tpu.memref_squeeze %dma_wait3A_79 : memref<1x78x128xi32, #tpu.memory_space<hbm>> -> memref<78x128xi32, #tpu.memory_space<hbm>>
      tpu.wait_dma2 semaphore(%run_scoped3A_56 : memref<!tpu.dma_semaphore, #tpu.memory_space<semaphore_mem>>) src(%dma_wait3A_80 : memref<78x128xi32, #tpu.memory_space<hbm>>) dst(%dma_wait3A_77 : memref<78x128xi32, #tpu.memory_space<vmem>>)
      tpu.yield
    }) : () -> ()
    %convert_element_type3A_13 = arith.extui %lt3A_5 : i1 to i32
    %cond3A = arith.constant 0 : i32
    %cond3A_14 = arith.cmpi ne, %convert_element_type3A_13, %cond3A : i32
    scf.if %cond3A_14 {
      %add3A_56 = arith.constant 2496 : i32
      %add3A_57 = arith.addi %add3A_56, %add3A : i32
      %run_scoped3A_58 = arith.constant 0 : i32
      %run_scoped3A_59 = arith.constant 78 : i32
      "tpu.region"() ({
        %run_scoped3A_64 = tpu.sem_alloc : memref<!tpu.dma_semaphore, #tpu.memory_space<semaphore_mem>>
        %dma_start3A_65 = arith.constant 0 : i32
        %dma_start3A_66 = tpu.memref_slice %arg8[%run_scoped3A_59, %dma_start3A_65] : memref<79x128xi32, #tpu.memory_space<vmem>> -> memref<1x128xi32, #tpu.memory_space<vmem>>
        %dma_start3A_67 = tpu.memref_squeeze %dma_start3A_66 : memref<1x128xi32, #tpu.memory_space<vmem>> -> memref<128xi32, #tpu.memory_space<vmem>>
        %dma_start3A_68 = arith.constant 0 : i32
        %dma_start3A_69 = tpu.memref_slice %arg2[%run_scoped3A_58, %add3A_57, %dma_start3A_68] : memref<2x2500x128xi32, #tpu.memory_space<hbm>> -> memref<1x1x128xi32, #tpu.memory_space<hbm>>
        %dma_start3A_70 = tpu.memref_squeeze %dma_start3A_69 : memref<1x1x128xi32, #tpu.memory_space<hbm>> -> memref<128xi32, #tpu.memory_space<hbm>>
        %dma_start3A_71 = arith.constant 0 : i32
        %dma_start3A_72 = tpu.memref_slice %arg8[%run_scoped3A_59, %dma_start3A_71] : memref<79x128xi32, #tpu.memory_space<vmem>> -> memref<1x128xi32, #tpu.memory_space<vmem>>
        %dma_start3A_73 = tpu.memref_squeeze %dma_start3A_72 : memref<1x128xi32, #tpu.memory_space<vmem>> -> memref<128xi32, #tpu.memory_space<vmem>>
        %dma_start3A_74 = arith.constant 0 : i32
        %dma_start3A_75 = tpu.memref_slice %arg2[%run_scoped3A_58, %add3A_57, %dma_start3A_74] : memref<2x2500x128xi32, #tpu.memory_space<hbm>> -> memref<1x1x128xi32, #tpu.memory_space<hbm>>
        %dma_start3A_76 = tpu.memref_squeeze %dma_start3A_75 : memref<1x1x128xi32, #tpu.memory_space<hbm>> -> memref<128xi32, #tpu.memory_space<hbm>>
        tpu.enqueue_dma source(%dma_start3A_76 : memref<128xi32, #tpu.memory_space<hbm>>) target(%dma_start3A_73 : memref<128xi32, #tpu.memory_space<vmem>>) target_semaphore(%run_scoped3A_64 : memref<!tpu.dma_semaphore, #tpu.memory_space<semaphore_mem>>)
        %dma_wait3A_77 = arith.constant 0 : i32
        %dma_wait3A_78 = tpu.memref_slice %arg8[%run_scoped3A_59, %dma_wait3A_77] : memref<79x128xi32, #tpu.memory_space<vmem>> -> memref<1x128xi32, #tpu.memory_space<vmem>>
        %dma_wait3A_79 = tpu.memref_squeeze %dma_wait3A_78 : memref<1x128xi32, #tpu.memory_space<vmem>> -> memref<128xi32, #tpu.memory_space<vmem>>
        %dma_wait3A_80 = arith.constant 0 : i32
        %dma_wait3A_81 = tpu.memref_slice %arg2[%run_scoped3A_58, %add3A_57, %dma_wait3A_80] : memref<2x2500x128xi32, #tpu.memory_space<hbm>> -> memref<1x1x128xi32, #tpu.memory_space<hbm>>
        %dma_wait3A_82 = tpu.memref_squeeze %dma_wait3A_81 : memref<1x1x128xi32, #tpu.memory_space<hbm>> -> memref<128xi32, #tpu.memory_space<hbm>>
        %dma_wait3A_83 = arith.constant 0 : i32
        %dma_wait3A_84 = tpu.memref_slice %arg8[%run_scoped3A_59, %dma_wait3A_83] : memref<79x128xi32, #tpu.memory_space<vmem>> -> memref<1x128xi32, #tpu.memory_space<vmem>>
        %dma_wait3A_85 = tpu.memref_squeeze %dma_wait3A_84 : memref<1x128xi32, #tpu.memory_space<vmem>> -> memref<128xi32, #tpu.memory_space<vmem>>
        %dma_wait3A_86 = arith.constant 0 : i32
        %dma_wait3A_87 = tpu.memref_slice %arg2[%run_scoped3A_58, %add3A_57, %dma_wait3A_86] : memref<2x2500x128xi32, #tpu.memory_space<hbm>> -> memref<1x1x128xi32, #tpu.memory_space<hbm>>
        %dma_wait3A_88 = tpu.memref_squeeze %dma_wait3A_87 : memref<1x1x128xi32, #tpu.memory_space<hbm>> -> memref<128xi32, #tpu.memory_space<hbm>>
        tpu.wait_dma2 semaphore(%run_scoped3A_64 : memref<!tpu.dma_semaphore, #tpu.memory_space<semaphore_mem>>) src(%dma_wait3A_88 : memref<128xi32, #tpu.memory_space<hbm>>) dst(%dma_wait3A_85 : memref<128xi32, #tpu.memory_space<vmem>>)
        tpu.yield
      }) : () -> ()
      %add3A_60 = arith.constant 2496 : i32
      %add3A_61 = arith.addi %add3A_60, %add3A : i32
      %run_scoped3A_62 = arith.constant 1 : i32
      %run_scoped3A_63 = arith.constant 78 : i32
      "tpu.region"() ({
        %run_scoped3A_64 = tpu.sem_alloc : memref<!tpu.dma_semaphore, #tpu.memory_space<semaphore_mem>>
        %dma_start3A_65 = arith.constant 0 : i32
        %dma_start3A_66 = tpu.memref_slice %arg9[%run_scoped3A_63, %dma_start3A_65] : memref<79x128xi32, #tpu.memory_space<vmem>> -> memref<1x128xi32, #tpu.memory_space<vmem>>
        %dma_start3A_67 = tpu.memref_squeeze %dma_start3A_66 : memref<1x128xi32, #tpu.memory_space<vmem>> -> memref<128xi32, #tpu.memory_space<vmem>>
        %dma_start3A_68 = arith.constant 0 : i32
        %dma_start3A_69 = tpu.memref_slice %arg2[%run_scoped3A_62, %add3A_61, %dma_start3A_68] : memref<2x2500x128xi32, #tpu.memory_space<hbm>> -> memref<1x1x128xi32, #tpu.memory_space<hbm>>
        %dma_start3A_70 = tpu.memref_squeeze %dma_start3A_69 : memref<1x1x128xi32, #tpu.memory_space<hbm>> -> memref<128xi32, #tpu.memory_space<hbm>>
        %dma_start3A_71 = arith.constant 0 : i32
        %dma_start3A_72 = tpu.memref_slice %arg9[%run_scoped3A_63, %dma_start3A_71] : memref<79x128xi32, #tpu.memory_space<vmem>> -> memref<1x128xi32, #tpu.memory_space<vmem>>
        %dma_start3A_73 = tpu.memref_squeeze %dma_start3A_72 : memref<1x128xi32, #tpu.memory_space<vmem>> -> memref<128xi32, #tpu.memory_space<vmem>>
        %dma_start3A_74 = arith.constant 0 : i32
        %dma_start3A_75 = tpu.memref_slice %arg2[%run_scoped3A_62, %add3A_61, %dma_start3A_74] : memref<2x2500x128xi32, #tpu.memory_space<hbm>> -> memref<1x1x128xi32, #tpu.memory_space<hbm>>
        %dma_start3A_76 = tpu.memref_squeeze %dma_start3A_75 : memref<1x1x128xi32, #tpu.memory_space<hbm>> -> memref<128xi32, #tpu.memory_space<hbm>>
        tpu.enqueue_dma source(%dma_start3A_76 : memref<128xi32, #tpu.memory_space<hbm>>) target(%dma_start3A_73 : memref<128xi32, #tpu.memory_space<vmem>>) target_semaphore(%run_scoped3A_64 : memref<!tpu.dma_semaphore, #tpu.memory_space<semaphore_mem>>)
        %dma_wait3A_77 = arith.constant 0 : i32
        %dma_wait3A_78 = tpu.memref_slice %arg9[%run_scoped3A_63, %dma_wait3A_77] : memref<79x128xi32, #tpu.memory_space<vmem>> -> memref<1x128xi32, #tpu.memory_space<vmem>>
        %dma_wait3A_79 = tpu.memref_squeeze %dma_wait3A_78 : memref<1x128xi32, #tpu.memory_space<vmem>> -> memref<128xi32, #tpu.memory_space<vmem>>
        %dma_wait3A_80 = arith.constant 0 : i32
        %dma_wait3A_81 = tpu.memref_slice %arg2[%run_scoped3A_62, %add3A_61, %dma_wait3A_80] : memref<2x2500x128xi32, #tpu.memory_space<hbm>> -> memref<1x1x128xi32, #tpu.memory_space<hbm>>
        %dma_wait3A_82 = tpu.memref_squeeze %dma_wait3A_81 : memref<1x1x128xi32, #tpu.memory_space<hbm>> -> memref<128xi32, #tpu.memory_space<hbm>>
        %dma_wait3A_83 = arith.constant 0 : i32
        %dma_wait3A_84 = tpu.memref_slice %arg9[%run_scoped3A_63, %dma_wait3A_83] : memref<79x128xi32, #tpu.memory_space<vmem>> -> memref<1x128xi32, #tpu.memory_space<vmem>>
        %dma_wait3A_85 = tpu.memref_squeeze %dma_wait3A_84 : memref<1x128xi32, #tpu.memory_space<vmem>> -> memref<128xi32, #tpu.memory_space<vmem>>
        %dma_wait3A_86 = arith.constant 0 : i32
        %dma_wait3A_87 = tpu.memref_slice %arg2[%run_scoped3A_62, %add3A_61, %dma_wait3A_86] : memref<2x2500x128xi32, #tpu.memory_space<hbm>> -> memref<1x1x128xi32, #tpu.memory_space<hbm>>
        %dma_wait3A_88 = tpu.memref_squeeze %dma_wait3A_87 : memref<1x1x128xi32, #tpu.memory_space<hbm>> -> memref<128xi32, #tpu.memory_space<hbm>>
        tpu.wait_dma2 semaphore(%run_scoped3A_64 : memref<!tpu.dma_semaphore, #tpu.memory_space<semaphore_mem>>) src(%dma_wait3A_88 : memref<128xi32, #tpu.memory_space<hbm>>) dst(%dma_wait3A_85 : memref<128xi32, #tpu.memory_space<vmem>>)
        tpu.yield
      }) : () -> ()
    } else {
    }
    %barrier3A = arith.constant 0 : index
    tpu.barrier barrier_id(%barrier3A)
    %dma_start3A = arith.constant 0 : i32
    %dma_start3A_15 = arith.constant 0 : i32
    %dma_start3A_16 = arith.constant 0 : i32
    %dma_start3A_17 = arith.constant 0 : i32
    %dma_start3A_18 = tpu.memref_slice %arg10[%dma_start3A_15, %dma_start3A_16, %dma_start3A_17] : memref<2x128x16xf32, #tpu.memory_space<vmem>> -> memref<1x128x16xf32, #tpu.memory_space<vmem>>
    %dma_start3A_19 = tpu.memref_squeeze %dma_start3A_18 : memref<1x128x16xf32, #tpu.memory_space<vmem>> -> memref<128x16xf32, #tpu.memory_space<vmem>>
    %dma_start3A_20 = arith.constant 0 : i32
    %dma_start3A_21 = tpu.memref_slice %arg8[%dma_start3A, %dma_start3A_20] : memref<79x128xi32, #tpu.memory_space<vmem>> -> memref<1x128xi32, #tpu.memory_space<vmem>>
    %dma_start3A_22 = tpu.memref_squeeze %dma_start3A_21 : memref<1x128xi32, #tpu.memory_space<vmem>> -> memref<128xi32, #tpu.memory_space<vmem>>
    %dma_start3A_23 = arith.constant 0 : i32
    %dma_start3A_24 = arith.constant 0 : i32
    %dma_start3A_25 = tpu.memref_slice %arg14[%dma_start3A_23, %dma_start3A_24] : memref<10000x16xf32, #tpu.memory_space<vmem_shared>> -> memref<10000x16xf32, #tpu.memory_space<vmem_shared>>
    tpu.enqueue_indirect_dma source(%dma_start3A_25 : memref<10000x16xf32, #tpu.memory_space<vmem_shared>>) target(%dma_start3A_19 : memref<128x16xf32, #tpu.memory_space<vmem>>) offsets(%dma_start3A_22 : memref<128xi32, #tpu.memory_space<vmem>>) semaphore(%arg15 : memref<!tpu.dma_semaphore, #tpu.memory_space<semaphore_mem>>)
    %while3A = arith.constant 0 : i32
    %while3A_26 = arith.constant 0 : i32
    %while3A_27 = arith.subi %add3A_7, %while3A : i32
    %while3A_28 = arith.addi %while3A, %while3A_27 : i32
    %while3A_29 = arith.constant 1 : i32
    %while3A_30 = arith.divsi %while3A_27, %while3A_29 : i32
    %while3A_31 = arith.muli %while3A_30, %while3A_29 : i32
    %while3A_32 = arith.addi %while3A, %while3A_31 : i32
    %while3A_33 = arith.constant 1 : i32
    %while3A_34 = scf.for %while3A_56 = %while3A to %while3A_32 step %while3A_33 iter_args(%while3A_57 = %while3A_26) -> (i32)  : i32 {
      %rem3A = arith.constant 2 : i32
      %rem3A_58 = arith.remsi %while3A_56, %rem3A : i32
      %dma_wait3A_59 = arith.constant 0 : i32
      %dma_wait3A_60 = arith.constant 0 : i32
      %dma_wait3A_61 = arith.constant 0 : i32
      %dma_wait3A_62 = arith.constant 0 : i32
      %dma_wait3A_63 = tpu.memref_slice %arg10[%dma_wait3A_60, %dma_wait3A_61, %dma_wait3A_62] : memref<2x128x16xf32, #tpu.memory_space<vmem>> -> memref<1x128x16xf32, #tpu.memory_space<vmem>>
      %dma_wait3A_64 = tpu.memref_squeeze %dma_wait3A_63 : memref<1x128x16xf32, #tpu.memory_space<vmem>> -> memref<128x16xf32, #tpu.memory_space<vmem>>
      %dma_wait3A_65 = arith.constant 0 : i32
      %dma_wait3A_66 = tpu.memref_slice %arg8[%dma_wait3A_59, %dma_wait3A_65] : memref<79x128xi32, #tpu.memory_space<vmem>> -> memref<1x128xi32, #tpu.memory_space<vmem>>
      %dma_wait3A_67 = tpu.memref_squeeze %dma_wait3A_66 : memref<1x128xi32, #tpu.memory_space<vmem>> -> memref<128xi32, #tpu.memory_space<vmem>>
      %dma_wait3A_68 = arith.constant 0 : i32
      %dma_wait3A_69 = arith.constant 0 : i32
      %dma_wait3A_70 = tpu.memref_slice %arg14[%dma_wait3A_68, %dma_wait3A_69] : memref<10000x16xf32, #tpu.memory_space<vmem_shared>> -> memref<10000x16xf32, #tpu.memory_space<vmem_shared>>
      tpu.wait_indirect_dma semaphore(%arg15 : memref<!tpu.dma_semaphore, #tpu.memory_space<semaphore_mem>>) src(%dma_wait3A_70 : memref<10000x16xf32, #tpu.memory_space<vmem_shared>>) dst(%dma_wait3A_64 : memref<128x16xf32, #tpu.memory_space<vmem>>)
      %ge3A = arith.constant 1 : i32
      %ge3A_71 = arith.cmpi sge, %while3A_56, %ge3A : i32
      %convert_element_type3A_72 = arith.extui %ge3A_71 : i1 to i32
      %cond3A_73 = arith.constant 0 : i32
      %cond3A_74 = arith.cmpi ne, %convert_element_type3A_72, %cond3A_73 : i32
      scf.if %cond3A_74 {
        %dma_wait3A_98 = arith.constant 0 : i32
        %dma_wait3A_99 = arith.constant 0 : i32
        %dma_wait3A_100 = arith.constant 0 : i32
        %dma_wait3A_101 = arith.constant 0 : i32
        %dma_wait3A_102 = tpu.memref_slice %arg10[%dma_wait3A_98, %dma_wait3A_100, %dma_wait3A_101] : memref<2x128x16xf32, #tpu.memory_space<vmem>> -> memref<1x128x16xf32, #tpu.memory_space<vmem>>
        %dma_wait3A_103 = tpu.memref_squeeze %dma_wait3A_102 : memref<1x128x16xf32, #tpu.memory_space<vmem>> -> memref<128x16xf32, #tpu.memory_space<vmem>>
        %dma_wait3A_104 = arith.constant 0 : i32
        %dma_wait3A_105 = tpu.memref_slice %arg9[%dma_wait3A_99, %dma_wait3A_104] : memref<79x128xi32, #tpu.memory_space<vmem>> -> memref<1x128xi32, #tpu.memory_space<vmem>>
        %dma_wait3A_106 = tpu.memref_squeeze %dma_wait3A_105 : memref<1x128xi32, #tpu.memory_space<vmem>> -> memref<128xi32, #tpu.memory_space<vmem>>
        %dma_wait3A_107 = arith.constant 0 : i32
        %dma_wait3A_108 = arith.constant 0 : i32
        %dma_wait3A_109 = tpu.memref_slice %arg12[%dma_wait3A_107, %dma_wait3A_108] : memref<10240x16xf32, #tpu.memory_space<vmem_shared>> -> memref<10240x16xf32, #tpu.memory_space<vmem_shared>>
        tpu.wait_indirect_dma semaphore(%arg16 : memref<!tpu.dma_semaphore, #tpu.memory_space<semaphore_mem>>) src(%dma_wait3A_103 : memref<128x16xf32, #tpu.memory_space<vmem>>) dst(%dma_wait3A_109 : memref<10240x16xf32, #tpu.memory_space<vmem_shared>>)
        %dma_wait3A_110 = arith.constant 0 : i32
        %dma_wait3A_111 = arith.constant 0 : i32
        %dma_wait3A_112 = tpu.memref_slice %arg9[%dma_wait3A_110, %dma_wait3A_111] : memref<79x128xi32, #tpu.memory_space<vmem>> -> memref<1x128xi32, #tpu.memory_space<vmem>>
        %dma_wait3A_113 = tpu.memref_squeeze %dma_wait3A_112 : memref<1x128xi32, #tpu.memory_space<vmem>> -> memref<128xi32, #tpu.memory_space<vmem>>
        %dma_wait3A_114 = arith.constant 0 : i32
        %dma_wait3A_115 = arith.constant 0 : i32
        %dma_wait3A_116 = tpu.memref_slice %arg13[%dma_wait3A_114, %dma_wait3A_115] : memref<10240x16xf32, #tpu.memory_space<vmem_shared>> -> memref<10240x16xf32, #tpu.memory_space<vmem_shared>>
        tpu.wait_indirect_dma semaphore(%arg17 : memref<!tpu.dma_semaphore, #tpu.memory_space<semaphore_mem>>) src(%arg11 : memref<128x16xf32, #tpu.memory_space<vmem>>) dst(%dma_wait3A_116 : memref<10240x16xf32, #tpu.memory_space<vmem_shared>>)
      } else {
      }
      %add3A_75 = arith.constant 1 : i32
      %add3A_76 = arith.addi %while3A_56, %add3A_75 : i32
      %lt3A_77 = arith.cmpi slt, %add3A_76, %add3A_7 : i32
      %convert_element_type3A_78 = arith.extui %lt3A_77 : i1 to i32
      %cond3A_79 = arith.constant 0 : i32
      %cond3A_80 = arith.cmpi ne, %convert_element_type3A_78, %cond3A_79 : i32
      scf.if %cond3A_80 {
        %add3A_98 = arith.constant 1 : i32
        %add3A_99 = arith.addi %while3A_56, %add3A_98 : i32
        %sub3A = arith.constant 1 : i32
        %sub3A_100 = arith.subi %sub3A, %rem3A_58 : i32
        %dma_start3A_101 = arith.constant 0 : i32
        %dma_start3A_102 = arith.constant 0 : i32
        %dma_start3A_103 = tpu.memref_slice %arg10[%sub3A_100, %dma_start3A_101, %dma_start3A_102] : memref<2x128x16xf32, #tpu.memory_space<vmem>> -> memref<1x128x16xf32, #tpu.memory_space<vmem>>
        %dma_start3A_104 = tpu.memref_squeeze %dma_start3A_103 : memref<1x128x16xf32, #tpu.memory_space<vmem>> -> memref<128x16xf32, #tpu.memory_space<vmem>>
        %dma_start3A_105 = arith.constant 0 : i32
        %dma_start3A_106 = tpu.memref_slice %arg8[%add3A_99, %dma_start3A_105] : memref<79x128xi32, #tpu.memory_space<vmem>> -> memref<1x128xi32, #tpu.memory_space<vmem>>
        %dma_start3A_107 = tpu.memref_squeeze %dma_start3A_106 : memref<1x128xi32, #tpu.memory_space<vmem>> -> memref<128xi32, #tpu.memory_space<vmem>>
        %dma_start3A_108 = arith.constant 0 : i32
        %dma_start3A_109 = arith.constant 0 : i32
        %dma_start3A_110 = tpu.memref_slice %arg14[%dma_start3A_108, %dma_start3A_109] : memref<10000x16xf32, #tpu.memory_space<vmem_shared>> -> memref<10000x16xf32, #tpu.memory_space<vmem_shared>>
        tpu.enqueue_indirect_dma source(%dma_start3A_110 : memref<10000x16xf32, #tpu.memory_space<vmem_shared>>) target(%dma_start3A_104 : memref<128x16xf32, #tpu.memory_space<vmem>>) offsets(%dma_start3A_107 : memref<128xi32, #tpu.memory_space<vmem>>) semaphore(%arg15 : memref<!tpu.dma_semaphore, #tpu.memory_space<semaphore_mem>>)
      } else {
      }
      %dma_start3A_81 = arith.constant 0 : i32
      %dma_start3A_82 = arith.constant 0 : i32
      %dma_start3A_83 = tpu.memref_slice %arg10[%rem3A_58, %dma_start3A_81, %dma_start3A_82] : memref<2x128x16xf32, #tpu.memory_space<vmem>> -> memref<1x128x16xf32, #tpu.memory_space<vmem>>
      %dma_start3A_84 = tpu.memref_squeeze %dma_start3A_83 : memref<1x128x16xf32, #tpu.memory_space<vmem>> -> memref<128x16xf32, #tpu.memory_space<vmem>>
      %dma_start3A_85 = arith.constant 0 : i32
      %dma_start3A_86 = tpu.memref_slice %arg9[%while3A_56, %dma_start3A_85] : memref<79x128xi32, #tpu.memory_space<vmem>> -> memref<1x128xi32, #tpu.memory_space<vmem>>
      %dma_start3A_87 = tpu.memref_squeeze %dma_start3A_86 : memref<1x128xi32, #tpu.memory_space<vmem>> -> memref<128xi32, #tpu.memory_space<vmem>>
      %dma_start3A_88 = arith.constant 0 : i32
      %dma_start3A_89 = arith.constant 0 : i32
      %dma_start3A_90 = tpu.memref_slice %arg12[%dma_start3A_88, %dma_start3A_89] : memref<10240x16xf32, #tpu.memory_space<vmem_shared>> -> memref<10240x16xf32, #tpu.memory_space<vmem_shared>>
      tpu.enqueue_indirect_dma source(%dma_start3A_84 : memref<128x16xf32, #tpu.memory_space<vmem>>) target(%dma_start3A_90 : memref<10240x16xf32, #tpu.memory_space<vmem_shared>>) offsets(%dma_start3A_87 : memref<128xi32, #tpu.memory_space<vmem>>) semaphore(%arg16 : memref<!tpu.dma_semaphore, #tpu.memory_space<semaphore_mem>>) {add = true}
      %dma_start3A_91 = arith.constant 0 : i32
      %dma_start3A_92 = tpu.memref_slice %arg9[%while3A_56, %dma_start3A_91] : memref<79x128xi32, #tpu.memory_space<vmem>> -> memref<1x128xi32, #tpu.memory_space<vmem>>
      %dma_start3A_93 = tpu.memref_squeeze %dma_start3A_92 : memref<1x128xi32, #tpu.memory_space<vmem>> -> memref<128xi32, #tpu.memory_space<vmem>>
      %dma_start3A_94 = arith.constant 0 : i32
      %dma_start3A_95 = arith.constant 0 : i32
      %dma_start3A_96 = tpu.memref_slice %arg13[%dma_start3A_94, %dma_start3A_95] : memref<10240x16xf32, #tpu.memory_space<vmem_shared>> -> memref<10240x16xf32, #tpu.memory_space<vmem_shared>>
      tpu.enqueue_indirect_dma source(%arg11 : memref<128x16xf32, #tpu.memory_space<vmem>>) target(%dma_start3A_96 : memref<10240x16xf32, #tpu.memory_space<vmem_shared>>) offsets(%dma_start3A_93 : memref<128xi32, #tpu.memory_space<vmem>>) semaphore(%arg17 : memref<!tpu.dma_semaphore, #tpu.memory_space<semaphore_mem>>) {add = true}
      %while3A_97 = arith.constant 0 : i32
      scf.yield %while3A_97 : i32
    }
    %while3A_35 = arith.constant 1 : i32
    %while3A_36 = scf.for %while3A_56 = %while3A_32 to %while3A_28 step %while3A_35 iter_args(%while3A_57 = %while3A_34) -> (i32)  : i32 {
      %rem3A = arith.constant 2 : i32
      %rem3A_58 = arith.remsi %while3A_56, %rem3A : i32
      %dma_wait3A_59 = arith.constant 0 : i32
      %dma_wait3A_60 = arith.constant 0 : i32
      %dma_wait3A_61 = arith.constant 0 : i32
      %dma_wait3A_62 = arith.constant 0 : i32
      %dma_wait3A_63 = tpu.memref_slice %arg10[%dma_wait3A_60, %dma_wait3A_61, %dma_wait3A_62] : memref<2x128x16xf32, #tpu.memory_space<vmem>> -> memref<1x128x16xf32, #tpu.memory_space<vmem>>
      %dma_wait3A_64 = tpu.memref_squeeze %dma_wait3A_63 : memref<1x128x16xf32, #tpu.memory_space<vmem>> -> memref<128x16xf32, #tpu.memory_space<vmem>>
      %dma_wait3A_65 = arith.constant 0 : i32
      %dma_wait3A_66 = tpu.memref_slice %arg8[%dma_wait3A_59, %dma_wait3A_65] : memref<79x128xi32, #tpu.memory_space<vmem>> -> memref<1x128xi32, #tpu.memory_space<vmem>>
      %dma_wait3A_67 = tpu.memref_squeeze %dma_wait3A_66 : memref<1x128xi32, #tpu.memory_space<vmem>> -> memref<128xi32, #tpu.memory_space<vmem>>
      %dma_wait3A_68 = arith.constant 0 : i32
      %dma_wait3A_69 = arith.constant 0 : i32
      %dma_wait3A_70 = tpu.memref_slice %arg14[%dma_wait3A_68, %dma_wait3A_69] : memref<10000x16xf32, #tpu.memory_space<vmem_shared>> -> memref<10000x16xf32, #tpu.memory_space<vmem_shared>>
      tpu.wait_indirect_dma semaphore(%arg15 : memref<!tpu.dma_semaphore, #tpu.memory_space<semaphore_mem>>) src(%dma_wait3A_70 : memref<10000x16xf32, #tpu.memory_space<vmem_shared>>) dst(%dma_wait3A_64 : memref<128x16xf32, #tpu.memory_space<vmem>>)
      %ge3A = arith.constant 1 : i32
      %ge3A_71 = arith.cmpi sge, %while3A_56, %ge3A : i32
      %convert_element_type3A_72 = arith.extui %ge3A_71 : i1 to i32
      %cond3A_73 = arith.constant 0 : i32
      %cond3A_74 = arith.cmpi ne, %convert_element_type3A_72, %cond3A_73 : i32
      scf.if %cond3A_74 {
        %dma_wait3A_98 = arith.constant 0 : i32
        %dma_wait3A_99 = arith.constant 0 : i32
        %dma_wait3A_100 = arith.constant 0 : i32
        %dma_wait3A_101 = arith.constant 0 : i32
        %dma_wait3A_102 = tpu.memref_slice %arg10[%dma_wait3A_98, %dma_wait3A_100, %dma_wait3A_101] : memref<2x128x16xf32, #tpu.memory_space<vmem>> -> memref<1x128x16xf32, #tpu.memory_space<vmem>>
        %dma_wait3A_103 = tpu.memref_squeeze %dma_wait3A_102 : memref<1x128x16xf32, #tpu.memory_space<vmem>> -> memref<128x16xf32, #tpu.memory_space<vmem>>
        %dma_wait3A_104 = arith.constant 0 : i32
        %dma_wait3A_105 = tpu.memref_slice %arg9[%dma_wait3A_99, %dma_wait3A_104] : memref<79x128xi32, #tpu.memory_space<vmem>> -> memref<1x128xi32, #tpu.memory_space<vmem>>
        %dma_wait3A_106 = tpu.memref_squeeze %dma_wait3A_105 : memref<1x128xi32, #tpu.memory_space<vmem>> -> memref<128xi32, #tpu.memory_space<vmem>>
        %dma_wait3A_107 = arith.constant 0 : i32
        %dma_wait3A_108 = arith.constant 0 : i32
        %dma_wait3A_109 = tpu.memref_slice %arg12[%dma_wait3A_107, %dma_wait3A_108] : memref<10240x16xf32, #tpu.memory_space<vmem_shared>> -> memref<10240x16xf32, #tpu.memory_space<vmem_shared>>
        tpu.wait_indirect_dma semaphore(%arg16 : memref<!tpu.dma_semaphore, #tpu.memory_space<semaphore_mem>>) src(%dma_wait3A_103 : memref<128x16xf32, #tpu.memory_space<vmem>>) dst(%dma_wait3A_109 : memref<10240x16xf32, #tpu.memory_space<vmem_shared>>)
        %dma_wait3A_110 = arith.constant 0 : i32
        %dma_wait3A_111 = arith.constant 0 : i32
        %dma_wait3A_112 = tpu.memref_slice %arg9[%dma_wait3A_110, %dma_wait3A_111] : memref<79x128xi32, #tpu.memory_space<vmem>> -> memref<1x128xi32, #tpu.memory_space<vmem>>
        %dma_wait3A_113 = tpu.memref_squeeze %dma_wait3A_112 : memref<1x128xi32, #tpu.memory_space<vmem>> -> memref<128xi32, #tpu.memory_space<vmem>>
        %dma_wait3A_114 = arith.constant 0 : i32
        %dma_wait3A_115 = arith.constant 0 : i32
        %dma_wait3A_116 = tpu.memref_slice %arg13[%dma_wait3A_114, %dma_wait3A_115] : memref<10240x16xf32, #tpu.memory_space<vmem_shared>> -> memref<10240x16xf32, #tpu.memory_space<vmem_shared>>
        tpu.wait_indirect_dma semaphore(%arg17 : memref<!tpu.dma_semaphore, #tpu.memory_space<semaphore_mem>>) src(%arg11 : memref<128x16xf32, #tpu.memory_space<vmem>>) dst(%dma_wait3A_116 : memref<10240x16xf32, #tpu.memory_space<vmem_shared>>)
      } else {
      }
      %add3A_75 = arith.constant 1 : i32
      %add3A_76 = arith.addi %while3A_56, %add3A_75 : i32
      %lt3A_77 = arith.cmpi slt, %add3A_76, %add3A_7 : i32
      %convert_element_type3A_78 = arith.extui %lt3A_77 : i1 to i32
      %cond3A_79 = arith.constant 0 : i32
      %cond3A_80 = arith.cmpi ne, %convert_element_type3A_78, %cond3A_79 : i32
      scf.if %cond3A_80 {
        %add3A_98 = arith.constant 1 : i32
        %add3A_99 = arith.addi %while3A_56, %add3A_98 : i32
        %sub3A = arith.constant 1 : i32
        %sub3A_100 = arith.subi %sub3A, %rem3A_58 : i32
        %dma_start3A_101 = arith.constant 0 : i32
        %dma_start3A_102 = arith.constant 0 : i32
        %dma_start3A_103 = tpu.memref_slice %arg10[%sub3A_100, %dma_start3A_101, %dma_start3A_102] : memref<2x128x16xf32, #tpu.memory_space<vmem>> -> memref<1x128x16xf32, #tpu.memory_space<vmem>>
        %dma_start3A_104 = tpu.memref_squeeze %dma_start3A_103 : memref<1x128x16xf32, #tpu.memory_space<vmem>> -> memref<128x16xf32, #tpu.memory_space<vmem>>
        %dma_start3A_105 = arith.constant 0 : i32
        %dma_start3A_106 = tpu.memref_slice %arg8[%add3A_99, %dma_start3A_105] : memref<79x128xi32, #tpu.memory_space<vmem>> -> memref<1x128xi32, #tpu.memory_space<vmem>>
        %dma_start3A_107 = tpu.memref_squeeze %dma_start3A_106 : memref<1x128xi32, #tpu.memory_space<vmem>> -> memref<128xi32, #tpu.memory_space<vmem>>
        %dma_start3A_108 = arith.constant 0 : i32
        %dma_start3A_109 = arith.constant 0 : i32
        %dma_start3A_110 = tpu.memref_slice %arg14[%dma_start3A_108, %dma_start3A_109] : memref<10000x16xf32, #tpu.memory_space<vmem_shared>> -> memref<10000x16xf32, #tpu.memory_space<vmem_shared>>
        tpu.enqueue_indirect_dma source(%dma_start3A_110 : memref<10000x16xf32, #tpu.memory_space<vmem_shared>>) target(%dma_start3A_104 : memref<128x16xf32, #tpu.memory_space<vmem>>) offsets(%dma_start3A_107 : memref<128xi32, #tpu.memory_space<vmem>>) semaphore(%arg15 : memref<!tpu.dma_semaphore, #tpu.memory_space<semaphore_mem>>)
      } else {
      }
      %dma_start3A_81 = arith.constant 0 : i32
      %dma_start3A_82 = arith.constant 0 : i32
      %dma_start3A_83 = tpu.memref_slice %arg10[%rem3A_58, %dma_start3A_81, %dma_start3A_82] : memref<2x128x16xf32, #tpu.memory_space<vmem>> -> memref<1x128x16xf32, #tpu.memory_space<vmem>>
      %dma_start3A_84 = tpu.memref_squeeze %dma_start3A_83 : memref<1x128x16xf32, #tpu.memory_space<vmem>> -> memref<128x16xf32, #tpu.memory_space<vmem>>
      %dma_start3A_85 = arith.constant 0 : i32
      %dma_start3A_86 = tpu.memref_slice %arg9[%while3A_56, %dma_start3A_85] : memref<79x128xi32, #tpu.memory_space<vmem>> -> memref<1x128xi32, #tpu.memory_space<vmem>>
      %dma_start3A_87 = tpu.memref_squeeze %dma_start3A_86 : memref<1x128xi32, #tpu.memory_space<vmem>> -> memref<128xi32, #tpu.memory_space<vmem>>
      %dma_start3A_88 = arith.constant 0 : i32
      %dma_start3A_89 = arith.constant 0 : i32
      %dma_start3A_90 = tpu.memref_slice %arg12[%dma_start3A_88, %dma_start3A_89] : memref<10240x16xf32, #tpu.memory_space<vmem_shared>> -> memref<10240x16xf32, #tpu.memory_space<vmem_shared>>
      tpu.enqueue_indirect_dma source(%dma_start3A_84 : memref<128x16xf32, #tpu.memory_space<vmem>>) target(%dma_start3A_90 : memref<10240x16xf32, #tpu.memory_space<vmem_shared>>) offsets(%dma_start3A_87 : memref<128xi32, #tpu.memory_space<vmem>>) semaphore(%arg16 : memref<!tpu.dma_semaphore, #tpu.memory_space<semaphore_mem>>) {add = true}
      %dma_start3A_91 = arith.constant 0 : i32
      %dma_start3A_92 = tpu.memref_slice %arg9[%while3A_56, %dma_start3A_91] : memref<79x128xi32, #tpu.memory_space<vmem>> -> memref<1x128xi32, #tpu.memory_space<vmem>>
      %dma_start3A_93 = tpu.memref_squeeze %dma_start3A_92 : memref<1x128xi32, #tpu.memory_space<vmem>> -> memref<128xi32, #tpu.memory_space<vmem>>
      %dma_start3A_94 = arith.constant 0 : i32
      %dma_start3A_95 = arith.constant 0 : i32
      %dma_start3A_96 = tpu.memref_slice %arg13[%dma_start3A_94, %dma_start3A_95] : memref<10240x16xf32, #tpu.memory_space<vmem_shared>> -> memref<10240x16xf32, #tpu.memory_space<vmem_shared>>
      tpu.enqueue_indirect_dma source(%arg11 : memref<128x16xf32, #tpu.memory_space<vmem>>) target(%dma_start3A_96 : memref<10240x16xf32, #tpu.memory_space<vmem_shared>>) offsets(%dma_start3A_93 : memref<128xi32, #tpu.memory_space<vmem>>) semaphore(%arg17 : memref<!tpu.dma_semaphore, #tpu.memory_space<semaphore_mem>>) {add = true}
      %while3A_97 = arith.constant 0 : i32
      scf.yield %while3A_97 : i32
    }
    %dma_wait3A = arith.constant 0 : i32
    %dma_wait3A_37 = arith.constant 0 : i32
    %dma_wait3A_38 = arith.constant 0 : i32
    %dma_wait3A_39 = arith.constant 0 : i32
    %dma_wait3A_40 = tpu.memref_slice %arg10[%dma_wait3A, %dma_wait3A_38, %dma_wait3A_39] : memref<2x128x16xf32, #tpu.memory_space<vmem>> -> memref<1x128x16xf32, #tpu.memory_space<vmem>>
    %dma_wait3A_41 = tpu.memref_squeeze %dma_wait3A_40 : memref<1x128x16xf32, #tpu.memory_space<vmem>> -> memref<128x16xf32, #tpu.memory_space<vmem>>
    %dma_wait3A_42 = arith.constant 0 : i32
    %dma_wait3A_43 = tpu.memref_slice %arg9[%dma_wait3A_37, %dma_wait3A_42] : memref<79x128xi32, #tpu.memory_space<vmem>> -> memref<1x128xi32, #tpu.memory_space<vmem>>
    %dma_wait3A_44 = tpu.memref_squeeze %dma_wait3A_43 : memref<1x128xi32, #tpu.memory_space<vmem>> -> memref<128xi32, #tpu.memory_space<vmem>>
    %dma_wait3A_45 = arith.constant 0 : i32
    %dma_wait3A_46 = arith.constant 0 : i32
    %dma_wait3A_47 = tpu.memref_slice %arg12[%dma_wait3A_45, %dma_wait3A_46] : memref<10240x16xf32, #tpu.memory_space<vmem_shared>> -> memref<10240x16xf32, #tpu.memory_space<vmem_shared>>
    tpu.wait_indirect_dma semaphore(%arg16 : memref<!tpu.dma_semaphore, #tpu.memory_space<semaphore_mem>>) src(%dma_wait3A_41 : memref<128x16xf32, #tpu.memory_space<vmem>>) dst(%dma_wait3A_47 : memref<10240x16xf32, #tpu.memory_space<vmem_shared>>)
    %dma_wait3A_48 = arith.constant 0 : i32
    %dma_wait3A_49 = arith.constant 0 : i32
    %dma_wait3A_50 = tpu.memref_slice %arg9[%dma_wait3A_48, %dma_wait3A_49] : memref<79x128xi32, #tpu.memory_space<vmem>> -> memref<1x128xi32, #tpu.memory_space<vmem>>
    %dma_wait3A_51 = tpu.memref_squeeze %dma_wait3A_50 : memref<1x128xi32, #tpu.memory_space<vmem>> -> memref<128xi32, #tpu.memory_space<vmem>>
    %dma_wait3A_52 = arith.constant 0 : i32
    %dma_wait3A_53 = arith.constant 0 : i32
    %dma_wait3A_54 = tpu.memref_slice %arg13[%dma_wait3A_52, %dma_wait3A_53] : memref<10240x16xf32, #tpu.memory_space<vmem_shared>> -> memref<10240x16xf32, #tpu.memory_space<vmem_shared>>
    tpu.wait_indirect_dma semaphore(%arg17 : memref<!tpu.dma_semaphore, #tpu.memory_space<semaphore_mem>>) src(%arg11 : memref<128x16xf32, #tpu.memory_space<vmem>>) dst(%dma_wait3A_54 : memref<10240x16xf32, #tpu.memory_space<vmem_shared>>)
    %barrier3A_55 = arith.constant 0 : index
    tpu.barrier barrier_id(%barrier3A_55)
    "tpu.region"() ({
      %run_scoped3A_56 = tpu.sem_alloc : memref<!tpu.dma_semaphore, #tpu.memory_space<semaphore_mem>>
      %dma_start3A_57 = arith.constant 0 : i32
      %dma_start3A_58 = tpu.memref_slice %arg6[%arg0, %mul3A_2, %dma_start3A_57] : memref<2x10240x16xf32, #tpu.memory_space<hbm>> -> memref<1x640x16xf32, #tpu.memory_space<hbm>>
      %dma_start3A_59 = tpu.memref_squeeze %dma_start3A_58 : memref<1x640x16xf32, #tpu.memory_space<hbm>> -> memref<640x16xf32, #tpu.memory_space<hbm>>
      %dma_start3A_60 = arith.constant 0 : i32
      %dma_start3A_61 = tpu.memref_slice %arg12[%mul3A_2, %dma_start3A_60] : memref<10240x16xf32, #tpu.memory_space<vmem_shared>> -> memref<640x16xf32, #tpu.memory_space<vmem_shared>>
      tpu.enqueue_dma source(%dma_start3A_61 : memref<640x16xf32, #tpu.memory_space<vmem_shared>>) target(%dma_start3A_59 : memref<640x16xf32, #tpu.memory_space<hbm>>) target_semaphore(%run_scoped3A_56 : memref<!tpu.dma_semaphore, #tpu.memory_space<semaphore_mem>>)
      %dma_wait3A_62 = arith.constant 0 : i32
      %dma_wait3A_63 = tpu.memref_slice %arg6[%arg0, %mul3A_2, %dma_wait3A_62] : memref<2x10240x16xf32, #tpu.memory_space<hbm>> -> memref<1x640x16xf32, #tpu.memory_space<hbm>>
      %dma_wait3A_64 = tpu.memref_squeeze %dma_wait3A_63 : memref<1x640x16xf32, #tpu.memory_space<hbm>> -> memref<640x16xf32, #tpu.memory_space<hbm>>
      %dma_wait3A_65 = arith.constant 0 : i32
      %dma_wait3A_66 = tpu.memref_slice %arg12[%mul3A_2, %dma_wait3A_65] : memref<10240x16xf32, #tpu.memory_space<vmem_shared>> -> memref<640x16xf32, #tpu.memory_space<vmem_shared>>
      tpu.wait_dma2 semaphore(%run_scoped3A_56 : memref<!tpu.dma_semaphore, #tpu.memory_space<semaphore_mem>>) src(%dma_wait3A_66 : memref<640x16xf32, #tpu.memory_space<vmem_shared>>) dst(%dma_wait3A_64 : memref<640x16xf32, #tpu.memory_space<hbm>>)
      tpu.yield
    }) : () -> ()
    "tpu.region"() ({
      %run_scoped3A_56 = tpu.sem_alloc : memref<!tpu.dma_semaphore, #tpu.memory_space<semaphore_mem>>
      %dma_start3A_57 = arith.constant 0 : i32
      %dma_start3A_58 = tpu.memref_slice %arg7[%arg0, %mul3A_2, %dma_start3A_57] : memref<2x10240x16xf32, #tpu.memory_space<hbm>> -> memref<1x640x16xf32, #tpu.memory_space<hbm>>
      %dma_start3A_59 = tpu.memref_squeeze %dma_start3A_58 : memref<1x640x16xf32, #tpu.memory_space<hbm>> -> memref<640x16xf32, #tpu.memory_space<hbm>>
      %dma_start3A_60 = arith.constant 0 : i32
      %dma_start3A_61 = tpu.memref_slice %arg13[%mul3A_2, %dma_start3A_60] : memref<10240x16xf32, #tpu.memory_space<vmem_shared>> -> memref<640x16xf32, #tpu.memory_space<vmem_shared>>
      tpu.enqueue_dma source(%dma_start3A_61 : memref<640x16xf32, #tpu.memory_space<vmem_shared>>) target(%dma_start3A_59 : memref<640x16xf32, #tpu.memory_space<hbm>>) target_semaphore(%run_scoped3A_56 : memref<!tpu.dma_semaphore, #tpu.memory_space<semaphore_mem>>)
      %dma_wait3A_62 = arith.constant 0 : i32
      %dma_wait3A_63 = tpu.memref_slice %arg7[%arg0, %mul3A_2, %dma_wait3A_62] : memref<2x10240x16xf32, #tpu.memory_space<hbm>> -> memref<1x640x16xf32, #tpu.memory_space<hbm>>
      %dma_wait3A_64 = tpu.memref_squeeze %dma_wait3A_63 : memref<1x640x16xf32, #tpu.memory_space<hbm>> -> memref<640x16xf32, #tpu.memory_space<hbm>>
      %dma_wait3A_65 = arith.constant 0 : i32
      %dma_wait3A_66 = tpu.memref_slice %arg13[%mul3A_2, %dma_wait3A_65] : memref<10240x16xf32, #tpu.memory_space<vmem_shared>> -> memref<640x16xf32, #tpu.memory_space<vmem_shared>>
      tpu.wait_dma2 semaphore(%run_scoped3A_56 : memref<!tpu.dma_semaphore, #tpu.memory_space<semaphore_mem>>) src(%dma_wait3A_66 : memref<640x16xf32, #tpu.memory_space<vmem_shared>>) dst(%dma_wait3A_64 : memref<640x16xf32, #tpu.memory_space<hbm>>)
      tpu.yield
    }) : () -> ()
    return
  }
}

#map = affine_map<(d0, d1) -> (0, 0, 0)>
#map1 = affine_map<(d0, d1) -> (0, 0)>
#map2 = affine_map<(d0, d1) -> (0)>
module attributes {stable_mosaic.version = 14 : i64} {
  func.func @_sc_out(%arg0: i32, %arg1: i32, %arg2: memref<2x10240x16xf32, #tpu.memory_space<hbm>>, %arg3: memref<10240x32xf32, #tpu.memory_space<hbm>>, %arg4: memref<16xf32, #tpu.memory_space<hbm>>, %arg5: memref<10016x16xf32, #tpu.memory_space<hbm>>, %arg6: memref<313x16xf32, #tpu.memory_space<vmem>>, %arg7: memref<313x16xf32, #tpu.memory_space<vmem>>, %arg8: memref<313x32xf32, #tpu.memory_space<vmem>>, %arg9: memref<16xf32, #tpu.memory_space<vmem>>, %arg10: memref<313x16xf32, #tpu.memory_space<vmem>>) attributes {dimension_semantics = [#tpu.dimension_semantics<core_parallel>, #tpu.dimension_semantics<subcore_parallel>], iteration_bounds = array<i64: 2, 16>, scalar_prefetch = 0 : i64, scratch_operands = 5 : i64, tpu.core_type = #tpu.core_type<sc_vector_subcore>, window_params = [{transform_indices = #map}, {transform_indices = #map1}, {transform_indices = #map2}, {transform_indices = #map1}]} {
    %mul3A = arith.constant 16 : i32
    %mul3A_0 = arith.muli %arg0, %mul3A : i32
    %add3A = arith.addi %mul3A_0, %arg1 : i32
    %mul3A_1 = arith.constant 313 : i32
    %mul3A_2 = arith.muli %add3A, %mul3A_1 : i32
    %run_scoped3A = arith.constant 0 : i32
    "tpu.region"() ({
      %run_scoped3A_13 = tpu.sem_alloc : memref<!tpu.dma_semaphore, #tpu.memory_space<semaphore_mem>>
      %dma_start3A = arith.constant 0 : i32
      %dma_start3A_14 = tpu.memref_slice %arg2[%run_scoped3A, %mul3A_2, %dma_start3A] : memref<2x10240x16xf32, #tpu.memory_space<hbm>> -> memref<1x313x16xf32, #tpu.memory_space<hbm>>
      %dma_start3A_15 = tpu.memref_squeeze %dma_start3A_14 : memref<1x313x16xf32, #tpu.memory_space<hbm>> -> memref<313x16xf32, #tpu.memory_space<hbm>>
      %dma_start3A_16 = arith.constant 0 : i32
      %dma_start3A_17 = tpu.memref_slice %arg2[%run_scoped3A, %mul3A_2, %dma_start3A_16] : memref<2x10240x16xf32, #tpu.memory_space<hbm>> -> memref<1x313x16xf32, #tpu.memory_space<hbm>>
      %dma_start3A_18 = tpu.memref_squeeze %dma_start3A_17 : memref<1x313x16xf32, #tpu.memory_space<hbm>> -> memref<313x16xf32, #tpu.memory_space<hbm>>
      tpu.enqueue_dma source(%dma_start3A_18 : memref<313x16xf32, #tpu.memory_space<hbm>>) target(%arg6 : memref<313x16xf32, #tpu.memory_space<vmem>>) target_semaphore(%run_scoped3A_13 : memref<!tpu.dma_semaphore, #tpu.memory_space<semaphore_mem>>)
      %dma_wait3A = arith.constant 0 : i32
      %dma_wait3A_19 = tpu.memref_slice %arg2[%run_scoped3A, %mul3A_2, %dma_wait3A] : memref<2x10240x16xf32, #tpu.memory_space<hbm>> -> memref<1x313x16xf32, #tpu.memory_space<hbm>>
      %dma_wait3A_20 = tpu.memref_squeeze %dma_wait3A_19 : memref<1x313x16xf32, #tpu.memory_space<hbm>> -> memref<313x16xf32, #tpu.memory_space<hbm>>
      %dma_wait3A_21 = arith.constant 0 : i32
      %dma_wait3A_22 = tpu.memref_slice %arg2[%run_scoped3A, %mul3A_2, %dma_wait3A_21] : memref<2x10240x16xf32, #tpu.memory_space<hbm>> -> memref<1x313x16xf32, #tpu.memory_space<hbm>>
      %dma_wait3A_23 = tpu.memref_squeeze %dma_wait3A_22 : memref<1x313x16xf32, #tpu.memory_space<hbm>> -> memref<313x16xf32, #tpu.memory_space<hbm>>
      tpu.wait_dma2 semaphore(%run_scoped3A_13 : memref<!tpu.dma_semaphore, #tpu.memory_space<semaphore_mem>>) src(%dma_wait3A_23 : memref<313x16xf32, #tpu.memory_space<hbm>>) dst(%arg6 : memref<313x16xf32, #tpu.memory_space<vmem>>)
      tpu.yield
    }) : () -> ()
    %run_scoped3A_3 = arith.constant 1 : i32
    "tpu.region"() ({
      %run_scoped3A_13 = tpu.sem_alloc : memref<!tpu.dma_semaphore, #tpu.memory_space<semaphore_mem>>
      %dma_start3A = arith.constant 0 : i32
      %dma_start3A_14 = tpu.memref_slice %arg2[%run_scoped3A_3, %mul3A_2, %dma_start3A] : memref<2x10240x16xf32, #tpu.memory_space<hbm>> -> memref<1x313x16xf32, #tpu.memory_space<hbm>>
      %dma_start3A_15 = tpu.memref_squeeze %dma_start3A_14 : memref<1x313x16xf32, #tpu.memory_space<hbm>> -> memref<313x16xf32, #tpu.memory_space<hbm>>
      %dma_start3A_16 = arith.constant 0 : i32
      %dma_start3A_17 = tpu.memref_slice %arg2[%run_scoped3A_3, %mul3A_2, %dma_start3A_16] : memref<2x10240x16xf32, #tpu.memory_space<hbm>> -> memref<1x313x16xf32, #tpu.memory_space<hbm>>
      %dma_start3A_18 = tpu.memref_squeeze %dma_start3A_17 : memref<1x313x16xf32, #tpu.memory_space<hbm>> -> memref<313x16xf32, #tpu.memory_space<hbm>>
      tpu.enqueue_dma source(%dma_start3A_18 : memref<313x16xf32, #tpu.memory_space<hbm>>) target(%arg7 : memref<313x16xf32, #tpu.memory_space<vmem>>) target_semaphore(%run_scoped3A_13 : memref<!tpu.dma_semaphore, #tpu.memory_space<semaphore_mem>>)
      %dma_wait3A = arith.constant 0 : i32
      %dma_wait3A_19 = tpu.memref_slice %arg2[%run_scoped3A_3, %mul3A_2, %dma_wait3A] : memref<2x10240x16xf32, #tpu.memory_space<hbm>> -> memref<1x313x16xf32, #tpu.memory_space<hbm>>
      %dma_wait3A_20 = tpu.memref_squeeze %dma_wait3A_19 : memref<1x313x16xf32, #tpu.memory_space<hbm>> -> memref<313x16xf32, #tpu.memory_space<hbm>>
      %dma_wait3A_21 = arith.constant 0 : i32
      %dma_wait3A_22 = tpu.memref_slice %arg2[%run_scoped3A_3, %mul3A_2, %dma_wait3A_21] : memref<2x10240x16xf32, #tpu.memory_space<hbm>> -> memref<1x313x16xf32, #tpu.memory_space<hbm>>
      %dma_wait3A_23 = tpu.memref_squeeze %dma_wait3A_22 : memref<1x313x16xf32, #tpu.memory_space<hbm>> -> memref<313x16xf32, #tpu.memory_space<hbm>>
      tpu.wait_dma2 semaphore(%run_scoped3A_13 : memref<!tpu.dma_semaphore, #tpu.memory_space<semaphore_mem>>) src(%dma_wait3A_23 : memref<313x16xf32, #tpu.memory_space<hbm>>) dst(%arg7 : memref<313x16xf32, #tpu.memory_space<vmem>>)
      tpu.yield
    }) : () -> ()
    "tpu.region"() ({
      %run_scoped3A_13 = tpu.sem_alloc : memref<!tpu.dma_semaphore, #tpu.memory_space<semaphore_mem>>
      %dma_start3A = arith.constant 0 : i32
      %dma_start3A_14 = tpu.memref_slice %arg3[%mul3A_2, %dma_start3A] : memref<10240x32xf32, #tpu.memory_space<hbm>> -> memref<313x32xf32, #tpu.memory_space<hbm>>
      %dma_start3A_15 = arith.constant 0 : i32
      %dma_start3A_16 = tpu.memref_slice %arg3[%mul3A_2, %dma_start3A_15] : memref<10240x32xf32, #tpu.memory_space<hbm>> -> memref<313x32xf32, #tpu.memory_space<hbm>>
      tpu.enqueue_dma source(%dma_start3A_16 : memref<313x32xf32, #tpu.memory_space<hbm>>) target(%arg8 : memref<313x32xf32, #tpu.memory_space<vmem>>) target_semaphore(%run_scoped3A_13 : memref<!tpu.dma_semaphore, #tpu.memory_space<semaphore_mem>>)
      %dma_wait3A = arith.constant 0 : i32
      %dma_wait3A_17 = tpu.memref_slice %arg3[%mul3A_2, %dma_wait3A] : memref<10240x32xf32, #tpu.memory_space<hbm>> -> memref<313x32xf32, #tpu.memory_space<hbm>>
      %dma_wait3A_18 = arith.constant 0 : i32
      %dma_wait3A_19 = tpu.memref_slice %arg3[%mul3A_2, %dma_wait3A_18] : memref<10240x32xf32, #tpu.memory_space<hbm>> -> memref<313x32xf32, #tpu.memory_space<hbm>>
      tpu.wait_dma2 semaphore(%run_scoped3A_13 : memref<!tpu.dma_semaphore, #tpu.memory_space<semaphore_mem>>) src(%dma_wait3A_19 : memref<313x32xf32, #tpu.memory_space<hbm>>) dst(%arg8 : memref<313x32xf32, #tpu.memory_space<vmem>>)
      tpu.yield
    }) : () -> ()
    "tpu.region"() ({
      %run_scoped3A_13 = tpu.sem_alloc : memref<!tpu.dma_semaphore, #tpu.memory_space<semaphore_mem>>
      tpu.enqueue_dma source(%arg4 : memref<16xf32, #tpu.memory_space<hbm>>) target(%arg9 : memref<16xf32, #tpu.memory_space<vmem>>) target_semaphore(%run_scoped3A_13 : memref<!tpu.dma_semaphore, #tpu.memory_space<semaphore_mem>>)
      tpu.wait_dma2 semaphore(%run_scoped3A_13 : memref<!tpu.dma_semaphore, #tpu.memory_space<semaphore_mem>>) src(%arg4 : memref<16xf32, #tpu.memory_space<hbm>>) dst(%arg9 : memref<16xf32, #tpu.memory_space<vmem>>)
      tpu.yield
    }) : () -> ()
    %get3A = arith.constant 0 : index
    %get3A_4 = tpu.vector_load %arg9[%get3A] {strides = array<i32>} : memref<16xf32, #tpu.memory_space<vmem>>, vector<16xf32>,
    %iota3A = tpu.iota {dimensions = array<i32: 0>} : vector<16xi32>
    %lt3A = arith.constant 7 : i32
    %lt3A_5 = vector.broadcast %lt3A : i32 to vector<16xi32>
    %lt3A_6 = arith.cmpi slt, %iota3A, %lt3A_5 : vector<16xi32>
    %scan3A = arith.constant 0 : i32
    %scan3A_7 = arith.constant 0 : i32
    %scan3A_8 = arith.constant 313 : i32
    %scan3A_9 = arith.addi %scan3A_7, %scan3A_8 : i32
    %scan3A_10 = arith.constant 1 : i32
    %scan3A_11 = scf.for %scan3A_13 = %scan3A_7 to %scan3A_9 step %scan3A_10 iter_args(%scan3A_14 = %scan3A) -> (i32)  : i32 {
      %get3A_15 = arith.index_cast %scan3A_13 : i32 to index
      %get3A_16 = arith.constant 16 : index
      %get3A_17 = tpu.vector_load %arg8[%get3A_15, %get3A_16] {strides = array<i32>} : memref<313x32xf32, #tpu.memory_space<vmem>>, vector<16xf32>,
      %get3A_18 = arith.index_cast %scan3A_13 : i32 to index
      %get3A_19 = arith.constant 0 : index
      %get3A_20 = tpu.vector_load %arg6[%get3A_18, %get3A_19] {strides = array<i32>} : memref<313x16xf32, #tpu.memory_space<vmem>>, vector<16xf32>,
      %get3A_21 = arith.index_cast %scan3A_13 : i32 to index
      %get3A_22 = arith.constant 0 : index
      %get3A_23 = tpu.vector_load %arg7[%get3A_21, %get3A_22] {strides = array<i32>} : memref<313x16xf32, #tpu.memory_space<vmem>>, vector<16xf32>,
      %add3A_24 = arith.addf %get3A_20, %get3A_23 : vector<16xf32>
      %mul3A_25 = arith.mulf %add3A_24, %get3A_17 : vector<16xf32>
      %add3A_26 = arith.addf %mul3A_25, %get3A_4 : vector<16xf32>
      %get3A_27 = arith.index_cast %scan3A_13 : i32 to index
      %get3A_28 = arith.constant 0 : index
      %get3A_29 = tpu.vector_load %arg8[%get3A_27, %get3A_28] {strides = array<i32>} : memref<313x32xf32, #tpu.memory_space<vmem>>, vector<16xf32>,
      %add3A_30 = arith.addf %add3A_26, %get3A_29 : vector<16xf32>
      %jit3A = arith.constant -3.000000e+38 : f32
      %broadcast_in_dim3A = vector.broadcast %jit3A : f32 to vector<16xf32>
      %select_n3A = arith.select %lt3A_6, %add3A_30, %broadcast_in_dim3A : vector<16xi1>, vector<16xf32>
      %reduce_max3A = arith.constant true
      %reduce_max3A_31 = vector.broadcast %reduce_max3A : i1 to vector<16xi1>
      %reduce_max3A_32 = tpu.scan <max>, %select_n3A masked %reduce_max3A_31 : vector<16xf32>, vector<16xi1> -> vector<16xf32>
      %reduce_max3A_33 = vector.extract %reduce_max3A_32[15] : f32 from vector<16xf32>
      %sub3A = vector.broadcast %reduce_max3A_33 : f32 to vector<16xf32>
      %sub3A_34 = arith.subf %add3A_30, %sub3A : vector<16xf32>
      %exp3A = math.exp %sub3A_34 : vector<16xf32>
      %jit3A_35 = arith.constant 0.000000e+00 : f32
      %broadcast_in_dim3A_36 = vector.broadcast %jit3A_35 : f32 to vector<16xf32>
      %select_n3A_37 = arith.select %lt3A_6, %exp3A, %broadcast_in_dim3A_36 : vector<16xi1>, vector<16xf32>
      %reduce_sum3A = arith.constant true
      %reduce_sum3A_38 = vector.broadcast %reduce_sum3A : i1 to vector<16xi1>
      %reduce_sum3A_39 = tpu.scan <sum>, %select_n3A_37 masked %reduce_sum3A_38 : vector<16xf32>, vector<16xi1> -> vector<16xf32>
      %reduce_sum3A_40 = vector.extract %reduce_sum3A_39[15] : f32 from vector<16xf32>
      %broadcast_in_dim3A_41 = vector.broadcast %reduce_sum3A_40 : f32 to vector<16xf32>
      %bitcast3A = vector.bitcast %broadcast_in_dim3A_41 : vector<16xf32> to vector<16xi32>
      %shift_right_arithmetic3A = arith.constant 23 : i32
      %shift_right_arithmetic3A_42 = vector.broadcast %shift_right_arithmetic3A : i32 to vector<16xi32>
      %shift_right_arithmetic3A_43 = arith.shrsi %bitcast3A, %shift_right_arithmetic3A_42 : vector<16xi32>
      %and3A = arith.constant 255 : i32
      %and3A_44 = vector.broadcast %and3A : i32 to vector<16xi32>
      %and3A_45 = arith.andi %shift_right_arithmetic3A_43, %and3A_44 : vector<16xi32>
      %sub3A_46 = arith.constant 127 : i32
      %sub3A_47 = vector.broadcast %sub3A_46 : i32 to vector<16xi32>
      %sub3A_48 = arith.subi %and3A_45, %sub3A_47 : vector<16xi32>
      %and3A_49 = arith.constant 8388607 : i32
      %and3A_50 = vector.broadcast %and3A_49 : i32 to vector<16xi32>
      %and3A_51 = arith.andi %bitcast3A, %and3A_50 : vector<16xi32>
      %or3A = arith.constant 1065353216 : i32
      %or3A_52 = vector.broadcast %or3A : i32 to vector<16xi32>
      %or3A_53 = arith.ori %and3A_51, %or3A_52 : vector<16xi32>
      %bitcast3A_54 = vector.bitcast %or3A_53 : vector<16xi32> to vector<16xf32>
      %sub3A_55 = arith.constant 1.000000e+00 : f32
      %sub3A_56 = vector.broadcast %sub3A_55 : f32 to vector<16xf32>
      %sub3A_57 = arith.subf %bitcast3A_54, %sub3A_56 : vector<16xf32>
      %add3A_58 = arith.constant 1.000000e+00 : f32
      %add3A_59 = vector.broadcast %add3A_58 : f32 to vector<16xf32>
      %add3A_60 = arith.addf %bitcast3A_54, %add3A_59 : vector<16xf32>
      %div3A = arith.divf %sub3A_57, %add3A_60 : vector<16xf32>
      %mul3A_61 = arith.mulf %div3A, %div3A : vector<16xf32>
      %mul3A_62 = arith.constant 0.111111112 : f32
      %mul3A_63 = vector.broadcast %mul3A_62 : f32 to vector<16xf32>
      %mul3A_64 = arith.mulf %mul3A_61, %mul3A_63 : vector<16xf32>
      %add3A_65 = arith.constant 0.142857149 : f32
      %add3A_66 = vector.broadcast %add3A_65 : f32 to vector<16xf32>
      %add3A_67 = arith.addf %add3A_66, %mul3A_64 : vector<16xf32>
      %mul3A_68 = arith.mulf %mul3A_61, %add3A_67 : vector<16xf32>
      %add3A_69 = arith.constant 2.000000e-01 : f32
      %add3A_70 = vector.broadcast %add3A_69 : f32 to vector<16xf32>
      %add3A_71 = arith.addf %add3A_70, %mul3A_68 : vector<16xf32>
      %mul3A_72 = arith.mulf %mul3A_61, %add3A_71 : vector<16xf32>
      %add3A_73 = arith.constant 0.333333343 : f32
      %add3A_74 = vector.broadcast %add3A_73 : f32 to vector<16xf32>
      %add3A_75 = arith.addf %add3A_74, %mul3A_72 : vector<16xf32>
      %mul3A_76 = arith.mulf %mul3A_61, %add3A_75 : vector<16xf32>
      %add3A_77 = arith.constant 1.000000e+00 : f32
      %add3A_78 = vector.broadcast %add3A_77 : f32 to vector<16xf32>
      %add3A_79 = arith.addf %add3A_78, %mul3A_76 : vector<16xf32>
      %convert_element_type3A = arith.sitofp %sub3A_48 : vector<16xi32> to vector<16xf32>
      %mul3A_80 = arith.constant 0.693147182 : f32
      %mul3A_81 = vector.broadcast %mul3A_80 : f32 to vector<16xf32>
      %mul3A_82 = arith.mulf %convert_element_type3A, %mul3A_81 : vector<16xf32>
      %mul3A_83 = arith.constant 2.000000e+00 : f32
      %mul3A_84 = vector.broadcast %mul3A_83 : f32 to vector<16xf32>
      %mul3A_85 = arith.mulf %mul3A_84, %div3A : vector<16xf32>
      %mul3A_86 = arith.mulf %mul3A_85, %add3A_79 : vector<16xf32>
      %add3A_87 = arith.addf %mul3A_82, %mul3A_86 : vector<16xf32>
      %sub3A_88 = vector.broadcast %reduce_max3A_33 : f32 to vector<16xf32>
      %sub3A_89 = arith.subf %add3A_30, %sub3A_88 : vector<16xf32>
      %sub3A_90 = arith.subf %sub3A_89, %add3A_87 : vector<16xf32>
      %swap3A = arith.index_cast %scan3A_13 : i32 to index
      %swap3A_91 = arith.constant 0 : index
      %swap3A_92 = tpu.vector_load %arg10[%swap3A, %swap3A_91] {strides = array<i32>} : memref<313x16xf32, #tpu.memory_space<vmem>>, vector<16xf32>,
      tpu.vector_store %arg10[%swap3A, %swap3A_91], %sub3A_90 {strides = array<i32>} : memref<313x16xf32, #tpu.memory_space<vmem>>, vector<16xf32>,
      %scan3A_93 = arith.constant 0 : i32
      scf.yield %scan3A_93 : i32
    }
    %scan3A_12 = arith.constant 313 : i32
    "tpu.region"() ({
      %run_scoped3A_13 = tpu.sem_alloc : memref<!tpu.dma_semaphore, #tpu.memory_space<semaphore_mem>>
      %dma_start3A = arith.constant 0 : i32
      %dma_start3A_14 = tpu.memref_slice %arg5[%mul3A_2, %dma_start3A] : memref<10016x16xf32, #tpu.memory_space<hbm>> -> memref<313x16xf32, #tpu.memory_space<hbm>>
      %dma_start3A_15 = arith.constant 0 : i32
      %dma_start3A_16 = tpu.memref_slice %arg5[%mul3A_2, %dma_start3A_15] : memref<10016x16xf32, #tpu.memory_space<hbm>> -> memref<313x16xf32, #tpu.memory_space<hbm>>
      tpu.enqueue_dma source(%arg10 : memref<313x16xf32, #tpu.memory_space<vmem>>) target(%dma_start3A_16 : memref<313x16xf32, #tpu.memory_space<hbm>>) target_semaphore(%run_scoped3A_13 : memref<!tpu.dma_semaphore, #tpu.memory_space<semaphore_mem>>)
      %dma_wait3A = arith.constant 0 : i32
      %dma_wait3A_17 = tpu.memref_slice %arg5[%mul3A_2, %dma_wait3A] : memref<10016x16xf32, #tpu.memory_space<hbm>> -> memref<313x16xf32, #tpu.memory_space<hbm>>
      %dma_wait3A_18 = arith.constant 0 : i32
      %dma_wait3A_19 = tpu.memref_slice %arg5[%mul3A_2, %dma_wait3A_18] : memref<10016x16xf32, #tpu.memory_space<hbm>> -> memref<313x16xf32, #tpu.memory_space<hbm>>
      tpu.wait_dma2 semaphore(%run_scoped3A_13 : memref<!tpu.dma_semaphore, #tpu.memory_space<semaphore_mem>>) src(%arg10 : memref<313x16xf32, #tpu.memory_space<vmem>>) dst(%dma_wait3A_19 : memref<313x16xf32, #tpu.memory_space<hbm>>)
      tpu.yield
    }) : () -> ()
    return
  }
}

module attributes {stable_mosaic.version = 14 : i64} {
  func.func @_tc_proj_kernel(%arg0: i32, %arg1: memref<1000x128xf32, #tpu.memory_space<vmem>>, %arg2: memref<128x128xf32, #tpu.memory_space<vmem>>, %arg3: memref<1000x128xf32, #tpu.memory_space<vmem>>) attributes {dimension_semantics = [#tpu.dimension_semantics<arbitrary>], iteration_bounds = array<i64: 10>, scalar_prefetch = 0 : i64, scratch_operands = 0 : i64, tpu.core_type = #tpu.core_type<tc>, window_params = [{transform_indices = @transform_0, window_bounds = array<i64: 1000, 128>}, {pipeline_mode = #tpu.pipeline_mode<synchronous>, transform_indices = @transform_1, window_bounds = array<i64: 128, 128>}, {transform_indices = @transform_2, window_bounds = array<i64: 1000, 128>}]} {
    %get3A = arith.constant 0 : index
    %get3A_0 = arith.constant 0 : index
    %get3A_1 = vector.load %arg1[%get3A, %get3A_0] : memref<1000x128xf32, #tpu.memory_space<vmem>>, vector<1000x128xf32>
    %get3A_2 = arith.constant 0 : index
    %get3A_3 = arith.constant 0 : index
    %get3A_4 = vector.load %arg2[%get3A_2, %get3A_3] : memref<128x128xf32, #tpu.memory_space<vmem>>, vector<128x128xf32>
    %dot_general3A = arith.constant dense<0.000000e+00> : vector<1000x128xf32>
    %dot_general3A_5 = tpu.matmul %get3A_1, %get3A_4, %dot_general3A {dimension_numbers = #tpu.dot_dimension_numbers<[1], [0], [0], [1], [0, 0, 1, 1], [], []>, transpose_lhs_hint = false} : vector<1000x128xf32>, vector<128x128xf32>, vector<1000x128xf32> -> vector<1000x128xf32>
    %swap3A = arith.constant 0 : index
    %swap3A_6 = arith.constant 0 : index
    %swap3A_7 = vector.load %arg3[%swap3A, %swap3A_6] : memref<1000x128xf32, #tpu.memory_space<vmem>>, vector<1000x128xf32>
    tpu.vector_store %arg3[%swap3A, %swap3A_6], %dot_general3A_5 {strides = array<i32>} : memref<1000x128xf32, #tpu.memory_space<vmem>>, vector<1000x128xf32>,
    return
  }
  func.func @transform_0(%arg0: i32) -> (i32, i32) {
    %c0_i32 = arith.constant 0 : i32
    %c0_i32_0 = arith.constant 0 : i32
    return %arg0, %c0_i32 : i32, i32
  }
  func.func @transform_1(%arg0: i32) -> (i32, i32) {
    %c0_i32 = arith.constant 0 : i32
    %c0_i32_0 = arith.constant 0 : i32
    %c0_i32_1 = arith.constant 0 : i32
    return %c0_i32, %c0_i32_0 : i32, i32
  }
  func.func @transform_2(%arg0: i32) -> (i32, i32) {
    %c0_i32 = arith.constant 0 : i32
    %c0_i32_0 = arith.constant 0 : i32
    return %arg0, %c0_i32 : i32, i32
  }
}

</mosaic_0001>

<sc_bundles>
// kernel: kernel.12.cloned.1.call-start
scs
__scs_entry_jumppad:
0x0: {  	(pc) =	sbr.rel $0x88, $3  }
0x1: {  	(tag) =	ssettag $0x0;
	lr =	simm.s32 $0x1  }
0x2: {  	[smem:$0x3F99] =	sst lr;
	_ =	strace $0xD0000000  }
0x3: {  	_ = 	snop  }
0x4: {  	_ = 	snop  }
0x5: {  	_ = 	snop  }
0x6: {  	_ = 	snop  }
0x7: {  	_ = 	snop  }
__scs_overlays_trampoline_lowered:
0x8: {  	[smem:$0x3FA8] =	sst s0  }
0x9: {  	[smem:$0x3FA9] =	sst s1  }
0xa: {  	[smem:$0x3FAA] =	sst s2  }
0xb: {  	[smem:$0x3FAB] =	sst s3  }
0xc: {  	[smem:$0x3FAC] =	sst s4  }
0xd: {  	[smem:$0x3FAD] =	sst s5  }
0xe: {  	[smem:$0x3FAE] =	sst s6  }
0xf: {  	[smem:$0x3FAF] =	sst s7  }
0x10: {  	[smem:$0x3FB0] =	sst s8  }
0x11: {  	[smem:$0x3FB1] =	sst s9;
	s0 =	simm.s32 @!p0 $0x0  }
0x12: {  	s1 =	sld [smem:$0x3F97];
	s0 =	simm.s32 @p0 $0x1  }
0x13: {  	[smem:$0x3FB2] =	sst s0;
	s0 =	simm.s32 @!p1 $0x0  }
0x14: {  	s2 =	sld [smem:$0x3F96];
	s0 =	simm.s32 @p1 $0x1  }
0x15: {  	[smem:$0x3FB3] =	sst s0;
	s0 =	simm.s32 @!p2 $0x0  }
0x16: {  	s3 =	sld [smem:$0x3FDB];
	s0 =	simm.s32 @p2 $0x1  }
0x17: {  	s4 =	simm.s32 $0x1BF5;
	[smem:$0x3FB5] =	sst s0  }
0x18: {  	s0 =	sld [smem:$0x3F98];
	_ =	swait.ge [sflag:s4], $0x0  }
0x19: {  	s7 =	sld [smem:$0x3F99]  }
0x1a: {  	s8 =	sadd.s32 $0xFFFFE003, lr  }
0x1b: {  	s9 =	sadd.s32 $0xFFFFFEF7, lr;
	s5 =	simm.s32 $0xFFFFFFFF;
	p2 =	slt.u32 s8, $0xFFFFF086  }
0x1c: {  	p1 =	slt.u32 s9, $0xF7A;
	s5 =	simm.s32 @!p2 $0x0  }
0x1d: {  	s5 =	simm.s32 @p1 $0x1;
	p0 =	seq.s32 s7, s2  }
0x1e: {  	s7 =	smul.u32 @!p0 $0xF7A, s2;
	p2 =	seq.s32 @!p0 s5, $0x0  }
0x1f: {  	s9 =	smul.u32 $0xF7A, s1;
	s8 =	simm.s32 @!p0 $0x1BF5;
	p2 =	por !p2, p0  }
0x20: {  	[sflag:s8] =	ssyncset.s32 @!p0 $0xFFFFF086;
	s6 =	sadd.s32 @!p0 s3, s7;
	s7 =	simm.s32 @!p0 $0x108  }
0x21: {  	s3 =	sadd.s32 s3, s9;
	s6 =	sadd.s32 @!p0 $0x88, s6;
	s7 =	simm.s32 @p2 $0x1082  }
0x22: {  	[simem:s7], [sflag:s8] =	dma.local @!p0 [hbm:s6], $0xF7A  }
0x23: {  	s9 =	sor.u32 $0xD0000000, s2;
	s6 =	simm.s32 $0x108;
	_ =	swait.ge @!p0 [sflag:s8], $0x0  }
0x24: {  	s3 =	sadd.s32 $0x88, s3;
	s6 =	simm.s32 @!p1 $0x1082;
	[sflag:s4] =	ssyncset.s32 $0xFFFFF086  }
0x25: {  	[simem:s6], [sflag:s4] =	dma.local [hbm:s3], $0xF7A  }
0x26: {  	[smem:$0x3F99] =	sst s1;
	(tag) =	ssettag s2;
	_ =	strace s9  }
0x27: {  	s1 =	sld [smem:$0x3FA9]  }
0x28: {  	s2 =	sld [smem:$0x3FAA]  }
0x29: {  	s4 =	sld [smem:$0x3FAC]  }
0x2a: {  	p0 =	seq.s32 s5, $0x0;
	s5 =	sld [smem:$0x3FAD]  }
0x2b: {  	s6 =	sld [smem:$0x3FAE]  }
0x2c: {  	s7 =	sld [smem:$0x3FAF]  }
0x2d: {  	s3 =	simm.s32 $0x108;
	s8 =	sld [smem:$0x3FB0]  }
0x2e: {  	s3 =	simm.s32 @!p0 $0x1082;
	s9 =	sld [smem:$0x3FB1]  }
0x2f: {  	lr =	sadd.s32 s0, s3;
	s0 =	sld [smem:$0x3FA8]  }
0x30: {  	s3 =	sld [smem:$0x3FAB]  }
0x31: {  	[smem:$0x3FB4] =	sst s10  }
0x32: {  	s10 =	sld [smem:$0x3FB2];
	_ =	sdelay $0x3  }
0x33: {  	p0 =	seq.s32 s10, $0x1;
	s10 =	sld [smem:$0x3FB4];
	_ =	sdelay $0x3  }
0x34: {  	[smem:$0x3FB4] =	sst s10  }
0x35: {  	s10 =	sld [smem:$0x3FB3];
	_ =	sdelay $0x3  }
0x36: {  	p1 =	seq.s32 s10, $0x1;
	s10 =	sld [smem:$0x3FB4];
	_ =	sdelay $0x3  }
0x37: {  	[smem:$0x3FB4] =	sst s10  }
0x38: {  	s10 =	sld [smem:$0x3FB5]  }
0x39: {  	_ = 	snop;
	(pc) =	sbr.ind lr, $3  }
0x3a: {  	_ = 	snop  }
0x3b: {  	_ = 	snop  }
0x3c: {  	p2 =	seq.s32 s10, $0x1;
	s10 =	sld [smem:$0x3FB4]  }
0x3d: {  	_ =	shalt  }
0x3e: {  	_ =	shalt  }
0x3f: {  	_ =	shalt  }
0x40: {  	_ =	shalt  }
0x41: {  	_ =	shalt  }
0x42: {  	_ =	shalt  }
0x43: {  	_ =	shalt  }
0x44: {  	_ =	shalt  }
0x45: {  	_ =	shalt  }
0x46: {  	_ =	shalt  }
0x47: {  	_ =	shalt  }
0x48: {  	_ =	shalt  }
0x49: {  	_ =	shalt  }
0x4a: {  	_ =	shalt  }
0x4b: {  	_ =	shalt  }
0x4c: {  	_ =	shalt  }
0x4d: {  	_ =	shalt  }
0x4e: {  	_ =	shalt  }
0x4f: {  	_ =	shalt  }
0x50: {  	_ =	shalt  }
0x51: {  	_ =	shalt  }
0x52: {  	_ =	shalt  }
0x53: {  	_ =	shalt  }
0x54: {  	_ =	shalt  }
0x55: {  	_ =	shalt  }
0x56: {  	_ =	shalt  }
0x57: {  	_ =	shalt  }
0x58: {  	_ =	shalt  }
0x59: {  	_ =	shalt  }
0x5a: {  	_ =	shalt  }
0x5b: {  	_ =	shalt  }
0x5c: {  	_ =	shalt  }
0x5d: {  	_ =	shalt  }
0x5e: {  	_ =	shalt  }
0x5f: {  	_ =	shalt  }
0x60: {  	_ =	shalt  }
0x61: {  	_ =	shalt  }
0x62: {  	_ =	shalt  }
0x63: {  	_ =	shalt  }
0x64: {  	_ =	shalt  }
0x65: {  	_ =	shalt  }
0x66: {  	_ =	shalt  }
0x67: {  	_ =	shalt  }
0x68: {  	_ =	shalt  }
0x69: {  	_ =	shalt  }
0x6a: {  	_ =	shalt  }
0x6b: {  	_ =	shalt  }
0x6c: {  	_ =	shalt  }
0x6d: {  	_ =	shalt  }
0x6e: {  	_ =	shalt  }
0x6f: {  	_ =	shalt  }
0x70: {  	_ =	shalt  }
0x71: {  	_ =	shalt  }
0x72: {  	_ =	shalt  }
0x73: {  	_ =	shalt  }
0x74: {  	_ =	shalt  }
0x75: {  	_ =	shalt  }
0x76: {  	_ =	shalt  }
0x77: {  	_ =	shalt  }
0x78: {  	_ =	shalt  }
0x79: {  	_ =	shalt  }
0x7a: {  	_ =	shalt  }
0x7b: {  	_ =	shalt  }
0x7c: {  	_ =	shalt  }
0x7d: {  	_ =	shalt  }
0x7e: {  	_ =	shalt  }
0x7f: {  	_ =	shalt  }
0x80: {  	_ =	shalt  }
0x81: {  	_ =	shalt  }
0x82: {  	_ =	shalt  }
0x83: {  	_ =	shalt  }
0x84: {  	_ =	shalt  }
0x85: {  	_ =	shalt  }
0x86: {  	_ =	shalt  }
0x87: {  	_ =	shalt  }
.Lfunc_end0:
.L_simem_size_0:
called_computation.2_lowered:
.L_overlay_start_0:
0x88: {  	s2 =	sld [smem:$0x3FD9]  }
0x89: {  	s3 =	sld [smem:$0x3FFE];
	_ =	sdelay $0x1  }
0x8a: {  	s1 =	srdreg.scid  }
0x8b: {  	s0 =	sand.u32 $0x1, s1  }
0x8c: {  	s17 =	sshll.u32 s0, $0xA;
	s2 =	sadd.s32 s3, s2  }
0x8d: {  	s2 =	sadd.s32 s2, s17  }
0x8e: {  	[smem:$0x3FC0] =	sst s2  }
0x8f: {  	_ = 	snop  }
0x90: {  	s2 =	sld [smem:$0x3FD0];
	(tm) =	ssettm $0x1  }
0x91: {  	s18 =	sld [smem:$0x3FFB];
	_ =	sdelay $0x3  }
0x92: {  	_ =	strace s18  }
0x93: {  	s3 =	sld [smem:$0x3FFC];
	_ =	sdelay $0x3  }
0x94: {  	_ =	strace s3  }
0x95: {  	s3 =	sld [smem:$0x3FFD];
	_ =	sdelay $0x3  }
0x96: {  	_ =	strace s3  }
0x97: {  	_ =	strace $0x8FFFFFFF  }
0x98: {  	s19 =	sld [smem:$0x3FDB];
	_ =	sdelay $0x1  }
0x99: {  	s4 =	simm.s32 $_scs_section_size  }
0x9a: {  	s5 =	simm.s32 $_size__tile_overlayer_lowered;
	s6 =	simm.s32 $_tile_overlayer_lowered  }
0x9b: {  	s22 =	simm.s32 $0x1BFF;
	s21 =	sshll.u32 s6, $0x1;
	s3 =	sadd.s32 s4, s19  }
0x9c: {  	s7 =	simm.s32 $0x0;
	s20 =	sshll.u32 s5, $0x1;
	s5 =	sadd.s32 s21, s3  }
0x9d: {  	[timem:s7], [sflag:s22] =	dma.local [hbm:s5], s20  }
0x9e: {  	_ =	swait.ge [sflag:s22], s20  }
0x9f: {  	s4 =	ssub.s32 $0x0, s20;
	[sflag:s22] =	ssyncset.done $0x0  }
0xa0: {  	[sflag:s22] =	ssyncadd.s32 s4;
	_ =	sdelay $0x1  }
0xa1: {  	s23 =	simm.s32 $0x1B8B  }
0xa2: {  	_ =	swait.ge [sflag:s23], $0x1  }
0xa3: {  	[sflag:s23] =	ssyncset.done $0x0  }
0xa4: {  	s25 =	simm.s32 $0x1B8E;
	s24 =	sld [smem:$0x3FFE];
	[sflag:s23] =	ssyncadd.s32 $0xFFFFFFFF  }
0xa5: {  	s26 =	simm.s32 $execute0_lowered;
	[smem:$0x3FD2] =	sst s25  }
0xa6: {  	s5 =	sshll.u32 s26, $0x1;
	_ =	strace $0x8000004C;
	[dreg:$0x1] =	wrdreg $0xFFFFFFFF  }
0xa7: {  	s28 =	simm.s32 $_size_execute0_lowered;
	s3 =	sadd.s32 s3, s5;
	[dreg:$0x0] =	wrdreg $0x0  }
0xa8: {  	s5 =	sshll.u32 s28, $0x1;
	[dreg:$0x2] =	wrdreg s3  }
0xa9: {  	[dreg:$0x3] =	wrdreg s5  }
0xaa: {  	[dreg:$0x4] =	wrdreg $0xC0  }
0xab: {  	_ =	task [dreg:s7], $0x5FFFF  }
0xac: {  	[dreg:$0x1] =	wrdreg $0xFFFFFFFF  }
0xad: {  	[dreg:$0x0] =	wrdreg $0x60  }
0xae: {  	[dreg:$0x2] =	wrdreg s24  }
0xaf: {  	[dreg:$0x3] =	wrdreg s2  }
0xb0: {  	[dreg:$0x4] =	wrdreg $0x9  }
0xb1: {  	_ =	task.clear_ibuf [dreg:s7], $0x5FFFF;
	_ =	strace $0x9000004C  }
0xb2: {  	s29 =	simm.s32 $0x9;
	_ =	strace $0x8000004E  }
0xb3: {  	_ =	swait.ge [sflag:s29], $0x1  }
0xb4: {  	[sflag:s29] =	ssyncadd.s32 $0xFFFFFFFF  }
0xb5: {  	_ =	strace $0x9000004E  }
0xb6: {  	_ =	sfence  }
0xb7: {  	s30 =	sld [smem:$0x0];
	_ =	sdelay $0x2  }
0xb8: {  	s31 =	sshll.u32 s1, $0xD;
	s1 =	sshrl.u32 s1, $0x2  }
0xb9: {  	s3 =	sand.u32 $0x4000, s31;
	s1 =	sadd.s32 s1, s30  }
0xba: {  	s0 =	sor.u32 s3, s0;
	s1 =	sshll.u32 s1, $0x11  }
0xbb: {  	s0 =	sor.u32 s1, s0  }
0xbc: {  	s0 =	sadd.s32 $0x8F2B, s0  }
0xbd: {  	[sflag:s0] =	ssyncadd.remote.s32 $0x1  }
0xbe: {  	_ =	sfence.sel $0xFFFF  }
0xbf: {  	[dreg:$0x0] =	wrdreg $0xFFFFFFFF;
	(pc) =	sbr.abs _section_cstart, $3  }
0xc0: {  	[dreg:$0x1] =	wrdreg $0xFFFFFFFF  }
0xc1: {  	_ =	task.clear_ibuf [dreg:s7], $0x2FFFF;
	_ =	strace $0x9FFFFFFF  }
0xc2: {  	(tm) =	ssettm $0x7FFFFFFF  }
0xc3: {  	_ =	shalt  }
tec
execute0_lowered:
.L_overlay_start_1:
0x0: {  	(tag) =	ssettag $0x1  }
0x1: {  	s5 =	rddreg [dreg:$0x0]  }
0x2: {  	s0 =	srdreg.scid;
	s2 =	rddreg [dreg:$0x1]  }
0x3: {  	s3 =	simm.s32 $0x0;
	s9 =	simm.s32 $0x1;
	s4 =	sand.u32 $0x1, s0  }
0x4: {  	s10 =	simm.s32 $0x1390;
	s0 =	stileid.u32;
	s1 =	sshll.u32 s4, $0x4  }
0x5: {  	s11 =	simm.s32 $0x2720;
	s12 =	simm.s32 $0x4E40;
	s6 =	sor.u32 s0, s1  }
0x6: {  	s13 =	simm.s32 $0x4E50;
	s14 =	simm.s32 $0x0;
	s7 =	smul.u32 $0x1390, s6  }
0x7: {  	[smem:$0x7FF] =	sst s3;
	s4 =	ssub.s32 $0x2, s4;
	s6 =	smul.u32 $0x4E4, s6  }
0x8: {  	s1 =	rddreg [dreg:$0x2];
	_ =	strace $0x8000004D;
	s31 =	sshrl.u32 s4, $0x1  }
0x9: {  	s8 =	ssub.s32 s4, s31;
	s7 =	sshrl.u32 s7, $0x3;
	s6 =	sadd.s32 s6, s5  }
0xa: {  	s8 =	smax.u32 s8, $0x1;
	s7 =	sadd.s32 s7, s5;
	s6 =	sadd.s32 $0x5FC00, s6  }
0xb: {  	vm0 =	vmmov $0x7f;
	s4 =	sadd.s32 $0x55C00, s7;
	s5 =	sadd.s32 $0x5AC00, s7;
	s7 =	sadd.s32 $0x1E00, s7  }
.LBB2_1:
0xc: {  	[tilespmem:s3], [sflag:$0x1] =	stream.linear.gather [hbm4b:s4+s3], $0x1390, $0x38;
	[tilespmem:$0x61E0] =	vst v63  }
0xd: {  	_ =	swait.ge [sflag:s9], $0x1390  }
0xe: {  	[sflag:s9] =	ssyncset.done $0x0  }
0xf: {  	[sflag:s9] =	ssyncadd.s32 $0xFFFFEC70  }
0x10: {  	[tilespmem:s10], [sflag:$0x1] =	stream.linear.gather [hbm4b:s5+s3], $0x1390, $0x38;
	[tilespmem:$0x61E0] =	vst v63  }
0x11: {  	_ =	swait.ge [sflag:s9], $0x1390  }
0x12: {  	[sflag:s9] =	ssyncset.done $0x0  }
0x13: {  	[sflag:s9] =	ssyncadd.s32 $0xFFFFEC70  }
0x14: {  	[tilespmem:s11], [sflag:$0x1] =	stream.linear.gather [hbm4b:s6+s3], $0x2720, $0x38;
	[tilespmem:$0x61E0] =	vst v63  }
0x15: {  	_ =	swait.ge [sflag:s9], $0x2720  }
0x16: {  	[sflag:s9] =	ssyncset.done $0x0  }
0x17: {  	[sflag:s9] =	ssyncadd.s32 $0xFFFFD8E0  }
0x18: {  	[tilespmem:s12], [sflag:$0x1] =	stream.linear.gather [hbm4b:s2+s3], $0x10, $0x38;
	[tilespmem:$0x61E0] =	vst v63  }
0x19: {  	_ =	swait.ge [sflag:s9], $0x10  }
0x1a: {  	[sflag:s9] =	ssyncset.done $0x0  }
0x1b: {  	s15 =	simm.s32 $0x0;
	[sflag:s9] =	ssyncadd.s32 $0xFFFFFFF0  }
0x1c: {  	v1 =	vld [tilespmem:s15+$0x0]  }
0x1d: {  	v2 =	vld [tilespmem:s15+$0x1390]  }
0x1e: {  	s16 =	simm.s32 $0x2730  }
0x1f: {  	v3 =	vld [tilespmem:s16+$0x0];
	_ =	sdelay $0x1  }
0x20: {  	v0 =	vld [tilespmem:$0x4E40]  }
0x21: {  	v1 =	vadd.f32 v2, v1  }
0x22: {  	v2 =	vld [tilespmem:s16+$0xFFFFFFF0]  }
0x23: {  	v1 =	vmul.f32 v1, v3;
	_ =	sdelay $0x1  }
0x24: {  	v1 =	vadd.f32 v1, v0;
	_ =	sdelay $0x1  }
0x25: {  	v1 =	vadd.f32 v1, v2;
	_ =	sdelay $0x1  }
0x26: {  	v2 =	vnsel vm0, $0xFF61B1E6, v1  }
0x27: {  	(xrf0) =	vmax.scan.msk.f32 $0xffff, v2;
	_ =	sdelay $0x5  }
0x28: {  	v2, _, _ =	vpop (xrf0)  }
0x29: {  	v2 =	vbroadcast v2, $0xF;
	_ =	sdelay $0x1  }
0x2a: {  	v2 =	vsub.f32 v1, v2;
	_ =	sdelay $0x1  }
0x2b: {  	v1 =	vmul.f32 $1.442695020e+00, v2;
	_ =	sdelay $0x1  }
0x2c: {  	(erf) = vpow2.f32 v1;
	_ =	sdelay $0x8  }
0x2d: {  	v1 =	vpop (erf)  }
0x2e: {  	v1 =	vnsel vm0, $0x0, v1  }
0x2f: {  	(xrf2) =	vadd.scan.msk.f32 $0xffff, v1;
	_ =	sdelay $0x9  }
0x30: {  	v1, _, _ =	vpop (xrf2)  }
0x31: {  	v1 =	vbroadcast v1, $0xF;
	_ =	sdelay $0x1  }
0x32: {  	v3 =	vand.u32 $0x7FFFFF, v1  }
0x33: {  	v3 =	vor.u32 $0x3F800000, v3  }
0x34: {  	v4 =	vadd.f32 $1.000000000e+00, v3;
	_ =	sdelay $0x1  }
0x35: {  	(erf) = vrcp.f32 v4;
	_ =	sdelay $0x7  }
0x36: {  	v3 =	vadd.f32 $-1.000000000e+00, v3  }
0x37: {  	v4 =	vpop (erf)  }
0x38: {  	v3 =	vmul.f32 v4, v3;
	_ =	sdelay $0x1  }
0x39: {  	v4 =	vmul.f32 v3, v3;
	_ =	sdelay $0x1  }
0x3a: {  	v5 =	vmul.f32 $1.111111120e-01, v4;
	_ =	sdelay $0x1  }
0x3b: {  	v5 =	vadd.f32 $1.428571490e-01, v5;
	_ =	sdelay $0x1  }
0x3c: {  	v5 =	vmul.f32 v5, v4;
	_ =	sdelay $0x1  }
0x3d: {  	v5 =	vadd.f32 $2.000000030e-01, v5;
	_ =	sdelay $0x1  }
0x3e: {  	v5 =	vmul.f32 v5, v4;
	_ =	sdelay $0x1  }
0x3f: {  	v5 =	vadd.f32 $3.333333430e-01, v5  }
0x40: {  	v1 =	vshrl.u32 v1, $0x17  }
0x41: {  	v1 =	vand.u32 $0xFF, v1;
	v4 =	vmul.f32 v5, v4  }
0x42: {  	v1 =	vadd.s32 $0xFFFFFF81, v1  }
0x43: {  	v1 =	vcvt.s32.f32 v1;
	v3 =	vadd.f32 v3, v3;
	v4 =	vadd.f32 $1.000000000e+00, v4;
	_ =	sdelay $0x1  }
0x44: {  	v1 =	vmul.f32 $6.931471820e-01, v1;
	v3 =	vmul.f32 v4, v3;
	_ =	sdelay $0x1  }
0x45: {  	v3 =	vadd.f32 v3, v1  }
0x46: {  	s18 =	simm.s32 $0x10  }
0x47: {  	s17 =	simm.s32 $0x80;
	v1 =	vld [tilespmem:s18+$0x0];
	v2 =	vsub.f32 v2, v3  }
.LBB2_2:
0x48: {  	p0 =	sne.s32 s17, $0x4E00;
	v3 =	vld [tilespmem:s18+$0x1390]  }
0x49: {  	s16 =	sadd.s32 $0x20, s16;
	[tilespmem:s15+$0x4E50] =	vst v2;
	s15 =	smov.u32 s18  }
0x4a: {  	v2 =	vld [tilespmem:s16+$0x0];
	_ =	sdelay $0x2  }
0x4b: {  	v1 =	vadd.f32 v3, v1  }
0x4c: {  	v3 =	vld [tilespmem:s16+$0xFFFFFFF0]  }
0x4d: {  	v1 =	vmul.f32 v1, v2;
	_ =	sdelay $0x1  }
0x4e: {  	v1 =	vadd.f32 v1, v0;
	_ =	sdelay $0x1  }
0x4f: {  	v1 =	vadd.f32 v1, v3;
	_ =	sdelay $0x1  }
0x50: {  	v2 =	vnsel vm0, $0xFF61B1E6, v1  }
0x51: {  	(xrf0) =	vmax.scan.msk.f32 $0xffff, v2;
	_ =	sdelay $0x5  }
0x52: {  	v2, _, _ =	vpop (xrf0)  }
0x53: {  	v2 =	vbroadcast v2, $0xF;
	_ =	sdelay $0x1  }
0x54: {  	v2 =	vsub.f32 v1, v2;
	_ =	sdelay $0x1  }
0x55: {  	v1 =	vmul.f32 $1.442695020e+00, v2;
	_ =	sdelay $0x1  }
0x56: {  	(erf) = vpow2.f32 v1;
	_ =	sdelay $0x8  }
0x57: {  	v1 =	vpop (erf)  }
0x58: {  	v1 =	vnsel vm0, $0x0, v1  }
0x59: {  	(xrf2) =	vadd.scan.msk.f32 $0xffff, v1;
	_ =	sdelay $0x9  }
0x5a: {  	v1, _, _ =	vpop (xrf2)  }
0x5b: {  	v1 =	vbroadcast v1, $0xF;
	_ =	sdelay $0x1  }
0x5c: {  	v3 =	vand.u32 $0x7FFFFF, v1  }
0x5d: {  	v3 =	vor.u32 $0x3F800000, v3  }
0x5e: {  	v4 =	vadd.f32 $1.000000000e+00, v3;
	_ =	sdelay $0x1  }
0x5f: {  	(erf) = vrcp.f32 v4;
	_ =	sdelay $0x7  }
0x60: {  	v3 =	vadd.f32 $-1.000000000e+00, v3  }
0x61: {  	v4 =	vpop (erf)  }
0x62: {  	v3 =	vmul.f32 v4, v3;
	_ =	sdelay $0x1  }
0x63: {  	v4 =	vmul.f32 v3, v3;
	_ =	sdelay $0x1  }
0x64: {  	v5 =	vmul.f32 $1.111111120e-01, v4;
	_ =	sdelay $0x1  }
0x65: {  	v5 =	vadd.f32 $1.428571490e-01, v5;
	_ =	sdelay $0x1  }
0x66: {  	v5 =	vmul.f32 v5, v4;
	_ =	sdelay $0x1  }
0x67: {  	v5 =	vadd.f32 $2.000000030e-01, v5;
	_ =	sdelay $0x1  }
0x68: {  	v5 =	vmul.f32 v5, v4;
	_ =	sdelay $0x1  }
0x69: {  	v5 =	vadd.f32 $3.333333430e-01, v5  }
0x6a: {  	v1 =	vshrl.u32 v1, $0x17  }
0x6b: {  	v1 =	vand.u32 $0xFF, v1;
	v4 =	vmul.f32 v5, v4  }
0x6c: {  	v1 =	vadd.s32 $0xFFFFFF81, v1  }
0x6d: {  	v1 =	vcvt.s32.f32 v1;
	v3 =	vadd.f32 v3, v3;
	v4 =	vadd.f32 $1.000000000e+00, v4;
	_ =	sdelay $0x1  }
.Ltmp0:
0x6e: {  	v1 =	vmul.f32 $6.931471820e-01, v1;
	v3 =	vmul.f32 v4, v3;
	(pc) =	sbr.rel @p0 .LBB2_2-.Ltmp0, $4  }
0x6f: {  	_ = 	snop  }
0x70: {  	v3 =	vadd.f32 v3, v1  }
0x71: {  	s18 =	sshra.s32 s17, $0x2  }
0x72: {  	s17 =	sadd.s32 $0x40, s17;
	v1 =	vld [tilespmem:s18+$0x0];
	v2 =	vsub.f32 v2, v3  }
0x73: {  	v3 =	vld [tilespmem:s18+$0x1390]  }
0x74: {  	s31 =	sadd.s32 $0x20, s16;
	[tilespmem:s15+$0x4E50] =	vst v2  }
0x75: {  	v2 =	vld [tilespmem:s31+$0x0];
	_ =	sdelay $0x2  }
0x76: {  	v1 =	vadd.f32 v3, v1  }
0x77: {  	v60 =	vld [tilespmem:s31+$0xFFFFFFF0]  }
0x78: {  	v1 =	vmul.f32 v1, v2;
	_ =	sdelay $0x1  }
0x79: {  	v0 =	vadd.f32 v1, v0;
	_ =	sdelay $0x1  }
0x7a: {  	v0 =	vadd.f32 v0, v60;
	_ =	sdelay $0x1  }
0x7b: {  	v61 =	vnsel vm0, $0xFF61B1E6, v0  }
0x7c: {  	(xrf0) =	vmax.scan.msk.f32 $0xffff, v61;
	_ =	sdelay $0x5  }
0x7d: {  	v1, _, _ =	vpop (xrf0)  }
0x7e: {  	v1 =	vbroadcast v1, $0xF;
	_ =	sdelay $0x1  }
0x7f: {  	v0 =	vsub.f32 v0, v1;
	_ =	sdelay $0x1  }
0x80: {  	v1 =	vmul.f32 $1.442695020e+00, v0;
	_ =	sdelay $0x1  }
0x81: {  	(erf) = vpow2.f32 v1;
	_ =	sdelay $0x8  }
0x82: {  	v1 =	vpop (erf)  }
0x83: {  	v1 =	vnsel vm0, $0x0, v1  }
0x84: {  	(xrf2) =	vadd.scan.msk.f32 $0xffff, v1;
	_ =	sdelay $0x9  }
0x85: {  	v1, _, _ =	vpop (xrf2)  }
0x86: {  	v1 =	vbroadcast v1, $0xF;
	_ =	sdelay $0x1  }
0x87: {  	v62 =	vand.u32 $0x7FFFFF, v1  }
0x88: {  	v2 =	vor.u32 $0x3F800000, v62  }
0x89: {  	v63 =	vadd.f32 $1.000000000e+00, v2;
	_ =	sdelay $0x1  }
0x8a: {  	(erf) = vrcp.f32 v63;
	_ =	sdelay $0x7  }
0x8b: {  	v2 =	vadd.f32 $-1.000000000e+00, v2  }
0x8c: {  	v3 =	vpop (erf)  }
0x8d: {  	v2 =	vmul.f32 v3, v2;
	_ =	sdelay $0x1  }
0x8e: {  	v3 =	vmul.f32 v2, v2;
	_ =	sdelay $0x1  }
0x8f: {  	v4 =	vmul.f32 $1.111111120e-01, v3;
	_ =	sdelay $0x1  }
0x90: {  	v4 =	vadd.f32 $1.428571490e-01, v4;
	_ =	sdelay $0x1  }
0x91: {  	v4 =	vmul.f32 v4, v3;
	_ =	sdelay $0x1  }
0x92: {  	v4 =	vadd.f32 $2.000000030e-01, v4;
	_ =	sdelay $0x1  }
0x93: {  	v4 =	vmul.f32 v4, v3;
	_ =	sdelay $0x1  }
0x94: {  	v4 =	vadd.f32 $3.333333430e-01, v4  }
0x95: {  	v1 =	vshrl.u32 v1, $0x17  }
0x96: {  	v1 =	vand.u32 $0xFF, v1;
	v3 =	vmul.f32 v4, v3  }
0x97: {  	v1 =	vadd.s32 $0xFFFFFF81, v1  }
0x98: {  	v1 =	vcvt.s32.f32 v1;
	v2 =	vadd.f32 v2, v2;
	v3 =	vadd.f32 $1.000000000e+00, v3;
	_ =	sdelay $0x1  }
0x99: {  	v1 =	vmul.f32 $6.931471820e-01, v1;
	v2 =	vmul.f32 v3, v2;
	_ =	sdelay $0x1  }
0x9a: {  	v1 =	vadd.f32 v2, v1;
	_ =	sdelay $0x1  }
0x9b: {  	s14 =	sadd.s32 $0x1, s14;
	v0 =	vsub.f32 v0, v1  }
0x9c: {  	p0 =	sne.s32 s14, s8  }
.Ltmp1:
0x9d: {  	[tilespmem:s18+$0x4E50] =	vst v0;
	(pc) =	sbr.rel @p0 .LBB2_1-.Ltmp1, $4  }
0x9e: {  	[hbm4b:s7+s3] =	stream.linear.scatter [tilespmem:s13], [sflag:$0x1], $0x1390, $0x38;
	[tilespmem:$0x61E0] =	vst v63  }
0x9f: {  	_ =	swait.ge [sflag:s9], $0x1390  }
0xa0: {  	[sflag:s9] =	ssyncset.done $0x0  }
0xa1: {  	[sflag:s9] =	ssyncadd.s32 $0xFFFFEC70  }
0xa2: {  	_ =	sfence.sel $0x180000  }
0xa3: {  	[bflag:$0x0] =	sbarrier.arrive $0xFFFF  }
0xa4: {  	p0 =	sne.s32 s0, $0x0;
	_ =	strace $0x9000004D  }
0xa5: {  	s0 =	sadd.s32 @!p0 $0x100000, s1;
	[bflag:$0x2] =	sbarrier.arrive $0xFFFF  }
0xa6: {  	[sflag:s0] =	ssyncadd.tile.s32 @!p0 $0x1;
	_ =	shalt  }
.Lfunc_end2:
_tile_overlayer_lowered:
.L_overlay_start_2:
0xa7: {  	(tag) =	ssettag $0x2  }
0xa8: {  	s0 =	rddreg [dreg:$0x0];
	s2 =	stileid.u32  }
0xa9: {  	s1 =	rddreg [dreg:$0x1];
	p0 =	sne.s32 s2, $0x0  }
0xaa: {  	s3 =	rddreg [dreg:$0x2];
	[bflag:$0x3] =	sbarrier.arrive $0xFFFF;
	s2 =	simm.s32 @!p0 $0x1C01  }
0xab: {  	[timem:s3], [sflag:s2] =	dma.local @!p0 [hbm:s0], s1  }
0xac: {  	s0 =	simm.s32 @!p0 $0x1  }
0xad: {  	_ =	swait.ge @!p0 [sflag:s0], s1  }
0xae: {  	s1 =	ssub.s32 @!p0 $0x0, s1;
	[sflag:s0] =	ssyncset.done @!p0 $0x0  }
0xaf: {  	[sflag:s0] =	ssyncadd.s32 @!p0 s1  }
0xb0: {  	[bflag:$0x3] =	sbarrier.arrive $0xFFFF  }
0xb1: {  	_ =	shalt  }

// kernel: kernel.6.cloned.1.call-start
scs
__scs_entry_jumppad:
0x0: {  	(pc) =	sbr.rel $0x88, $3  }
0x1: {  	(tag) =	ssettag $0x0;
	lr =	simm.s32 $0x1  }
0x2: {  	[smem:$0x3F99] =	sst lr;
	_ =	strace $0xD0000000  }
0x3: {  	_ = 	snop  }
0x4: {  	_ = 	snop  }
0x5: {  	_ = 	snop  }
0x6: {  	_ = 	snop  }
0x7: {  	_ = 	snop  }
__scs_overlays_trampoline_lowered:
0x8: {  	[smem:$0x3FA8] =	sst s0  }
0x9: {  	[smem:$0x3FA9] =	sst s1  }
0xa: {  	[smem:$0x3FAA] =	sst s2  }
0xb: {  	[smem:$0x3FAB] =	sst s3  }
0xc: {  	[smem:$0x3FAC] =	sst s4  }
0xd: {  	[smem:$0x3FAD] =	sst s5  }
0xe: {  	[smem:$0x3FAE] =	sst s6  }
0xf: {  	[smem:$0x3FAF] =	sst s7  }
0x10: {  	[smem:$0x3FB0] =	sst s8  }
0x11: {  	[smem:$0x3FB1] =	sst s9;
	s0 =	simm.s32 @!p0 $0x0  }
0x12: {  	s1 =	sld [smem:$0x3F97];
	s0 =	simm.s32 @p0 $0x1  }
0x13: {  	[smem:$0x3FB2] =	sst s0;
	s0 =	simm.s32 @!p1 $0x0  }
0x14: {  	s2 =	sld [smem:$0x3F96];
	s0 =	simm.s32 @p1 $0x1  }
0x15: {  	[smem:$0x3FB3] =	sst s0;
	s0 =	simm.s32 @!p2 $0x0  }
0x16: {  	s3 =	sld [smem:$0x3FDB];
	s0 =	simm.s32 @p2 $0x1  }
0x17: {  	s4 =	simm.s32 $0x1BF5;
	[smem:$0x3FB5] =	sst s0  }
0x18: {  	s0 =	sld [smem:$0x3F98];
	_ =	swait.ge [sflag:s4], $0x0  }
0x19: {  	s7 =	sld [smem:$0x3F99]  }
0x1a: {  	s8 =	sadd.s32 $0xFFFFE003, lr  }
0x1b: {  	s9 =	sadd.s32 $0xFFFFFEF7, lr;
	s5 =	simm.s32 $0xFFFFFFFF;
	p2 =	slt.u32 s8, $0xFFFFF086  }
0x1c: {  	p1 =	slt.u32 s9, $0xF7A;
	s5 =	simm.s32 @!p2 $0x0  }
0x1d: {  	s5 =	simm.s32 @p1 $0x1;
	p0 =	seq.s32 s7, s2  }
0x1e: {  	s7 =	smul.u32 @!p0 $0xF7A, s2;
	p2 =	seq.s32 @!p0 s5, $0x0  }
0x1f: {  	s9 =	smul.u32 $0xF7A, s1;
	s8 =	simm.s32 @!p0 $0x1BF5;
	p2 =	por !p2, p0  }
0x20: {  	[sflag:s8] =	ssyncset.s32 @!p0 $0xFFFFF086;
	s6 =	sadd.s32 @!p0 s3, s7;
	s7 =	simm.s32 @!p0 $0x108  }
0x21: {  	s3 =	sadd.s32 s3, s9;
	s6 =	sadd.s32 @!p0 $0x88, s6;
	s7 =	simm.s32 @p2 $0x1082  }
0x22: {  	[simem:s7], [sflag:s8] =	dma.local @!p0 [hbm:s6], $0xF7A  }
0x23: {  	s9 =	sor.u32 $0xD0000000, s2;
	s6 =	simm.s32 $0x108;
	_ =	swait.ge @!p0 [sflag:s8], $0x0  }
0x24: {  	s3 =	sadd.s32 $0x88, s3;
	s6 =	simm.s32 @!p1 $0x1082;
	[sflag:s4] =	ssyncset.s32 $0xFFFFF086  }
0x25: {  	[simem:s6], [sflag:s4] =	dma.local [hbm:s3], $0xF7A  }
0x26: {  	[smem:$0x3F99] =	sst s1;
	(tag) =	ssettag s2;
	_ =	strace s9  }
0x27: {  	s1 =	sld [smem:$0x3FA9]  }
0x28: {  	s2 =	sld [smem:$0x3FAA]  }
0x29: {  	s4 =	sld [smem:$0x3FAC]  }
0x2a: {  	p0 =	seq.s32 s5, $0x0;
	s5 =	sld [smem:$0x3FAD]  }
0x2b: {  	s6 =	sld [smem:$0x3FAE]  }
0x2c: {  	s7 =	sld [smem:$0x3FAF]  }
0x2d: {  	s3 =	simm.s32 $0x108;
	s8 =	sld [smem:$0x3FB0]  }
0x2e: {  	s3 =	simm.s32 @!p0 $0x1082;
	s9 =	sld [smem:$0x3FB1]  }
0x2f: {  	lr =	sadd.s32 s0, s3;
	s0 =	sld [smem:$0x3FA8]  }
0x30: {  	s3 =	sld [smem:$0x3FAB]  }
0x31: {  	[smem:$0x3FB4] =	sst s10  }
0x32: {  	s10 =	sld [smem:$0x3FB2];
	_ =	sdelay $0x3  }
0x33: {  	p0 =	seq.s32 s10, $0x1;
	s10 =	sld [smem:$0x3FB4];
	_ =	sdelay $0x3  }
0x34: {  	[smem:$0x3FB4] =	sst s10  }
0x35: {  	s10 =	sld [smem:$0x3FB3];
	_ =	sdelay $0x3  }
0x36: {  	p1 =	seq.s32 s10, $0x1;
	s10 =	sld [smem:$0x3FB4];
	_ =	sdelay $0x3  }
0x37: {  	[smem:$0x3FB4] =	sst s10  }
0x38: {  	s10 =	sld [smem:$0x3FB5]  }
0x39: {  	_ = 	snop;
	(pc) =	sbr.ind lr, $3  }
0x3a: {  	_ = 	snop  }
0x3b: {  	_ = 	snop  }
0x3c: {  	p2 =	seq.s32 s10, $0x1;
	s10 =	sld [smem:$0x3FB4]  }
0x3d: {  	_ =	shalt  }
0x3e: {  	_ =	shalt  }
0x3f: {  	_ =	shalt  }
0x40: {  	_ =	shalt  }
0x41: {  	_ =	shalt  }
0x42: {  	_ =	shalt  }
0x43: {  	_ =	shalt  }
0x44: {  	_ =	shalt  }
0x45: {  	_ =	shalt  }
0x46: {  	_ =	shalt  }
0x47: {  	_ =	shalt  }
0x48: {  	_ =	shalt  }
0x49: {  	_ =	shalt  }
0x4a: {  	_ =	shalt  }
0x4b: {  	_ =	shalt  }
0x4c: {  	_ =	shalt  }
0x4d: {  	_ =	shalt  }
0x4e: {  	_ =	shalt  }
0x4f: {  	_ =	shalt  }
0x50: {  	_ =	shalt  }
0x51: {  	_ =	shalt  }
0x52: {  	_ =	shalt  }
0x53: {  	_ =	shalt  }
0x54: {  	_ =	shalt  }
0x55: {  	_ =	shalt  }
0x56: {  	_ =	shalt  }
0x57: {  	_ =	shalt  }
0x58: {  	_ =	shalt  }
0x59: {  	_ =	shalt  }
0x5a: {  	_ =	shalt  }
0x5b: {  	_ =	shalt  }
0x5c: {  	_ =	shalt  }
0x5d: {  	_ =	shalt  }
0x5e: {  	_ =	shalt  }
0x5f: {  	_ =	shalt  }
0x60: {  	_ =	shalt  }
0x61: {  	_ =	shalt  }
0x62: {  	_ =	shalt  }
0x63: {  	_ =	shalt  }
0x64: {  	_ =	shalt  }
0x65: {  	_ =	shalt  }
0x66: {  	_ =	shalt  }
0x67: {  	_ =	shalt  }
0x68: {  	_ =	shalt  }
0x69: {  	_ =	shalt  }
0x6a: {  	_ =	shalt  }
0x6b: {  	_ =	shalt  }
0x6c: {  	_ =	shalt  }
0x6d: {  	_ =	shalt  }
0x6e: {  	_ =	shalt  }
0x6f: {  	_ =	shalt  }
0x70: {  	_ =	shalt  }
0x71: {  	_ =	shalt  }
0x72: {  	_ =	shalt  }
0x73: {  	_ =	shalt  }
0x74: {  	_ =	shalt  }
0x75: {  	_ =	shalt  }
0x76: {  	_ =	shalt  }
0x77: {  	_ =	shalt  }
0x78: {  	_ =	shalt  }
0x79: {  	_ =	shalt  }
0x7a: {  	_ =	shalt  }
0x7b: {  	_ =	shalt  }
0x7c: {  	_ =	shalt  }
0x7d: {  	_ =	shalt  }
0x7e: {  	_ =	shalt  }
0x7f: {  	_ =	shalt  }
0x80: {  	_ =	shalt  }
0x81: {  	_ =	shalt  }
0x82: {  	_ =	shalt  }
0x83: {  	_ =	shalt  }
0x84: {  	_ =	shalt  }
0x85: {  	_ =	shalt  }
0x86: {  	_ =	shalt  }
0x87: {  	_ =	shalt  }
.Lfunc_end0:
.L_simem_size_0:
called_computation_lowered:
.L_overlay_start_0:
0x88: {  	s2 =	sld [smem:$0x3FD9]  }
0x89: {  	s3 =	sld [smem:$0x3FFE];
	_ =	sdelay $0x1  }
0x8a: {  	s1 =	srdreg.scid  }
0x8b: {  	s0 =	sand.u32 $0x1, s1  }
0x8c: {  	s17 =	sshll.u32 s0, $0xA;
	s2 =	sadd.s32 s3, s2  }
0x8d: {  	s2 =	sadd.s32 s2, s17  }
0x8e: {  	[smem:$0x3FC0] =	sst s2  }
0x8f: {  	_ = 	snop  }
0x90: {  	s2 =	sld [smem:$0x3FD0];
	(tm) =	ssettm $0x1  }
0x91: {  	s18 =	sld [smem:$0x3FFB];
	_ =	sdelay $0x3  }
0x92: {  	_ =	strace s18  }
0x93: {  	s3 =	sld [smem:$0x3FFC];
	_ =	sdelay $0x3  }
0x94: {  	_ =	strace s3  }
0x95: {  	s3 =	sld [smem:$0x3FFD];
	_ =	sdelay $0x3  }
0x96: {  	_ =	strace s3  }
0x97: {  	_ =	strace $0x8FFFFFFF  }
0x98: {  	s19 =	sld [smem:$0x3FDB];
	_ =	sdelay $0x1  }
0x99: {  	s4 =	simm.s32 $_scs_section_size  }
0x9a: {  	s5 =	simm.s32 $_size__tile_overlayer_lowered;
	s6 =	simm.s32 $_tile_overlayer_lowered  }
0x9b: {  	s22 =	simm.s32 $0x1BFF;
	s21 =	sshll.u32 s6, $0x1;
	s3 =	sadd.s32 s4, s19  }
0x9c: {  	s7 =	simm.s32 $0x0;
	s20 =	sshll.u32 s5, $0x1;
	s5 =	sadd.s32 s21, s3  }
0x9d: {  	[timem:s7], [sflag:s22] =	dma.local [hbm:s5], s20  }
0x9e: {  	_ =	swait.ge [sflag:s22], s20  }
0x9f: {  	s4 =	ssub.s32 $0x0, s20;
	[sflag:s22] =	ssyncset.done $0x0  }
0xa0: {  	[sflag:s22] =	ssyncadd.s32 s4;
	_ =	sdelay $0x1  }
0xa1: {  	s23 =	simm.s32 $0x1B8B  }
0xa2: {  	_ =	swait.ge [sflag:s23], $0x1  }
0xa3: {  	[sflag:s23] =	ssyncset.done $0x0  }
0xa4: {  	s25 =	simm.s32 $0x1B8E;
	s24 =	sld [smem:$0x3FFE];
	[sflag:s23] =	ssyncadd.s32 $0xFFFFFFFF  }
0xa5: {  	s26 =	simm.s32 $execute0_lowered;
	[smem:$0x3FD2] =	sst s25  }
0xa6: {  	s5 =	sshll.u32 s26, $0x1;
	_ =	strace $0x80000046;
	[dreg:$0x1] =	wrdreg $0xFFFFFFFF  }
0xa7: {  	s28 =	simm.s32 $_size_execute0_lowered;
	s3 =	sadd.s32 s3, s5;
	[dreg:$0x0] =	wrdreg $0x0  }
0xa8: {  	s5 =	sshll.u32 s28, $0x1;
	[dreg:$0x2] =	wrdreg s3  }
0xa9: {  	[dreg:$0x3] =	wrdreg s5  }
0xaa: {  	[dreg:$0x4] =	wrdreg $0xC0  }
0xab: {  	_ =	task [dreg:s7], $0x5FFFF  }
0xac: {  	[dreg:$0x1] =	wrdreg $0xFFFFFFFF  }
0xad: {  	[dreg:$0x0] =	wrdreg $0x60  }
0xae: {  	[dreg:$0x2] =	wrdreg s24  }
0xaf: {  	[dreg:$0x3] =	wrdreg s2  }
0xb0: {  	[dreg:$0x4] =	wrdreg $0xB7000  }
0xb1: {  	[dreg:$0x5] =	wrdreg $0x67000  }
0xb2: {  	[dreg:$0x6] =	wrdreg $0x8F000  }
0xb3: {  	[dreg:$0x7] =	wrdreg $0x9  }
0xb4: {  	_ =	task.clear_ibuf [dreg:s7], $0x8FFFF;
	_ =	strace $0x90000046  }
0xb5: {  	s29 =	simm.s32 $0x9;
	_ =	strace $0x80000048  }
0xb6: {  	_ =	swait.ge [sflag:s29], $0x1  }
0xb7: {  	[sflag:s29] =	ssyncadd.s32 $0xFFFFFFFF  }
0xb8: {  	_ =	strace $0x90000048  }
0xb9: {  	_ =	sfence  }
0xba: {  	s30 =	sld [smem:$0x0];
	_ =	sdelay $0x2  }
0xbb: {  	s31 =	sshll.u32 s1, $0xD;
	s1 =	sshrl.u32 s1, $0x2  }
0xbc: {  	s3 =	sand.u32 $0x4000, s31;
	s1 =	sadd.s32 s1, s30  }
0xbd: {  	s0 =	sor.u32 s3, s0;
	s1 =	sshll.u32 s1, $0x11  }
0xbe: {  	s0 =	sor.u32 s1, s0  }
0xbf: {  	s0 =	sadd.s32 $0x8F2B, s0  }
0xc0: {  	[sflag:s0] =	ssyncadd.remote.s32 $0x1  }
0xc1: {  	_ =	sfence.sel $0xFFFF  }
0xc2: {  	[dreg:$0x0] =	wrdreg $0xFFFFFFFF;
	(pc) =	sbr.abs _section_cstart, $3  }
0xc3: {  	[dreg:$0x1] =	wrdreg $0xFFFFFFFF  }
0xc4: {  	_ =	task.clear_ibuf [dreg:s7], $0x2FFFF;
	_ =	strace $0x9FFFFFFF  }
0xc5: {  	(tm) =	ssettm $0x7FFFFFFF  }
tec
execute0_lowered:
.L_overlay_start_1:
0x0: {  	(tag) =	ssettag $0x1  }
0x1: {  	s0 =	rddreg [dreg:$0x0]  }
0x2: {  	s3 =	rddreg [dreg:$0x2]  }
0x3: {  	s4 =	rddreg [dreg:$0x3]  }
0x4: {  	s5 =	rddreg [dreg:$0x4]  }
0x5: {  	s14 =	stileid.u32;
	s2 =	srdreg.scid;
	s6 =	simm.s32 $0x0  }
0x6: {  	s28 =	simm.s32 $0x80;
	s29 =	simm.s32 $0x4F00;
	s1 =	smul.u32 $0x2710, s14  }
0x7: {  	s31 =	simm.s32 $0x3;
	s7 =	smul.u32 $0x2800, s14;
	s2 =	sand.u32 $0x1, s2  }
0x8: {  	[smem:$0x7FF] =	sst s6;
	s9 =	sadd.s32 $0x1E00, s0;
	s11 =	smul.u32 $0x9C40, s14  }
0x9: {  	s20 =	sshll.u32 s14, $0x6;
	s25 =	sshll.u32 s14, $0x4;
	s8 =	smul.u32 $0x28000, s2  }
0xa: {  	_ =	strace $0x80000047;
	s19 =	ssub.s32 $0x2, s2;
	s2 =	sshll.u32 s2, $0x4  }
0xb: {  	s1 =	sadd.s32 s1, s0;
	s10 =	sshrl.u32 s7, $0x3;
	s12 =	sshrl.u32 s19, $0x1  }
0xc: {  	s11 =	sshrl.u32 s11, $0x2;
	s2 =	sor.u32 s14, s2;
	s22 =	sadd.s32 s7, s4  }
0xd: {  	s23 =	sadd.s32 s7, s5;
	s8 =	sadd.s32 s7, s8;
	s10 =	sadd.s32 s10, s0  }
0xe: {  	s19 =	ssub.s32 s19, s12;
	s11 =	sadd.s32 s11, s3;
	[dreg:$0x7] =	wrdreg s22  }
0xf: {  	s1 =	sadd.s32 $0x15800, s1;
	s21 =	smul.u32 $0x2700, s2;
	[dreg:$0x8] =	wrdreg s23  }
0x10: {  	p0 =	slt.u32 s2, $0x4;
	s12 =	simm.s32 $0x4F;
	s22 =	simm.s32 $0x2  }
0x11: {  	s8 =	sshrl.u32 s8, $0x3;
	[dreg:$0x6] =	wrdreg s1;
	s10 =	sadd.s32 $0x3CA00, s10  }
0x12: {  	s12 =	simm.s32 @!p0 $0x4E;
	s1 =	sadd.s32 s25, s9;
	s19 =	smax.u32 s19, $0x1  }
0x13: {  	p0 =	sgt.u32 s2, $0x3;
	s25 =	simm.s32 $0x5F00;
	s0 =	sadd.s32 s8, s0  }
0x14: {  	s8 =	sor.u32 $0x1C04, s20;
	s24 =	sshrl.u32 s21, $0x3;
	s30 =	sadd.s32 $0x9C00, s1  }
0x15: {  	s16 =	sadd.s32 $0x13840, s1;
	s20 =	sshrl.u32 s11, $0x3;
	s21 =	simm.s32 $0x1  }
0x16: {  	s13 =	sadd.s32 s9, s24;
	[dreg:$0xa] =	wrdreg s30;
	s17 =	sadd.s32 $0x41A00, s0  }
0x17: {  	s18 =	sadd.s32 $0x4BA00, s0;
	s24 =	simm.s32 $0x4;
	s26 =	sadd.s32 $0x9C40, s13  }
0x18: {  	s0 =	simm.s32 $0x0;
	[dreg:$0x9] =	wrdreg s26;
	s26 =	simm.s32 $0x2780  }
.LBB2_1:
0x19: {  	s1 =	rddreg [dreg:$0x6];
	s2 =	simm.s32 $0x10  }
0x1a: {  	[spmem:s20@s22], [sflag:s8] =	dma.strided [hbm:s1@s2], $0x4E2, s21, $0x2   }
0x1b: {  	_ =	swait.ge [sflag:s24], $0x4E2  }
0x1c: {  	[sflag:s24] =	ssyncset.done $0x0;
	s2 =	rddreg [dreg:$0x7]  }
0x1d: {  	[sflag:s24] =	ssyncadd.s32 $0xFFFFFB1E;
	s2 =	sshrl.u32 s2, $0x3  }
0x1e: {  	[spmem:s2], [sflag:s8] =	dma.local [hbm:s10], $0x500  }
0x1f: {  	_ =	swait.ge [sflag:s24], $0x500  }
0x20: {  	[sflag:s24] =	ssyncset.done $0x0;
	s7 =	rddreg [dreg:$0x8]  }
0x21: {  	[sflag:s24] =	ssyncadd.s32 $0xFFFFFB00;
	s1 =	sshrl.u32 s7, $0x3  }
0x22: {  	[spmem:s1], [sflag:s8] =	dma.local [hbm:s10], $0x500  }
0x23: {  	_ =	swait.ge [sflag:s24], $0x500  }
0x24: {  	[sflag:s24] =	ssyncset.done $0x0  }
0x25: {  	[sflag:s24] =	ssyncadd.s32 $0xFFFFFB00  }
0x26: {  	s7 =	rddreg [dreg:$0x1]  }
0x27: {  	[tilespmem:s25], [sflag:$0x4] =	stream.linear.gather [hbm4b:s7+s6], $0x800, $0x38;
	[tilespmem:$0xDE10] =	vst v63  }
0x28: {  	_ =	swait.ge [sflag:s24], $0x800  }
0x29: {  	[sflag:s24] =	ssyncset.done $0x0  }
0x2a: {  	[sflag:s24] =	ssyncadd.s32 $0xFFFFF800  }
0x2b: {  	[tilespmem:s6], [sflag:$0x4] =	stream.linear.gather [hbm4b:s13+s6], $0x2700, $0x38;
	[tilespmem:$0xDE10] =	vst v63  }
0x2c: {  	_ =	swait.ge [sflag:s24], $0x2700  }
0x2d: {  	[sflag:s24] =	ssyncset.done $0x0  }
0x2e: {  	s9 =	rddreg [dreg:$0x9];
	[sflag:s24] =	ssyncadd.s32 $0xFFFFD900  }
0x2f: {  	[tilespmem:s26], [sflag:$0x4] =	stream.linear.gather [hbm4b:s9+s6], $0x2700, $0x38;
	[tilespmem:$0xDE10] =	vst v63  }
0x30: {  	_ =	swait.ge [sflag:s24], $0x2700  }
0x31: {  	s7 =	simm.s32 @!p0 $0x0;
	[sflag:s24] =	ssyncset.done $0x0  }
0x32: {  	s9 =	simm.s32 @!p0 $0x2700;
	s11 =	rddreg [dreg:$0xa];
	[sflag:s24] =	ssyncadd.s32 $0xFFFFD900  }
0x33: {  	[tilespmem:s9], [sflag:$0x4] =	stream.linear.gather @!p0 [hbm4b:s11+s7], $0x80, $0x38;
	[tilespmem:$0xDE10] =	vst v63  }
0x34: {  	s9 =	simm.s32 @!p0 $0x4  }
0x35: {  	_ =	swait.ge @!p0 [sflag:s9], $0x80  }
0x36: {  	[sflag:s9] =	ssyncset.done @!p0 $0x0  }
0x37: {  	s11 =	simm.s32 @!p0 $0x4E80;
	[sflag:s9] =	ssyncadd.s32 @!p0 $0xFFFFFF80  }
0x38: {  	[tilespmem:s11], [sflag:$0x4] =	stream.linear.gather @!p0 [hbm4b:s16+s7], $0x80, $0x38;
	[tilespmem:$0xDE10] =	vst v63  }
0x39: {  	_ =	swait.ge @!p0 [sflag:s9], $0x80  }
0x3a: {  	[sflag:s9] =	ssyncset.done @!p0 $0x0  }
0x3b: {  	[sflag:s9] =	ssyncadd.s32 @!p0 $0xFFFFFF80  }
0x3c: {  	[bflag:$0x0] =	sbarrier.arrive $0xFFFF  }
0x3d: {  	[tilespmem:s29], [sflag:$0x1] =	stream.indirect.gather [spmem:s3], $0x10, s6, s28, $0xb8;
	[tilespmem:$0xDE10] =	vst v63  }
0x3e: {  	_ =	swait.ge [sflag:s21], $0x800  }
0x3f: {  	[sflag:s21] =	ssyncset.done $0x0  }
0x40: {  	s11 =	simm.s32 $0x5700;
	[sflag:s21] =	ssyncadd.s32 $0xFFFFF800  }
0x41: {  	[tilespmem:s11], [sflag:$0x1] =	stream.indirect.gather [spmem:s3], $0x10, s28, s28, $0xb8;
	[tilespmem:$0xDE10] =	vst v63  }
0x42: {  	_ = 	snop  }
0x43: {  	[spmem:s4] =	stream.indirect.scatter.add.f32 [tilespmem:s29], [sflag:$0x2], $0x10, s26, s28, $0xb8;
	[tilespmem:$0xDE10] =	vst v63  }
0x44: {  	_ = 	snop  }
0x45: {  	[spmem:s5] =	stream.indirect.scatter.add.f32 [tilespmem:s25], [sflag:$0x3], $0x10, s26, s28, $0xb8;
	[tilespmem:$0xDE10] =	vst v63  }
0x46: {  	_ =	swait.ge [sflag:s21], $0x800  }
0x47: {  	[sflag:s21] =	ssyncset.done $0x0  }
0x48: {  	[sflag:s21] =	ssyncadd.s32 $0xFFFFF800  }
0x49: {  	_ =	swait.ge [sflag:s22], $0x800  }
0x4a: {  	[sflag:s22] =	ssyncset.done $0x0  }
0x4b: {  	s14 =	simm.s32 $0x1;
	[sflag:s22] =	ssyncadd.s32 $0xFFFFF800  }
0x4c: {  	s15 =	simm.s32 $0x100;
	s7 =	sand.u32 $0x1, s14;
	_ =	swait.ge [sflag:s31], $0x800  }
0x4d: {  	p1 =	sne.s32 s12, $0x3;
	s7 =	sshll.u32 s7, $0xB;
	[sflag:s31] =	ssyncset.done $0x0  }
.Ltmp0:
0x4e: {  	s23 =	ssub.s32 $0x5700, s7;
	[sflag:s31] =	ssyncadd.s32 $0xFFFFF800;
	(pc) =	sbr.rel @!p1 .LBB2_3-.Ltmp0, $4  }
0x4f: {  	[tilespmem:s23], [sflag:$0x1] =	stream.indirect.gather [spmem:s3], $0x10, s15, s28, $0xb8;
	[tilespmem:$0xDE10] =	vst v63  }
0x50: {  	s30 =	simm.s32 $0x3;
	s7 =	sadd.s32 $0x4F00, s7;
	s11 =	simm.s32 $0x2800  }
0x51: {  	[spmem:s4] =	stream.indirect.scatter.add.f32 [tilespmem:s7], [sflag:$0x2], $0x10, s11, s28, $0xb8;
	[tilespmem:$0xDE10] =	vst v63  }
0x52: {  	s9 =	simm.s32 $0x180;
	s23 =	simm.s32 $0x2880;
	s7 =	simm.s32 $0x2  }
.LBB2_2:
0x53: {  	s7 =	smov.u32 s30  }
0x54: {  	[spmem:s5] =	stream.indirect.scatter.add.f32 [tilespmem:s25], [sflag:$0x3], $0x10, s11, s28, $0xb8;
	[tilespmem:$0xDE10] =	vst v63  }
0x55: {  	s14 =	smov.u32 s30;
	s30 =	sadd.s32 $0x1, s30;
	_ =	swait.ge [sflag:s21], $0x800  }
0x56: {  	p1 =	sne.s32 s12, s30;
	s11 =	smov.u32 s23;
	[sflag:s21] =	ssyncset.done $0x0  }
0x57: {  	[sflag:s21] =	ssyncadd.s32 $0xFFFFF800  }
0x58: {  	_ =	swait.ge [sflag:s22], $0x800  }
0x59: {  	[sflag:s22] =	ssyncset.done $0x0  }
0x5a: {  	s14 =	sadd.s32 $0xFFFFFFFF, s14;
	[sflag:s22] =	ssyncadd.s32 $0xFFFFF800  }
0x5b: {  	s14 =	sand.u32 $0x1, s14;
	_ =	swait.ge [sflag:s31], $0x800  }
0x5c: {  	s14 =	sshll.u32 s14, $0xB;
	[sflag:s31] =	ssyncset.done $0x0  }
.Ltmp1:
0x5d: {  	s15 =	ssub.s32 $0x5700, s14;
	[sflag:s31] =	ssyncadd.s32 $0xFFFFF800;
	(pc) =	sbr.rel @p1 .LBB2_2-.Ltmp1, $4  }
0x5e: {  	[tilespmem:s15], [sflag:$0x1] =	stream.indirect.gather [spmem:s3], $0x10, s9, s28, $0xb8;
	[tilespmem:$0xDE10] =	vst v63  }
0x5f: {  	s14 =	sadd.s32 $0x4F00, s14  }
0x60: {  	[spmem:s4] =	stream.indirect.scatter.add.f32 [tilespmem:s14], [sflag:$0x2], $0x10, s23, s28, $0xb8;
	[tilespmem:$0xDE10] =	vst v63  }
0x61: {  	s9 =	sadd.s32 $0x80, s9;
	s23 =	sadd.s32 $0x80, s23  }
.LBB2_3:
0x62: {  	[spmem:s5] =	stream.indirect.scatter.add.f32 [tilespmem:s25], [sflag:$0x3], $0x10, s11, s28, $0xb8;
	[tilespmem:$0xDE10] =	vst v63  }
0x63: {  	_ =	swait.ge [sflag:s21], $0x800  }
0x64: {  	[sflag:s21] =	ssyncset.done $0x0  }
0x65: {  	[sflag:s21] =	ssyncadd.s32 $0xFFFFF800  }
0x66: {  	_ =	swait.ge [sflag:s22], $0x800  }
0x67: {  	[sflag:s22] =	ssyncset.done $0x0  }
0x68: {  	[sflag:s22] =	ssyncadd.s32 $0xFFFFF800  }
0x69: {  	s7 =	sand.u32 $0x1, s7;
	_ =	swait.ge [sflag:s31], $0x800  }
0x6a: {  	s7 =	sshll.u32 s7, $0xB;
	[sflag:s31] =	ssyncset.done $0x0  }
0x6b: {  	s7 =	sadd.s32 $0x4F00, s7;
	[sflag:s31] =	ssyncadd.s32 $0xFFFFF800  }
0x6c: {  	[spmem:s4] =	stream.indirect.scatter.add.f32 [tilespmem:s7], [sflag:$0x2], $0x10, s23, s28, $0xb8;
	[tilespmem:$0xDE10] =	vst v63  }
0x6d: {  	_ = 	snop  }
0x6e: {  	[spmem:s5] =	stream.indirect.scatter.add.f32 [tilespmem:s25], [sflag:$0x3], $0x10, s23, s28, $0xb8;
	[tilespmem:$0xDE10] =	vst v63  }
0x6f: {  	_ =	swait.ge [sflag:s22], $0x800  }
0x70: {  	[sflag:s22] =	ssyncset.done $0x0  }
0x71: {  	[sflag:s22] =	ssyncadd.s32 $0xFFFFF800  }
0x72: {  	_ =	swait.ge [sflag:s31], $0x800  }
0x73: {  	[sflag:s31] =	ssyncset.done $0x0  }
0x74: {  	[sflag:s31] =	ssyncadd.s32 $0xFFFFF800  }
0x75: {  	[bflag:$0x0] =	sbarrier.arrive $0xFFFF  }
0x76: {  	[hbm:s17], [sflag:s8] =	dma.local [spmem:s2], $0x500  }
0x77: {  	s0 =	sadd.s32 $0x1, s0;
	_ =	swait.ge [sflag:s24], $0x500  }
0x78: {  	p1 =	sne.s32 s0, s19;
	[sflag:s24] =	ssyncset.done $0x0  }
.Ltmp2:
0x79: {  	[sflag:s24] =	ssyncadd.s32 $0xFFFFFB00;
	(pc) =	sbr.rel @p1 .LBB2_1-.Ltmp2, $4  }
0x7a: {  	[hbm:s18], [sflag:s8] =	dma.local [spmem:s1], $0x500  }
0x7b: {  	_ =	swait.ge [sflag:s24], $0x500  }
0x7c: {  	[sflag:s24] =	ssyncset.done $0x0  }
0x7d: {  	[sflag:s24] =	ssyncadd.s32 $0xFFFFFB00  }
0x7e: {  	_ =	sfence.sel $0x180000  }
0x7f: {  	[bflag:$0x0] =	sbarrier.arrive $0xFFFF  }
0x80: {  	_ =	strace $0x90000047  }
0x81: {  	s0 =	stileid.u32;
	[bflag:$0x2] =	sbarrier.arrive $0xFFFF  }
0x82: {  	p0 =	sne.s32 s0, $0x0;
	s0 =	rddreg [dreg:$0x5]  }
0x83: {  	s0 =	sadd.s32 @!p0 $0x100000, s0  }
0x84: {  	[sflag:s0] =	ssyncadd.tile.s32 @!p0 $0x1;
	_ =	shalt  }
.Lfunc_end2:
_tile_overlayer_lowered:
.L_overlay_start_2:
0x85: {  	(tag) =	ssettag $0x2  }
0x86: {  	s0 =	rddreg [dreg:$0x0];
	s2 =	stileid.u32  }
0x87: {  	s1 =	rddreg [dreg:$0x1];
	p0 =	sne.s32 s2, $0x0  }
0x88: {  	s3 =	rddreg [dreg:$0x2];
	[bflag:$0x3] =	sbarrier.arrive $0xFFFF;
	s2 =	simm.s32 @!p0 $0x1C04  }
0x89: {  	[timem:s3], [sflag:s2] =	dma.local @!p0 [hbm:s0], s1  }
0x8a: {  	s0 =	simm.s32 @!p0 $0x4  }
0x8b: {  	_ =	swait.ge @!p0 [sflag:s0], s1  }
0x8c: {  	s1 =	ssub.s32 @!p0 $0x0, s1;
	[sflag:s0] =	ssyncset.done @!p0 $0x0  }
0x8d: {  	[sflag:s0] =	ssyncadd.s32 @!p0 s1  }
0x8e: {  	[bflag:$0x3] =	sbarrier.arrive $0xFFFF  }
0x8f: {  	_ =	shalt  }

// kernel: kernel.9.cloned.1.call-start
scs
__scs_entry_jumppad:
0x0: {  	(pc) =	sbr.rel $0x88, $3  }
0x1: {  	(tag) =	ssettag $0x0;
	lr =	simm.s32 $0x1  }
0x2: {  	[smem:$0x3F99] =	sst lr;
	_ =	strace $0xD0000000  }
0x3: {  	_ = 	snop  }
0x4: {  	_ = 	snop  }
0x5: {  	_ = 	snop  }
0x6: {  	_ = 	snop  }
0x7: {  	_ = 	snop  }
__scs_overlays_trampoline_lowered:
0x8: {  	[smem:$0x3FA8] =	sst s0  }
0x9: {  	[smem:$0x3FA9] =	sst s1  }
0xa: {  	[smem:$0x3FAA] =	sst s2  }
0xb: {  	[smem:$0x3FAB] =	sst s3  }
0xc: {  	[smem:$0x3FAC] =	sst s4  }
0xd: {  	[smem:$0x3FAD] =	sst s5  }
0xe: {  	[smem:$0x3FAE] =	sst s6  }
0xf: {  	[smem:$0x3FAF] =	sst s7  }
0x10: {  	[smem:$0x3FB0] =	sst s8  }
0x11: {  	[smem:$0x3FB1] =	sst s9;
	s0 =	simm.s32 @!p0 $0x0  }
0x12: {  	s1 =	sld [smem:$0x3F97];
	s0 =	simm.s32 @p0 $0x1  }
0x13: {  	[smem:$0x3FB2] =	sst s0;
	s0 =	simm.s32 @!p1 $0x0  }
0x14: {  	s2 =	sld [smem:$0x3F96];
	s0 =	simm.s32 @p1 $0x1  }
0x15: {  	[smem:$0x3FB3] =	sst s0;
	s0 =	simm.s32 @!p2 $0x0  }
0x16: {  	s3 =	sld [smem:$0x3FDB];
	s0 =	simm.s32 @p2 $0x1  }
0x17: {  	s4 =	simm.s32 $0x1BF5;
	[smem:$0x3FB5] =	sst s0  }
0x18: {  	s0 =	sld [smem:$0x3F98];
	_ =	swait.ge [sflag:s4], $0x0  }
0x19: {  	s7 =	sld [smem:$0x3F99]  }
0x1a: {  	s8 =	sadd.s32 $0xFFFFE003, lr  }
0x1b: {  	s9 =	sadd.s32 $0xFFFFFEF7, lr;
	s5 =	simm.s32 $0xFFFFFFFF;
	p2 =	slt.u32 s8, $0xFFFFF086  }
0x1c: {  	p1 =	slt.u32 s9, $0xF7A;
	s5 =	simm.s32 @!p2 $0x0  }
0x1d: {  	s5 =	simm.s32 @p1 $0x1;
	p0 =	seq.s32 s7, s2  }
0x1e: {  	s7 =	smul.u32 @!p0 $0xF7A, s2;
	p2 =	seq.s32 @!p0 s5, $0x0  }
0x1f: {  	s9 =	smul.u32 $0xF7A, s1;
	s8 =	simm.s32 @!p0 $0x1BF5;
	p2 =	por !p2, p0  }
0x20: {  	[sflag:s8] =	ssyncset.s32 @!p0 $0xFFFFF086;
	s6 =	sadd.s32 @!p0 s3, s7;
	s7 =	simm.s32 @!p0 $0x108  }
0x21: {  	s3 =	sadd.s32 s3, s9;
	s6 =	sadd.s32 @!p0 $0x88, s6;
	s7 =	simm.s32 @p2 $0x1082  }
0x22: {  	[simem:s7], [sflag:s8] =	dma.local @!p0 [hbm:s6], $0xF7A  }
0x23: {  	s9 =	sor.u32 $0xD0000000, s2;
	s6 =	simm.s32 $0x108;
	_ =	swait.ge @!p0 [sflag:s8], $0x0  }
0x24: {  	s3 =	sadd.s32 $0x88, s3;
	s6 =	simm.s32 @!p1 $0x1082;
	[sflag:s4] =	ssyncset.s32 $0xFFFFF086  }
0x25: {  	[simem:s6], [sflag:s4] =	dma.local [hbm:s3], $0xF7A  }
0x26: {  	[smem:$0x3F99] =	sst s1;
	(tag) =	ssettag s2;
	_ =	strace s9  }
0x27: {  	s1 =	sld [smem:$0x3FA9]  }
0x28: {  	s2 =	sld [smem:$0x3FAA]  }
0x29: {  	s4 =	sld [smem:$0x3FAC]  }
0x2a: {  	p0 =	seq.s32 s5, $0x0;
	s5 =	sld [smem:$0x3FAD]  }
0x2b: {  	s6 =	sld [smem:$0x3FAE]  }
0x2c: {  	s7 =	sld [smem:$0x3FAF]  }
0x2d: {  	s3 =	simm.s32 $0x108;
	s8 =	sld [smem:$0x3FB0]  }
0x2e: {  	s3 =	simm.s32 @!p0 $0x1082;
	s9 =	sld [smem:$0x3FB1]  }
0x2f: {  	lr =	sadd.s32 s0, s3;
	s0 =	sld [smem:$0x3FA8]  }
0x30: {  	s3 =	sld [smem:$0x3FAB]  }
0x31: {  	[smem:$0x3FB4] =	sst s10  }
0x32: {  	s10 =	sld [smem:$0x3FB2];
	_ =	sdelay $0x3  }
0x33: {  	p0 =	seq.s32 s10, $0x1;
	s10 =	sld [smem:$0x3FB4];
	_ =	sdelay $0x3  }
0x34: {  	[smem:$0x3FB4] =	sst s10  }
0x35: {  	s10 =	sld [smem:$0x3FB3];
	_ =	sdelay $0x3  }
0x36: {  	p1 =	seq.s32 s10, $0x1;
	s10 =	sld [smem:$0x3FB4];
	_ =	sdelay $0x3  }
0x37: {  	[smem:$0x3FB4] =	sst s10  }
0x38: {  	s10 =	sld [smem:$0x3FB5]  }
0x39: {  	_ = 	snop;
	(pc) =	sbr.ind lr, $3  }
0x3a: {  	_ = 	snop  }
0x3b: {  	_ = 	snop  }
0x3c: {  	p2 =	seq.s32 s10, $0x1;
	s10 =	sld [smem:$0x3FB4]  }
0x3d: {  	_ =	shalt  }
0x3e: {  	_ =	shalt  }
0x3f: {  	_ =	shalt  }
0x40: {  	_ =	shalt  }
0x41: {  	_ =	shalt  }
0x42: {  	_ =	shalt  }
0x43: {  	_ =	shalt  }
0x44: {  	_ =	shalt  }
0x45: {  	_ =	shalt  }
0x46: {  	_ =	shalt  }
0x47: {  	_ =	shalt  }
0x48: {  	_ =	shalt  }
0x49: {  	_ =	shalt  }
0x4a: {  	_ =	shalt  }
0x4b: {  	_ =	shalt  }
0x4c: {  	_ =	shalt  }
0x4d: {  	_ =	shalt  }
0x4e: {  	_ =	shalt  }
0x4f: {  	_ =	shalt  }
0x50: {  	_ =	shalt  }
0x51: {  	_ =	shalt  }
0x52: {  	_ =	shalt  }
0x53: {  	_ =	shalt  }
0x54: {  	_ =	shalt  }
0x55: {  	_ =	shalt  }
0x56: {  	_ =	shalt  }
0x57: {  	_ =	shalt  }
0x58: {  	_ =	shalt  }
0x59: {  	_ =	shalt  }
0x5a: {  	_ =	shalt  }
0x5b: {  	_ =	shalt  }
0x5c: {  	_ =	shalt  }
0x5d: {  	_ =	shalt  }
0x5e: {  	_ =	shalt  }
0x5f: {  	_ =	shalt  }
0x60: {  	_ =	shalt  }
0x61: {  	_ =	shalt  }
0x62: {  	_ =	shalt  }
0x63: {  	_ =	shalt  }
0x64: {  	_ =	shalt  }
0x65: {  	_ =	shalt  }
0x66: {  	_ =	shalt  }
0x67: {  	_ =	shalt  }
0x68: {  	_ =	shalt  }
0x69: {  	_ =	shalt  }
0x6a: {  	_ =	shalt  }
0x6b: {  	_ =	shalt  }
0x6c: {  	_ =	shalt  }
0x6d: {  	_ =	shalt  }
0x6e: {  	_ =	shalt  }
0x6f: {  	_ =	shalt  }
0x70: {  	_ =	shalt  }
0x71: {  	_ =	shalt  }
0x72: {  	_ =	shalt  }
0x73: {  	_ =	shalt  }
0x74: {  	_ =	shalt  }
0x75: {  	_ =	shalt  }
0x76: {  	_ =	shalt  }
0x77: {  	_ =	shalt  }
0x78: {  	_ =	shalt  }
0x79: {  	_ =	shalt  }
0x7a: {  	_ =	shalt  }
0x7b: {  	_ =	shalt  }
0x7c: {  	_ =	shalt  }
0x7d: {  	_ =	shalt  }
0x7e: {  	_ =	shalt  }
0x7f: {  	_ =	shalt  }
0x80: {  	_ =	shalt  }
0x81: {  	_ =	shalt  }
0x82: {  	_ =	shalt  }
0x83: {  	_ =	shalt  }
0x84: {  	_ =	shalt  }
0x85: {  	_ =	shalt  }
0x86: {  	_ =	shalt  }
0x87: {  	_ =	shalt  }
.Lfunc_end0:
.L_simem_size_0:
called_computation.1_lowered:
.L_overlay_start_0:
0x88: {  	s2 =	sld [smem:$0x3FD9]  }
0x89: {  	s3 =	sld [smem:$0x3FFE];
	_ =	sdelay $0x1  }
0x8a: {  	s1 =	srdreg.scid  }
0x8b: {  	s0 =	sand.u32 $0x1, s1  }
0x8c: {  	s17 =	sshll.u32 s0, $0xA;
	s2 =	sadd.s32 s3, s2  }
0x8d: {  	s2 =	sadd.s32 s2, s17  }
0x8e: {  	[smem:$0x3FC0] =	sst s2  }
0x8f: {  	_ = 	snop  }
0x90: {  	s2 =	sld [smem:$0x3FC6];
	(tm) =	ssettm $0x1  }
0x91: {  	s18 =	sld [smem:$0x3FFB];
	_ =	sdelay $0x3  }
0x92: {  	_ =	strace s18  }
0x93: {  	s3 =	sld [smem:$0x3FFC];
	_ =	sdelay $0x3  }
0x94: {  	_ =	strace s3  }
0x95: {  	s3 =	sld [smem:$0x3FFD];
	_ =	sdelay $0x3  }
0x96: {  	_ =	strace s3  }
0x97: {  	_ =	strace $0x8FFFFFFF  }
0x98: {  	s19 =	sld [smem:$0x3FDB];
	_ =	sdelay $0x1  }
0x99: {  	s4 =	simm.s32 $_scs_section_size  }
0x9a: {  	s5 =	simm.s32 $_size__tile_overlayer_lowered;
	s6 =	simm.s32 $_tile_overlayer_lowered  }
0x9b: {  	s22 =	simm.s32 $0x1BFF;
	s21 =	sshll.u32 s6, $0x1;
	s3 =	sadd.s32 s4, s19  }
0x9c: {  	s7 =	simm.s32 $0x0;
	s20 =	sshll.u32 s5, $0x1;
	s5 =	sadd.s32 s21, s3  }
0x9d: {  	[timem:s7], [sflag:s22] =	dma.local [hbm:s5], s20  }
0x9e: {  	_ =	swait.ge [sflag:s22], s20  }
0x9f: {  	s4 =	ssub.s32 $0x0, s20;
	[sflag:s22] =	ssyncset.done $0x0  }
0xa0: {  	[sflag:s22] =	ssyncadd.s32 s4;
	_ =	sdelay $0x1  }
0xa1: {  	s23 =	simm.s32 $0x1B8B  }
0xa2: {  	_ =	swait.ge [sflag:s23], $0x1  }
0xa3: {  	[sflag:s23] =	ssyncset.done $0x0  }
0xa4: {  	s25 =	simm.s32 $0x1B8E;
	s24 =	sld [smem:$0x3FFE];
	[sflag:s23] =	ssyncadd.s32 $0xFFFFFFFF  }
0xa5: {  	s26 =	simm.s32 $execute0_lowered;
	[smem:$0x3FD2] =	sst s25  }
0xa6: {  	s5 =	sshll.u32 s26, $0x1;
	_ =	strace $0x80000049;
	[dreg:$0x1] =	wrdreg $0xFFFFFFFF  }
0xa7: {  	s28 =	simm.s32 $_size_execute0_lowered;
	s3 =	sadd.s32 s3, s5;
	[dreg:$0x0] =	wrdreg $0x0  }
0xa8: {  	s5 =	sshll.u32 s28, $0x1;
	[dreg:$0x2] =	wrdreg s3  }
0xa9: {  	[dreg:$0x3] =	wrdreg s5  }
0xaa: {  	[dreg:$0x4] =	wrdreg $0xC0  }
0xab: {  	_ =	task [dreg:s7], $0x5FFFF  }
0xac: {  	[dreg:$0x1] =	wrdreg $0xFFFFFFFF  }
0xad: {  	[dreg:$0x0] =	wrdreg $0x60  }
0xae: {  	[dreg:$0x2] =	wrdreg s24  }
0xaf: {  	[dreg:$0x3] =	wrdreg s2  }
0xb0: {  	[dreg:$0x4] =	wrdreg $0x172800  }
0xb1: {  	[dreg:$0x5] =	wrdreg $0x19A800  }
0xb2: {  	[dreg:$0x6] =	wrdreg $0x9  }
0xb3: {  	_ =	task.clear_ibuf [dreg:s7], $0x7FFFF;
	_ =	strace $0x90000049  }
0xb4: {  	s29 =	simm.s32 $0x9;
	_ =	strace $0x8000004B  }
0xb5: {  	_ =	swait.ge [sflag:s29], $0x1  }
0xb6: {  	[sflag:s29] =	ssyncadd.s32 $0xFFFFFFFF  }
0xb7: {  	_ =	strace $0x9000004B  }
0xb8: {  	_ =	sfence  }
0xb9: {  	s30 =	sld [smem:$0x0];
	_ =	sdelay $0x2  }
0xba: {  	s31 =	sshll.u32 s1, $0xD;
	s1 =	sshrl.u32 s1, $0x2  }
0xbb: {  	s3 =	sand.u32 $0x4000, s31;
	s1 =	sadd.s32 s1, s30  }
0xbc: {  	s0 =	sor.u32 s3, s0;
	s1 =	sshll.u32 s1, $0x11  }
0xbd: {  	s0 =	sor.u32 s1, s0  }
0xbe: {  	s0 =	sadd.s32 $0x8F2B, s0  }
0xbf: {  	[sflag:s0] =	ssyncadd.remote.s32 $0x1  }
0xc0: {  	_ =	sfence.sel $0xFFFF  }
0xc1: {  	[dreg:$0x0] =	wrdreg $0xFFFFFFFF;
	(pc) =	sbr.abs _section_cstart, $3  }
0xc2: {  	[dreg:$0x1] =	wrdreg $0xFFFFFFFF  }
0xc3: {  	_ =	task.clear_ibuf [dreg:s7], $0x2FFFF;
	_ =	strace $0x9FFFFFFF  }
0xc4: {  	(tm) =	ssettm $0x7FFFFFFF  }
0xc5: {  	_ =	shalt  }
tec
execute0_lowered:
.L_overlay_start_1:
0x0: {  	(tag) =	ssettag $0x1  }
0x1: {  	s0 =	rddreg [dreg:$0x0]  }
0x2: {  	s2 =	rddreg [dreg:$0x2]  }
0x3: {  	s4 =	rddreg [dreg:$0x3]  }
0x4: {  	s5 =	simm.s32 $0x0;
	s16 =	stileid.u32;
	s3 =	srdreg.scid  }
0x5: {  	s30 =	simm.s32 $0x80;
	s28 =	simm.s32 $0x1;
	s1 =	smul.u32 $0x2710, s16  }
0x6: {  	s31 =	simm.s32 $0x2;
	[smem:$0x7FF] =	sst s5;
	s6 =	smul.u32 $0x2800, s16  }
0x7: {  	s3 =	sand.u32 $0x1, s3;
	s7 =	sadd.s32 $0x1E00, s0;
	s8 =	sadd.s32 $0x41A00, s0  }
0x8: {  	s10 =	sadd.s32 $0x4BA00, s0;
	s12 =	sadd.s32 $0x55A00, s0;
	s13 =	smul.u32 $0x9C4, s16  }
0x9: {  	_ =	strace $0x8000004A;
	s9 =	smul.u32 $0x28000, s3;
	[dreg:$0x5] =	wrdreg s12  }
0xa: {  	s29 =	ssub.s32 $0x2, s3;
	s17 =	sshll.u32 s3, $0x4;
	p1 =	sne.s32 s3, $0x0  }
0xb: {  	s11 =	sadd.s32 s1, s0;
	s26 =	sshrl.u32 s6, $0x3;
	s15 =	sshrl.u32 s29, $0x1  }
0xc: {  	s18 =	sshrl.u32 s1, $0x3;
	s23 =	sor.u32 s16, s17;
	s12 =	sadd.s32 s6, s2  }
0xd: {  	s9 =	sadd.s32 s6, s9;
	s14 =	sadd.s32 s26, s0;
	s22 =	ssub.s32 s29, s15  }
0xe: {  	s19 =	sadd.s32 s8, s18;
	s20 =	sadd.s32 $0x5000, s18;
	s21 =	sadd.s32 s10, s18  }
0xf: {  	s24 =	smul.u32 $0x2700, s23;
	s25 =	sadd.s32 $0x15802, s11;
	p0 =	slt.u32 s23, $0x4  }
0x10: {  	s29 =	sshll.u32 s16, $0x4;
	s9 =	sshrl.u32 s9, $0x3;
	[dreg:$0x6] =	wrdreg s19  }
0x11: {  	s8 =	sadd.s32 s8, s20;
	[dreg:$0x8] =	wrdreg s21;
	s10 =	sadd.s32 s10, s20  }
0x12: {  	[dreg:$0xa] =	wrdreg s25;
	s6 =	sadd.s32 s29, s7;
	s19 =	sadd.s32 s1, s4  }
0x13: {  	s22 =	smax.u32 s22, $0x1;
	s25 =	simm.s32 $0x4F00;
	[dreg:$0x7] =	wrdreg s8  }
0x14: {  	s9 =	sadd.s32 s9, s0;
	s0 =	sadd.s32 s13, s0;
	[dreg:$0x9] =	wrdreg s10  }
0x15: {  	s13 =	sadd.s32 $0x3CA00, s14;
	s26 =	sshrl.u32 s24, $0x3;
	s14 =	simm.s32 $0x4F  }
0x16: {  	s17 =	sadd.s32 $0x9C00, s6;
	s18 =	sadd.s32 $0x13840, s6;
	s24 =	simm.s32 $0x3  }
0x17: {  	s15 =	sadd.s32 s7, s26;
	s14 =	simm.s32 @!p0 $0x4E;
	s20 =	sadd.s32 $0x5FC00, s0  }
0x18: {  	s21 =	sadd.s32 $0x55C00, s9;
	p0 =	sgt.u32 s23, $0x3;
	s26 =	simm.s32 $0xAD20  }
0x19: {  	s23 =	simm.s32 $0x2780;
	s0 =	simm.s32 $0x0;
	s16 =	sadd.s32 $0x9C40, s15  }
.LBB2_1:
0x1a: {  	s1 =	rddreg [dreg:$0x6];
	s3 =	simm.s32 $0x5F00  }
0x1b: {  	[tilespmem:s3], [sflag:$0x3] =	stream.linear.gather [hbm4b:s1+s5], $0x2710, $0x38;
	[tilespmem:$0x1C190] =	vst v63  }
0x1c: {  	_ =	swait.ge [sflag:s24], $0x2710  }
0x1d: {  	[sflag:s24] =	ssyncset.done $0x0  }
0x1e: {  	s6 =	simm.s32 $0x8610;
	s3 =	rddreg [dreg:$0x7];
	[sflag:s24] =	ssyncadd.s32 $0xFFFFD8F0  }
0x1f: {  	[tilespmem:s6], [sflag:$0x3] =	stream.linear.gather [hbm4b:s3+s5], $0x2710, $0x38;
	[tilespmem:$0x1C190] =	vst v63  }
0x20: {  	_ =	swait.ge [sflag:s24], $0x2710  }
0x21: {  	[sflag:s24] =	ssyncset.done $0x0  }
0x22: {  	s7 =	rddreg [dreg:$0x8];
	[sflag:s24] =	ssyncadd.s32 $0xFFFFD8F0  }
0x23: {  	[tilespmem:s26], [sflag:$0x3] =	stream.linear.gather [hbm4b:s7+s5], $0x2710, $0x38;
	[tilespmem:$0x1C190] =	vst v63  }
0x24: {  	_ =	swait.ge [sflag:s24], $0x2710  }
0x25: {  	[sflag:s24] =	ssyncset.done $0x0  }
0x26: {  	s9 =	simm.s32 $0xD430;
	s8 =	rddreg [dreg:$0x9];
	[sflag:s24] =	ssyncadd.s32 $0xFFFFD8F0  }
0x27: {  	[tilespmem:s9], [sflag:$0x3] =	stream.linear.gather [hbm4b:s8+s5], $0x2710, $0x38;
	[tilespmem:$0x1C190] =	vst v63  }
0x28: {  	_ =	swait.ge [sflag:s24], $0x2710  }
0x29: {  	s11 =	simm.s32 $0x10;
	[sflag:s24] =	ssyncset.done $0x0  }
0x2a: {  	s6 =	simm.s32 $0xFB40;
	s10 =	rddreg [dreg:$0xa];
	[sflag:s24] =	ssyncadd.s32 $0xFFFFD8F0  }
0x2b: {  	[tilespmem:s6], [sflag:$0x3] =	stream.strided.gather [hbm4b:s10+s11], $0x2710, s30, s11, $0x38;
	[tilespmem:$0x1C190] =	vst v63  }
0x2c: {  	_ =	swait.ge [sflag:s24], $0x2710  }
0x2d: {  	[sflag:s24] =	ssyncset.done $0x0  }
0x2e: {  	s7 =	simm.s32 $0x17070;
	s6 =	rddreg [dreg:$0x5];
	[sflag:s24] =	ssyncadd.s32 $0xFFFFD8F0  }
0x2f: {  	[tilespmem:s7], [sflag:$0x3] =	stream.linear.gather [hbm4b:s6+s5], $0x200, $0x38;
	[tilespmem:$0x1C190] =	vst v63  }
0x30: {  	_ =	swait.ge [sflag:s24], $0x200  }
0x31: {  	[sflag:s24] =	ssyncset.done $0x0  }
0x32: {  	[sflag:s24] =	ssyncadd.s32 $0xFFFFFE00  }
0x33: {  	s9 =	simm.s32 $0x17270;
	s8 =	rddreg [dreg:$0x1]  }
0x34: {  	[tilespmem:s9], [sflag:$0x3] =	stream.linear.gather [hbm4b:s8+s5], $0x10, $0x38;
	[tilespmem:$0x1C190] =	vst v63  }
0x35: {  	s10 =	stileid.u32;
	_ =	swait.ge [sflag:s24], $0x10  }
0x36: {  	s1 =	sshll.u32 s10, $0x6;
	[sflag:s24] =	ssyncset.done $0x0  }
0x37: {  	s29 =	sshrl.u32 s12, $0x3;
	s1 =	sor.u32 $0x1C03, s1;
	[sflag:s24] =	ssyncadd.s32 $0xFFFFFFF0  }
0x38: {  	[spmem:s29], [sflag:s1] =	dma.local [hbm:s13], $0x500  }
0x39: {  	_ =	swait.ge [sflag:s24], $0x500  }
0x3a: {  	[sflag:s24] =	ssyncset.done $0x0  }
0x3b: {  	[sflag:s24] =	ssyncadd.s32 $0xFFFFFB00  }
0x3c: {  	[tilespmem:s5], [sflag:$0x3] =	stream.linear.gather [hbm4b:s15+s5], $0x2700, $0x38;
	[tilespmem:$0x1C190] =	vst v63  }
0x3d: {  	_ =	swait.ge [sflag:s24], $0x2700  }
0x3e: {  	[sflag:s24] =	ssyncset.done $0x0  }
0x3f: {  	[sflag:s24] =	ssyncadd.s32 $0xFFFFD900  }
0x40: {  	[tilespmem:s23], [sflag:$0x3] =	stream.linear.gather [hbm4b:s16+s5], $0x2700, $0x38;
	[tilespmem:$0x1C190] =	vst v63  }
0x41: {  	_ =	swait.ge [sflag:s24], $0x2700  }
0x42: {  	[sflag:s24] =	ssyncset.done $0x0  }
0x43: {  	s3 =	simm.s32 @!p0 $0x0;
	s6 =	simm.s32 @!p0 $0x2700;
	[sflag:s24] =	ssyncadd.s32 $0xFFFFD900  }
0x44: {  	[tilespmem:s6], [sflag:$0x3] =	stream.linear.gather @!p0 [hbm4b:s17+s3], $0x80, $0x38;
	[tilespmem:$0x1C190] =	vst v63  }
0x45: {  	s6 =	simm.s32 @!p0 $0x3  }
0x46: {  	_ =	swait.ge @!p0 [sflag:s6], $0x80  }
0x47: {  	[sflag:s6] =	ssyncset.done @!p0 $0x0  }
0x48: {  	s7 =	simm.s32 @!p0 $0x4E80;
	[sflag:s6] =	ssyncadd.s32 @!p0 $0xFFFFFF80  }
0x49: {  	[tilespmem:s7], [sflag:$0x3] =	stream.linear.gather @!p0 [hbm4b:s18+s3], $0x80, $0x38;
	[tilespmem:$0x1C190] =	vst v63  }
0x4a: {  	_ =	swait.ge @!p0 [sflag:s6], $0x80  }
0x4b: {  	[sflag:s6] =	ssyncset.done @!p0 $0x0  }
0x4c: {  	[sflag:s6] =	ssyncadd.s32 @!p0 $0xFFFFFF80  }
0x4d: {  	v32 =	vld [tilespmem:$0x17270]  }
0x4e: {  	v25 =	vld [tilespmem:$0x17070]  }
0x4f: {  	v23 =	vld [tilespmem:$0x17080]  }
0x50: {  	v21 =	vld [tilespmem:$0x17090]  }
0x51: {  	v18 =	vld [tilespmem:$0x170A0]  }
0x52: {  	v16 =	vld [tilespmem:$0x170B0]  }
0x53: {  	v14 =	vld [tilespmem:$0x170C0]  }
0x54: {  	v12 =	vld [tilespmem:$0x170D0]  }
0x55: {  	v10 =	vld [tilespmem:$0x170E0]  }
0x56: {  	v7 =	vld [tilespmem:$0x170F0]  }
0x57: {  	s11 =	simm.s32 $0x0;
	v6 =	vld [tilespmem:$0x17100]  }
0x58: {  	v8 =	vld [tilespmem:s11+$0xD430]  }
0x59: {  	v9 =	vld [tilespmem:s11+$0xAD20]  }
0x5a: {  	v5 =	vld [tilespmem:$0x17110]  }
0x5b: {  	v4 =	vld [tilespmem:$0x17120]  }
0x5c: {  	v3 =	vld [tilespmem:$0x17130]  }
0x5d: {  	v2 =	vld [tilespmem:$0x17140]  }
0x5e: {  	v1 =	vld [tilespmem:$0x17150];
	v8 =	vadd.f32 v8, v9  }
0x5f: {  	v0 =	vld [tilespmem:$0x17160]  }
0x60: {  	v31 =	vld [tilespmem:$0x17170];
	v8 =	vmax.f32 v8, $1.000000000e+00  }
0x61: {  	v30 =	vld [tilespmem:$0x17180];
	(erf) = vrcp.f32 v8  }
0x62: {  	v29 =	vld [tilespmem:$0x17190]  }
0x63: {  	v9 =	vld [tilespmem:s11+$0x8610]  }
0x64: {  	v8 =	vld [tilespmem:s11+$0x5F00]  }
0x65: {  	v28 =	vld [tilespmem:$0x171A0]  }
0x66: {  	v27 =	vld [tilespmem:$0x171B0]  }
0x67: {  	v26 =	vld [tilespmem:$0x171C0]  }
0x68: {  	v24 =	vld [tilespmem:$0x171D0]  }
0x69: {  	v22 =	vld [tilespmem:$0x171E0];
	v8 =	vadd.f32 v9, v8  }
0x6a: {  	v9 =	vld [tilespmem:s11+$0xFB40];
	v33 =	vpop (erf)  }
0x6b: {  	v20 =	vld [tilespmem:$0x171F0];
	v8 =	vmul.f32 v33, v8  }
0x6c: {  	v19 =	vld [tilespmem:$0x17200]  }
0x6d: {  	v17 =	vld [tilespmem:$0x17210];
	v8 =	vadd.f32 v8, v32  }
0x6e: {  	v15 =	vld [tilespmem:$0x17220]  }
0x6f: {  	v13 =	vld [tilespmem:$0x17230];
	v34 =	vadd.f32 v8, v9  }
0x70: {  	v11 =	vld [tilespmem:$0x17240]  }
0x71: {  	v9 =	vld [tilespmem:$0x17250];
	v34 =	vmax.f32 v34, $0.0e+00  }
0x72: {  	s3 =	simm.s32 $0x12260;
	v8 =	vld [tilespmem:$0x17260];
	[tilespmem:s11+$0x5F00] =	vst v34  }
0x73: {  	s6 =	simm.s32 $0x10;
	[tilespmem:s3+$0x0] =	vst v33  }
0x74: {  	v33 =	vld [tilespmem:s6+$0xD430]  }
0x75: {  	s7 =	simm.s32 $0x80;
	v34 =	vld [tilespmem:s6+$0xAD20]  }
.LBB2_2:
0x76: {  	p2 =	sne.s32 s7, $0x9C00;
	_ =	sdelay $0x3  }
0x77: {  	v33 =	vadd.f32 v33, v34;
	_ =	sdelay $0x1  }
0x78: {  	v33 =	vmax.f32 v33, $1.000000000e+00  }
0x79: {  	(erf) = vrcp.f32 v33;
	_ =	sdelay $0x1  }
0x7a: {  	v33 =	vld [tilespmem:s6+$0x5F00]  }
0x7b: {  	v34 =	vld [tilespmem:s6+$0x8610];
	_ =	sdelay $0x4  }
0x7c: {  	v33 =	vadd.f32 v34, v33  }
0x7d: {  	v34 =	vld [tilespmem:s6+$0xFB40];
	v35 =	vpop (erf)  }
0x7e: {  	v33 =	vmul.f32 v35, v33;
	_ =	sdelay $0x1  }
0x7f: {  	v33 =	vadd.f32 v33, v32;
	_ =	sdelay $0x1  }
0x80: {  	v33 =	vadd.f32 v33, v34;
	_ =	sdelay $0x1  }
.Ltmp0:
0x81: {  	v33 =	vmax.f32 v33, $0.0e+00;
	(pc) =	sbr.rel @p2 .LBB2_2-.Ltmp0, $4  }
0x82: {  	s3 =	sadd.s32 $0x20, s3;
	[tilespmem:s6+$0x5F00] =	vst v33  }
0x83: {  	s6 =	sshra.s32 s7, $0x2;
	[tilespmem:s3+$0x0] =	vst v35  }
0x84: {  	v33 =	vld [tilespmem:s6+$0xD430]  }
0x85: {  	s7 =	sadd.s32 $0x40, s7;
	v34 =	vld [tilespmem:s6+$0xAD20]  }
0x86: {  	_ =	sdelay $0x3  }
0x87: {  	v33 =	vadd.f32 v33, v34;
	_ =	sdelay $0x1  }
0x88: {  	v33 =	vmax.f32 v33, $1.000000000e+00  }
0x89: {  	(erf) = vrcp.f32 v33;
	_ =	sdelay $0x1  }
0x8a: {  	v44 =	vld [tilespmem:s6+$0x5F00]  }
0x8b: {  	v45 =	vld [tilespmem:s6+$0x8610];
	_ =	sdelay $0x4  }
0x8c: {  	v33 =	vadd.f32 v45, v44  }
0x8d: {  	v46 =	vld [tilespmem:s6+$0xFB40];
	v35 =	vpop (erf)  }
0x8e: {  	v33 =	vmul.f32 v35, v33;
	_ =	sdelay $0x1  }
0x8f: {  	v32 =	vadd.f32 v33, v32;
	_ =	sdelay $0x1  }
0x90: {  	v32 =	vadd.f32 v32, v46;
	_ =	sdelay $0x1  }
0x91: {  	v32 =	vmax.f32 v32, $0.0e+00  }
0x92: {  	s3 =	sadd.s32 $0x20, s3;
	[tilespmem:s6+$0x5F00] =	vst v32  }
0x93: {  	s11 =	simm.s32 $0x0;
	[tilespmem:s3+$0x0] =	vst v35  }
0x94: {  	v32 =	vld [tilespmem:s11+$0x5F00];
	_ =	sdelay $0x4  }
0x95: {  	v47 =	vbroadcast v32, $0x0;
	_ =	sdelay $0x1  }
0x96: {  	v49 =	vbroadcast v32, $0x1;
	v48 =	vmul.f32 v47, v25  }
0x97: {  	v33 =	vmul.f32 v47, v31  }
0x98: {  	v37 =	vbroadcast v32, $0x2;
	v36 =	vmul.f32 v49, v23;
	v34 =	vadd.f32 $0.0e+00, v48  }
0x99: {  	v35 =	vmul.f32 v49, v30;
	v33 =	vadd.f32 $0.0e+00, v33  }
0x9a: {  	v38 =	vbroadcast v32, $0x3;
	v50 =	vmul.f32 v37, v21;
	v34 =	vadd.f32 v34, v36  }
0x9b: {  	v51 =	vmul.f32 v37, v29;
	v33 =	vadd.f32 v33, v35  }
0x9c: {  	v53 =	vbroadcast v32, $0x4;
	v52 =	vmul.f32 v38, v18;
	v34 =	vadd.f32 v34, v50  }
0x9d: {  	v54 =	vmul.f32 v38, v28;
	v33 =	vadd.f32 v33, v51  }
0x9e: {  	v56 =	vbroadcast v32, $0x5;
	v55 =	vmul.f32 v53, v16;
	v34 =	vadd.f32 v34, v52  }
0x9f: {  	v57 =	vmul.f32 v53, v27;
	v33 =	vadd.f32 v33, v54  }
0xa0: {  	v59 =	vbroadcast v32, $0x6;
	v58 =	vmul.f32 v56, v14;
	v34 =	vadd.f32 v34, v55  }
0xa1: {  	v60 =	vmul.f32 v56, v26;
	v33 =	vadd.f32 v33, v57  }
0xa2: {  	v62 =	vbroadcast v32, $0x7;
	v61 =	vmul.f32 v59, v12;
	v34 =	vadd.f32 v34, v58  }
0xa3: {  	v63 =	vmul.f32 v59, v24;
	v33 =	vadd.f32 v33, v60  }
0xa4: {  	v41 =	vbroadcast v32, $0x8;
	v40 =	vmul.f32 v62, v10;
	v34 =	vadd.f32 v34, v61  }
0xa5: {  	v42 =	vmul.f32 v62, v22;
	v33 =	vadd.f32 v33, v63  }
0xa6: {  	v44 =	vbroadcast v32, $0x9;
	v43 =	vmul.f32 v41, v7;
	v34 =	vadd.f32 v34, v40  }
0xa7: {  	v45 =	vmul.f32 v41, v20;
	v33 =	vadd.f32 v33, v42  }
0xa8: {  	v46 =	vmul.f32 v44, v6;
	v47 =	vbroadcast v32, $0xA;
	v34 =	vadd.f32 v34, v43  }
0xa9: {  	v48 =	vmul.f32 v44, v19;
	v33 =	vadd.f32 v33, v45  }
0xaa: {  	v49 =	vmul.f32 v47, v5;
	v50 =	vbroadcast v32, $0xB;
	v34 =	vadd.f32 v34, v46  }
0xab: {  	v51 =	vmul.f32 v47, v17;
	v33 =	vadd.f32 v33, v48  }
0xac: {  	v53 =	vbroadcast v32, $0xC;
	v52 =	vmul.f32 v50, v4;
	v34 =	vadd.f32 v34, v49  }
0xad: {  	v54 =	vmul.f32 v50, v15;
	v33 =	vadd.f32 v33, v51  }
0xae: {  	v56 =	vbroadcast v32, $0xD;
	v55 =	vmul.f32 v53, v3;
	v34 =	vadd.f32 v34, v52  }
0xaf: {  	v57 =	vmul.f32 v53, v13;
	v33 =	vadd.f32 v33, v54  }
0xb0: {  	v59 =	vbroadcast v32, $0xE;
	v58 =	vmul.f32 v56, v2;
	v34 =	vadd.f32 v34, v55  }
0xb1: {  	v60 =	vmul.f32 v56, v11;
	v33 =	vadd.f32 v33, v57  }
0xb2: {  	v32 =	vbroadcast v32, $0xF;
	v61 =	vmul.f32 v59, v1;
	v34 =	vadd.f32 v34, v58  }
0xb3: {  	v62 =	vmul.f32 v59, v9;
	v33 =	vadd.f32 v33, v60  }
0xb4: {  	v63 =	vmul.f32 v32, v0;
	v34 =	vadd.f32 v34, v61  }
0xb5: {  	v32 =	vmul.f32 v32, v8;
	v33 =	vadd.f32 v33, v62  }
0xb6: {  	v34 =	vadd.f32 v34, v63  }
0xb7: {  	v32 =	vadd.f32 v33, v32  }
0xb8: {  	s3 =	simm.s32 $0x12250;
	[tilespmem:s11+$0xAD20] =	vst v34  }
0xb9: {  	s6 =	simm.s32 $0x10;
	[tilespmem:s3+$0x0] =	vst v32  }
0xba: {  	s7 =	simm.s32 $0x80;
	v32 =	vld [tilespmem:s6+$0x5F00]  }
.LBB2_4:
0xbb: {  	p2 =	sne.s32 s7, $0x9C00;
	_ =	sdelay $0x3  }
0xbc: {  	v33 =	vbroadcast v32, $0x0;
	_ =	sdelay $0x1  }
0xbd: {  	v35 =	vbroadcast v32, $0x1;
	v34 =	vmul.f32 v33, v25  }
0xbe: {  	v33 =	vmul.f32 v33, v31  }
0xbf: {  	v37 =	vbroadcast v32, $0x2;
	v36 =	vmul.f32 v35, v23;
	v34 =	vadd.f32 $0.0e+00, v34  }
0xc0: {  	v35 =	vmul.f32 v35, v30;
	v33 =	vadd.f32 $0.0e+00, v33  }
0xc1: {  	v38 =	vbroadcast v32, $0x3;
	v34 =	vadd.f32 v34, v36;
	v36 =	vmul.f32 v37, v21  }
0xc2: {  	v33 =	vadd.f32 v33, v35;
	v35 =	vmul.f32 v37, v29  }
0xc3: {  	v37 =	vbroadcast v32, $0x4;
	v34 =	vadd.f32 v34, v36;
	v36 =	vmul.f32 v38, v18  }
0xc4: {  	v33 =	vadd.f32 v33, v35;
	v35 =	vmul.f32 v38, v28  }
0xc5: {  	v38 =	vbroadcast v32, $0x5;
	v34 =	vadd.f32 v34, v36;
	v36 =	vmul.f32 v37, v16  }
0xc6: {  	v33 =	vadd.f32 v33, v35;
	v35 =	vmul.f32 v37, v27  }
0xc7: {  	v37 =	vbroadcast v32, $0x6;
	v34 =	vadd.f32 v34, v36;
	v36 =	vmul.f32 v38, v14  }
0xc8: {  	v33 =	vadd.f32 v33, v35;
	v35 =	vmul.f32 v38, v26  }
0xc9: {  	v38 =	vbroadcast v32, $0x7;
	v34 =	vadd.f32 v34, v36;
	v36 =	vmul.f32 v37, v12  }
0xca: {  	v33 =	vadd.f32 v33, v35;
	v35 =	vmul.f32 v37, v24  }
0xcb: {  	v37 =	vbroadcast v32, $0x8;
	v34 =	vadd.f32 v34, v36;
	v36 =	vmul.f32 v38, v10  }
0xcc: {  	v33 =	vadd.f32 v33, v35;
	v35 =	vmul.f32 v38, v22  }
0xcd: {  	v38 =	vbroadcast v32, $0x9;
	v34 =	vadd.f32 v34, v36;
	v36 =	vmul.f32 v37, v7  }
0xce: {  	v33 =	vadd.f32 v33, v35;
	v35 =	vmul.f32 v37, v20  }
0xcf: {  	v37 =	vbroadcast v32, $0xA;
	v34 =	vadd.f32 v34, v36;
	v36 =	vmul.f32 v38, v6  }
0xd0: {  	v33 =	vadd.f32 v33, v35;
	v35 =	vmul.f32 v38, v19  }
0xd1: {  	v38 =	vbroadcast v32, $0xB;
	v34 =	vadd.f32 v34, v36;
	v36 =	vmul.f32 v37, v5  }
0xd2: {  	v33 =	vadd.f32 v33, v35;
	v35 =	vmul.f32 v37, v17  }
0xd3: {  	v37 =	vbroadcast v32, $0xC;
	v34 =	vadd.f32 v34, v36;
	v36 =	vmul.f32 v38, v4  }
0xd4: {  	v33 =	vadd.f32 v33, v35;
	v35 =	vmul.f32 v38, v15  }
0xd5: {  	v38 =	vbroadcast v32, $0xD;
	v34 =	vadd.f32 v34, v36;
	v36 =	vmul.f32 v37, v3  }
0xd6: {  	v33 =	vadd.f32 v33, v35;
	v35 =	vmul.f32 v37, v13  }
0xd7: {  	v37 =	vbroadcast v32, $0xE;
	v34 =	vadd.f32 v34, v36;
	v36 =	vmul.f32 v38, v2  }
0xd8: {  	v33 =	vadd.f32 v33, v35;
	v35 =	vmul.f32 v38, v11  }
0xd9: {  	v32 =	vbroadcast v32, $0xF;
	v34 =	vadd.f32 v34, v36;
	v36 =	vmul.f32 v37, v1  }
0xda: {  	v33 =	vadd.f32 v33, v35;
	v35 =	vmul.f32 v37, v9  }
0xdb: {  	v34 =	vadd.f32 v34, v36;
	v36 =	vmul.f32 v32, v0  }
0xdc: {  	v33 =	vadd.f32 v33, v35;
	v32 =	vmul.f32 v32, v8  }
.Ltmp1:
0xdd: {  	v34 =	vadd.f32 v34, v36;
	(pc) =	sbr.rel @p2 .LBB2_4-.Ltmp1, $4  }
0xde: {  	v32 =	vadd.f32 v33, v32  }
0xdf: {  	s3 =	sadd.s32 $0x20, s3;
	[tilespmem:s6+$0xAD20] =	vst v34  }
0xe0: {  	s6 =	sshra.s32 s7, $0x2;
	[tilespmem:s3+$0x0] =	vst v32  }
0xe1: {  	s7 =	sadd.s32 $0x40, s7;
	v32 =	vld [tilespmem:s6+$0x5F00]  }
0xe2: {  	_ =	sdelay $0x3  }
0xe3: {  	v33 =	vbroadcast v32, $0x0;
	_ =	sdelay $0x1  }
0xe4: {  	v34 =	vbroadcast v32, $0x1;
	v25 =	vmul.f32 v33, v25  }
0xe5: {  	v31 =	vmul.f32 v33, v31  }
0xe6: {  	v48 =	vbroadcast v32, $0x2;
	v23 =	vmul.f32 v34, v23;
	v25 =	vadd.f32 $0.0e+00, v25  }
0xe7: {  	v30 =	vmul.f32 v34, v30;
	v31 =	vadd.f32 $0.0e+00, v31  }
0xe8: {  	v49 =	vbroadcast v32, $0x3;
	v21 =	vmul.f32 v48, v21;
	v23 =	vadd.f32 v25, v23  }
0xe9: {  	v29 =	vmul.f32 v48, v29;
	v30 =	vadd.f32 v31, v30  }
0xea: {  	v50 =	vbroadcast v32, $0x4;
	v18 =	vmul.f32 v49, v18;
	v21 =	vadd.f32 v23, v21  }
0xeb: {  	v25 =	vmul.f32 v49, v28;
	v29 =	vadd.f32 v30, v29  }
0xec: {  	v51 =	vbroadcast v32, $0x5;
	v16 =	vmul.f32 v50, v16;
	v18 =	vadd.f32 v21, v18  }
0xed: {  	v23 =	vmul.f32 v50, v27;
	v25 =	vadd.f32 v29, v25  }
0xee: {  	v52 =	vbroadcast v32, $0x6;
	v14 =	vmul.f32 v51, v14;
	v16 =	vadd.f32 v18, v16  }
0xef: {  	v21 =	vmul.f32 v51, v26;
	v23 =	vadd.f32 v25, v23  }
0xf0: {  	v53 =	vbroadcast v32, $0x7;
	v12 =	vmul.f32 v52, v12;
	v14 =	vadd.f32 v16, v14  }
0xf1: {  	v18 =	vmul.f32 v52, v24;
	v21 =	vadd.f32 v23, v21  }
0xf2: {  	v54 =	vbroadcast v32, $0x8;
	v10 =	vmul.f32 v53, v10;
	v12 =	vadd.f32 v14, v12  }
0xf3: {  	v16 =	vmul.f32 v53, v22;
	v18 =	vadd.f32 v21, v18  }
0xf4: {  	v55 =	vbroadcast v32, $0x9;
	v7 =	vmul.f32 v54, v7;
	v10 =	vadd.f32 v12, v10  }
0xf5: {  	v14 =	vmul.f32 v54, v20;
	v16 =	vadd.f32 v18, v16  }
0xf6: {  	v56 =	vbroadcast v32, $0xA;
	v6 =	vmul.f32 v55, v6;
	v7 =	vadd.f32 v10, v7  }
0xf7: {  	v12 =	vmul.f32 v55, v19;
	v14 =	vadd.f32 v16, v14  }
0xf8: {  	v57 =	vbroadcast v32, $0xB;
	v5 =	vmul.f32 v56, v5;
	v6 =	vadd.f32 v7, v6  }
0xf9: {  	v10 =	vmul.f32 v56, v17;
	v12 =	vadd.f32 v14, v12  }
0xfa: {  	v58 =	vbroadcast v32, $0xC;
	v4 =	vmul.f32 v57, v4;
	v5 =	vadd.f32 v6, v5  }
0xfb: {  	v7 =	vmul.f32 v57, v15;
	v10 =	vadd.f32 v12, v10  }
0xfc: {  	v59 =	vbroadcast v32, $0xD;
	v3 =	vmul.f32 v58, v3;
	v4 =	vadd.f32 v5, v4  }
0xfd: {  	v6 =	vmul.f32 v58, v13;
	v7 =	vadd.f32 v10, v7  }
0xfe: {  	v60 =	vbroadcast v32, $0xE;
	v2 =	vmul.f32 v59, v2;
	v3 =	vadd.f32 v4, v3  }
0xff: {  	v5 =	vmul.f32 v59, v11;
	v6 =	vadd.f32 v7, v6  }
0x100: {  	v61 =	vbroadcast v32, $0xF;
	v1 =	vmul.f32 v60, v1;
	v2 =	vadd.f32 v3, v2  }
0x101: {  	v4 =	vmul.f32 v60, v9;
	v5 =	vadd.f32 v6, v5  }
0x102: {  	v0 =	vmul.f32 v61, v0;
	v1 =	vadd.f32 v2, v1  }
0x103: {  	v3 =	vmul.f32 v61, v8;
	v62 =	vadd.f32 v5, v4  }
0x104: {  	v0 =	vadd.f32 v1, v0  }
0x105: {  	v63 =	vadd.f32 v62, v3  }
0x106: {  	s3 =	sadd.s32 $0x20, s3;
	[tilespmem:s6+$0xAD20] =	vst v0  }
0x107: {  	[tilespmem:s3+$0x0] =	vst v63  }
0x108: {  	[spmem:s19] =	stream.linear.scatter [tilespmem:s26], [sflag:$0x3], $0x2710, $0x38;
	[tilespmem:$0x1C190] =	vst v63  }
0x109: {  	_ =	swait.ge [sflag:s24], $0x2710  }
0x10a: {  	[sflag:s24] =	ssyncset.done $0x0  }
0x10b: {  	s6 =	simm.s32 @!p1 $0x12250;
	s3 =	simm.s32 @!p1 $0x0;
	[sflag:s24] =	ssyncadd.s32 $0xFFFFD8F0  }
0x10c: {  	[hbm4b:s20+s3] =	stream.linear.scatter @!p1 [tilespmem:s6], [sflag:$0x3], $0x4E20, $0x38;
	[tilespmem:$0x1C190] =	vst v63  }
0x10d: {  	s3 =	simm.s32 @!p1 $0x3  }
0x10e: {  	_ =	swait.ge @!p1 [sflag:s3], $0x4E20  }
0x10f: {  	[sflag:s3] =	ssyncset.done @!p1 $0x0  }
0x110: {  	[sflag:s3] =	ssyncadd.s32 @!p1 $0xFFFFB1E0  }
0x111: {  	[bflag:$0x0] =	sbarrier.arrive $0xFFFF  }
0x112: {  	[tilespmem:s25], [sflag:$0x1] =	stream.indirect.gather [spmem:s4], $0x10, s5, s30, $0xb8;
	[tilespmem:$0x1C190] =	vst v63  }
0x113: {  	_ =	swait.ge [sflag:s28], $0x800  }
0x114: {  	[sflag:s28] =	ssyncset.done $0x0  }
0x115: {  	s9 =	simm.s32 $0x5700;
	[sflag:s28] =	ssyncadd.s32 $0xFFFFF800  }
0x116: {  	[tilespmem:s9], [sflag:$0x1] =	stream.indirect.gather [spmem:s4], $0x10, s30, s30, $0xb8;
	[tilespmem:$0x1C190] =	vst v63  }
0x117: {  	_ = 	snop  }
0x118: {  	[spmem:s2] =	stream.indirect.scatter.add.f32 [tilespmem:s25], [sflag:$0x2], $0x10, s23, s30, $0xb8;
	[tilespmem:$0x1C190] =	vst v63  }
0x119: {  	_ =	swait.ge [sflag:s28], $0x800  }
0x11a: {  	s10 =	simm.s32 $0x1;
	s11 =	simm.s32 $0x100;
	[sflag:s28] =	ssyncset.done $0x0  }
0x11b: {  	p2 =	sne.s32 s14, $0x3;
	s6 =	simm.s32 $0x2880;
	[sflag:s28] =	ssyncadd.s32 $0xFFFFF800  }
.Ltmp2:
0x11c: {  	s3 =	sand.u32 $0x1, s10;
	_ =	swait.ge [sflag:s31], $0x800;
	(pc) =	sbr.rel @!p2 .LBB2_7-.Ltmp2, $4  }
0x11d: {  	s8 =	sshll.u32 s3, $0xB;
	s3 =	simm.s32 $0x2;
	[sflag:s31] =	ssyncset.done $0x0  }
0x11e: {  	s7 =	ssub.s32 $0x5700, s8;
	s10 =	sadd.s32 $0x4F00, s8;
	[sflag:s31] =	ssyncadd.s32 $0xFFFFF800  }
0x11f: {  	[tilespmem:s7], [sflag:$0x1] =	stream.indirect.gather [spmem:s4], $0x10, s11, s30, $0xb8;
	[tilespmem:$0x1C190] =	vst v63  }
0x120: {  	s8 =	simm.s32 $0x180;
	s9 =	simm.s32 $0x2800;
	s7 =	simm.s32 $0x3  }
.LBB2_6:
0x121: {  	s3 =	smov.u32 s7  }
0x122: {  	[spmem:s2] =	stream.indirect.scatter.add.f32 [tilespmem:s10], [sflag:$0x2], $0x10, s9, s30, $0xb8;
	[tilespmem:$0x1C190] =	vst v63  }
0x123: {  	s10 =	smov.u32 s7;
	s7 =	sadd.s32 $0x1, s7;
	_ =	swait.ge [sflag:s28], $0x800  }
0x124: {  	s9 =	smov.u32 s6;
	p2 =	sne.s32 s14, s7;
	[sflag:s28] =	ssyncset.done $0x0  }
0x125: {  	s10 =	sadd.s32 $0xFFFFFFFF, s10;
	[sflag:s28] =	ssyncadd.s32 $0xFFFFF800  }
.Ltmp3:
0x126: {  	s10 =	sand.u32 $0x1, s10;
	_ =	swait.ge [sflag:s31], $0x800;
	(pc) =	sbr.rel @p2 .LBB2_6-.Ltmp3, $4  }
0x127: {  	s10 =	sshll.u32 s10, $0xB;
	[sflag:s31] =	ssyncset.done $0x0  }
0x128: {  	s11 =	ssub.s32 $0x5700, s10;
	[sflag:s31] =	ssyncadd.s32 $0xFFFFF800  }
0x129: {  	[tilespmem:s11], [sflag:$0x1] =	stream.indirect.gather [spmem:s4], $0x10, s8, s30, $0xb8;
	[tilespmem:$0x1C190] =	vst v63  }
0x12a: {  	s6 =	sadd.s32 $0x80, s6;
	s10 =	sadd.s32 $0x4F00, s10;
	s8 =	sadd.s32 $0x80, s8  }
.LBB2_7:
0x12b: {  	[spmem:s2] =	stream.indirect.scatter.add.f32 [tilespmem:s10], [sflag:$0x2], $0x10, s9, s30, $0xb8;
	[tilespmem:$0x1C190] =	vst v63  }
0x12c: {  	_ =	swait.ge [sflag:s28], $0x800  }
0x12d: {  	[sflag:s28] =	ssyncset.done $0x0  }
0x12e: {  	[sflag:s28] =	ssyncadd.s32 $0xFFFFF800  }
0x12f: {  	s3 =	sand.u32 $0x1, s3;
	_ =	swait.ge [sflag:s31], $0x800  }
0x130: {  	s3 =	sshll.u32 s3, $0xB;
	[sflag:s31] =	ssyncset.done $0x0  }
0x131: {  	s3 =	sadd.s32 $0x4F00, s3;
	[sflag:s31] =	ssyncadd.s32 $0xFFFFF800  }
0x132: {  	[spmem:s2] =	stream.indirect.scatter.add.f32 [tilespmem:s3], [sflag:$0x2], $0x10, s6, s30, $0xb8;
	[tilespmem:$0x1C190] =	vst v63  }
0x133: {  	_ =	swait.ge [sflag:s31], $0x800  }
0x134: {  	s0 =	sadd.s32 $0x1, s0;
	[sflag:s31] =	ssyncset.done $0x0  }
0x135: {  	p2 =	sne.s32 s0, s22;
	[sflag:s31] =	ssyncadd.s32 $0xFFFFF800  }
.Ltmp4:
0x136: {  	[bflag:$0x0] =	sbarrier.arrive $0xFFFF;
	(pc) =	sbr.rel @p2 .LBB2_1-.Ltmp4, $4  }
0x137: {  	[hbm:s21], [sflag:s1] =	dma.local [spmem:s29], $0x500  }
0x138: {  	_ =	swait.ge [sflag:s24], $0x500  }
0x139: {  	[sflag:s24] =	ssyncset.done $0x0  }
0x13a: {  	[sflag:s24] =	ssyncadd.s32 $0xFFFFFB00  }
0x13b: {  	_ =	sfence.sel $0x180000  }
0x13c: {  	[bflag:$0x0] =	sbarrier.arrive $0xFFFF  }
0x13d: {  	_ =	strace $0x9000004A  }
0x13e: {  	s0 =	stileid.u32;
	[bflag:$0x2] =	sbarrier.arrive $0xFFFF  }
0x13f: {  	p0 =	sne.s32 s0, $0x0;
	s0 =	rddreg [dreg:$0x4]  }
0x140: {  	s0 =	sadd.s32 @!p0 $0x100000, s0  }
0x141: {  	[sflag:s0] =	ssyncadd.tile.s32 @!p0 $0x1;
	_ =	shalt  }
.Lfunc_end2:
_tile_overlayer_lowered:
.L_overlay_start_2:
0x142: {  	(tag) =	ssettag $0x2  }
0x143: {  	s0 =	rddreg [dreg:$0x0];
	s2 =	stileid.u32  }
0x144: {  	s1 =	rddreg [dreg:$0x1];
	p0 =	sne.s32 s2, $0x0  }
0x145: {  	s3 =	rddreg [dreg:$0x2];
	[bflag:$0x3] =	sbarrier.arrive $0xFFFF;
	s2 =	simm.s32 @!p0 $0x1C03  }
0x146: {  	[timem:s3], [sflag:s2] =	dma.local @!p0 [hbm:s0], s1  }
0x147: {  	s0 =	simm.s32 @!p0 $0x3  }
0x148: {  	_ =	swait.ge @!p0 [sflag:s0], s1  }
0x149: {  	s1 =	ssub.s32 @!p0 $0x0, s1;
	[sflag:s0] =	ssyncset.done @!p0 $0x0  }
0x14a: {  	[sflag:s0] =	ssyncadd.s32 @!p0 s1  }
0x14b: {  	[bflag:$0x3] =	sbarrier.arrive $0xFFFF  }
0x14c: {  	_ =	shalt  }

</sc_bundles>
